<compile_context>
chip_gen: v7x
topology: tpu7x:2x2x1
jax: 0.10.2.dev20260603
libtpu: 0.0.44.dev20260713+nightly
codegen_flags: <defaults>
</compile_context>

<pallas_src>
import functools

import jax
import jax.numpy as jnp
from jax import lax
from jax.experimental import pallas as pl
from jax.experimental.pallas import tpu as pltpu
from jax.experimental.pallas import tpu_sc as plsc

_TOP_K = 50
_MIN_KEEP = 5
_RB = 8
_CH = 1024
_POS_BIG = 3e38
_NEG = -3e38
_PAD_VAL = -1e30
_NC = 2
_NS = 16
_LIDS = 256


def _sc_penalty_body(mpf_hbm, ids_hbm, pen_hbm, tok_hbm,
                     ids_v, idx_v, vals_v, pen_v, sem):
    vpad = mpf_hbm.shape[0] // ids_hbm.shape[0]
    rows_per_w = ids_hbm.shape[0] // (_NC * _NS)
    wid = lax.axis_index("s") * _NC + lax.axis_index("c")
    pltpu.sync_copy(pen_hbm, pen_v)
    pv = pen_v[...]
    nh = _LIDS // 128
    for j in range(rows_per_w):
        r = wid * rows_per_w + j
        pltpu.sync_copy(ids_hbm.at[r], ids_v)
        for h in range(nh):
            for k in range(128 // 16):
                iv = ids_v[h, pl.ds(k * 16, 16)]
                idx_v[h, pl.ds(k * 16, 16)] = iv + r * vpad
        gathers = [
            pltpu.async_copy(mpf_hbm.at[idx_v.at[h]], vals_v.at[h], sem)
            for h in range(nh)]
        for g in gathers:
            g.wait()
        for h in range(nh):
            for k in range(128 // 16):
                x = vals_v[h, pl.ds(k * 16, 16)]
                vals_v[h, pl.ds(k * 16, 16)] = jnp.where(x < 0, x * pv, x / pv)
        scatters = [
            pltpu.async_copy(vals_v.at[h], mpf_hbm.at[idx_v.at[h]], sem)
            for h in range(nh)]
        for s in scatters:
            s.wait()
    pltpu.sync_copy(pen_v, tok_hbm.at[wid])


def _apply_penalty_sc(mpf, B, vpad, input_ids, penalty):
    L = input_ids.shape[1]
    ids_p = jnp.pad(input_ids, ((0, 0), (0, _LIDS - L)), mode="edge")
    ids_p = ids_p.reshape(B, _LIDS // 128, 128)
    pen16 = jnp.broadcast_to(penalty.reshape(1), (16,))
    mesh = plsc.VectorSubcoreMesh(core_axis_name="c", subcore_axis_name="s")
    fn = functools.partial(
        pl.kernel,
        mesh=mesh,
        out_type=jax.ShapeDtypeStruct((_NC * _NS, 16), jnp.float32),
        scratch_types=[
            pltpu.VMEM((_LIDS // 128, 128), jnp.int32),
            pltpu.VMEM((_LIDS // 128, 128), jnp.int32),
            pltpu.VMEM((_LIDS // 128, 128), jnp.float32),
            pltpu.VMEM((16,), jnp.float32),
            pltpu.SemaphoreType.DMA,
        ],
        compiler_params=pltpu.CompilerParams(has_side_effects=True),
    )(_sc_penalty_body)
    token = fn(mpf, ids_p, pen16)
    mpf_dep, _ = lax.optimization_barrier((mpf, token))
    return mpf_dep.reshape(B, vpad)


def _tc_body(m_ref, vals_ref, tok_ref):
    vpad = m_ref.shape[1]
    nch = vpad // _CH
    nchp = 128

    lane_nch = lax.broadcasted_iota(jnp.int32, (_RB, nchp), 1)
    lane_nch1 = lax.broadcasted_iota(jnp.int32, (1, nchp), 1)
    lane64 = lax.broadcasted_iota(jnp.int32, (1, 64), 1)
    iotc = lax.broadcasted_iota(jnp.int32, (1, _CH), 1)

    cm = jnp.full((_RB, nchp), _NEG, jnp.float32)
    for c in range(nch):
        xc = m_ref[:, c * _CH:(c + 1) * _CH]
        cmx = jnp.max(xc, axis=1, keepdims=True)
        cm = jnp.where(lane_nch == c, cmx, cm)

    def extract_body(k, carry):
        vals_l, toks_l, cm_l, vlast_l, ilast_l = carry
        new = [[], [], [], [], []]
        for r in range(_RB):
            cm_r = cm_l[r]
            vlast = vlast_l[r]
            ilast = ilast_l[r]
            vmax = jnp.max(cm_r, axis=1, keepdims=True)
            c_idx = jnp.min(jnp.where(cm_r == vmax, lane_nch1, nch))
            off = pl.multiple_of(c_idx * _CH, _CH)
            chunk = m_ref[pl.ds(r, 1), pl.ds(off, _CH)]
            iotg = iotc + off
            hit = (chunk == vmax) & ((vmax < vlast) | (iotg > ilast))
            lidx = jnp.min(jnp.where(hit, iotg, jnp.int32(2**31 - 1)),
                           axis=1, keepdims=True)
            elig = (chunk < vmax) | ((chunk == vmax) & (iotg > lidx))
            ncm = jnp.max(jnp.where(elig, chunk, _NEG),
                          axis=1, keepdims=True)
            new[0].append(jnp.where(lane64 == k, vmax, vals_l[r]))
            new[1].append(jnp.where(lane64 == k, lidx, toks_l[r]))
            new[2].append(jnp.where(lane_nch1 == c_idx, ncm, cm_r))
            new[3].append(vmax)
            new[4].append(lidx)
        return tuple(tuple(x) for x in new)

    init = (tuple(jnp.full((1, 64), _NEG, jnp.float32) for _ in range(_RB)),
            tuple(jnp.zeros((1, 64), jnp.int32) for _ in range(_RB)),
            tuple(cm[r, :][None, :] for r in range(_RB)),
            tuple(jnp.full((1, 1), _POS_BIG, jnp.float32)
                  for _ in range(_RB)),
            tuple(jnp.full((1, 1), -1, jnp.int32) for _ in range(_RB)))
    vals_l, toks_l, _, _, _ = lax.fori_loop(0, _TOP_K, extract_body, init)
    vals = jnp.concatenate(list(vals_l), axis=0)
    toks = jnp.concatenate(list(toks_l), axis=0)

    vals_ref[...] = vals[:, :_TOP_K]
    tok_ref[...] = toks[:, :_TOP_K]


@jax.jit
def kernel(m_logits, input_ids, top_p, temperature, penalty):
    B, V = m_logits.shape
    vpad = ((V + _CH - 1) // _CH) * _CH
    mp = jnp.pad(m_logits, ((0, 0), (0, vpad - V)), constant_values=_PAD_VAL)
    mp = _apply_penalty_sc(mp.reshape(-1), B, vpad, input_ids, penalty)
    vals, tok = pl.pallas_call(
        _tc_body,
        grid=(B // _RB,),
        in_specs=[
            pl.BlockSpec((_RB, vpad), lambda i: (i, 0)),
        ],
        out_specs=[
            pl.BlockSpec((_RB, _TOP_K), lambda i: (i, 0)),
            pl.BlockSpec((_RB, _TOP_K), lambda i: (i, 0)),
        ],
        out_shape=[
            jax.ShapeDtypeStruct((B, _TOP_K), jnp.float32),
            jax.ShapeDtypeStruct((B, _TOP_K), jnp.int32),
        ],
    )(mp)
    logits = vals / temperature
    cumulative_probs = jnp.cumsum(jax.nn.softmax(logits, axis=1), axis=1)
    mask = cumulative_probs < top_p
    keep = jnp.zeros((1, _TOP_K), dtype=bool).at[0, :_MIN_KEEP].set(True)
    mask = mask | keep
    filtered_logits = jnp.where(mask, logits, jnp.float32(-1000.0))
    probs = jax.nn.softmax(filtered_logits, axis=1)
    return (probs, tok)

# --- scband reference (transcript-rebuilt; emitter-appended) ---
"""Pipeline reference for scband-penalty-sample-head-2774548873613 (READ-ONLY COPY).

The authoritative reference and input builder live on the scoring server;
editing this copy changes nothing except your own understanding.
"""

import jax, jax.numpy as jnp
import numpy as np

TOP_K = 50
MIN_TOKENS_TO_KEEP = 5
B, V, L = 64, 100000, 200

def setup_inputs(seed: int = 0):
    key = jax.random.key(seed)
    k1, k2, k3, k4 = jax.random.split(key, 4)
    m_logits = jax.random.normal(k1, (B, V), dtype=jnp.float32)
    input_ids = jax.random.randint(k2, (B, L), 0, V, dtype=jnp.int32)
    top_p = jax.random.uniform(k3, (1, 1), dtype=jnp.float32)
    temperature = jnp.ones((1, 1), dtype=jnp.float32)
    penalty = jax.random.uniform(k4, (1, 1), dtype=jnp.float32)
    return {"m_logits": m_logits, "input_ids": input_ids, "top_p": top_p, "temperature": temperature, "penalty": penalty}

def reference(m_logits, input_ids, top_p, temperature, penalty):
    # repetition penalty: gather logits at seen token ids, rescale, scatter back (overwrite)
    gathered = jnp.take_along_axis(m_logits, input_ids, axis=1)
    adjusted = jnp.where(gathered < 0, gathered * penalty, gathered / penalty)
    rows = jnp.arange(m_logits.shape[0])[:, None]
    m = m_logits.at[rows, input_ids].set(adjusted)
    # top-k over full vocab
    logits, token = jax.lax.top_k(m.astype(jnp.float32), TOP_K)
    logits = logits / temperature
    # nucleus (top-p) masking over the top-k slice
    cumulative_probs = jnp.cumsum(jax.nn.softmax(logits, axis=1), axis=1)
    mask = cumulative_probs < top_p
    keep = jnp.zeros((1, TOP_K), dtype=bool).at[0, :MIN_TOKENS_TO_KEEP].set(True)
    mask = mask | keep
    filtered_logits = jnp.where(mask, logits, jnp.float32(-1000.0))
    probs = jax.nn.softmax(filtered_logits, axis=1)
    return (probs, token)

if __name__ == "__main__":
    import jax
    _d = setup_inputs()
    print(jax.jit(kernel)(*tuple(_d.values())))

</pallas_src>

<mosaic_0001>
#map = affine_map<(d0, d1) -> (0)>
#map1 = affine_map<(d0, d1) -> (0, 0, 0)>
#map2 = affine_map<(d0, d1) -> (0, 0)>
module attributes {stable_mosaic.version = 14 : i64} {
  func.func @_sc_penalty_body(%arg0: i32, %arg1: i32, %arg2: memref<6422528xf32, #tpu.memory_space<hbm>>, %arg3: memref<64x2x128xi32, #tpu.memory_space<hbm>>, %arg4: memref<16xf32, #tpu.memory_space<hbm>>, %arg5: memref<32x16xf32, #tpu.memory_space<hbm>>, %arg6: memref<2x128xi32, #tpu.memory_space<vmem>>, %arg7: memref<2x128xi32, #tpu.memory_space<vmem>>, %arg8: memref<2x128xf32, #tpu.memory_space<vmem>>, %arg9: memref<16xf32, #tpu.memory_space<vmem>>, %arg10: memref<!tpu.dma_semaphore, #tpu.memory_space<semaphore_mem>>) attributes {dimension_semantics = [#tpu.dimension_semantics<core_parallel>, #tpu.dimension_semantics<subcore_parallel>], iteration_bounds = array<i64: 2, 16>, scalar_prefetch = 0 : i64, scratch_operands = 5 : i64, tpu.core_type = #tpu.core_type<sc_vector_subcore>, window_params = [{transform_indices = #map}, {transform_indices = #map1}, {transform_indices = #map}, {transform_indices = #map2}]} {
    %mul3A = arith.constant 2 : i32
    %mul3A_0 = arith.muli %arg1, %mul3A : i32
    %add3A = arith.addi %mul3A_0, %arg0 : i32
    "tpu.region"() ({
      %run_scoped3A = tpu.sem_alloc : memref<!tpu.dma_semaphore, #tpu.memory_space<semaphore_mem>>
      tpu.enqueue_dma source(%arg4 : memref<16xf32, #tpu.memory_space<hbm>>) target(%arg9 : memref<16xf32, #tpu.memory_space<vmem>>) target_semaphore(%run_scoped3A : memref<!tpu.dma_semaphore, #tpu.memory_space<semaphore_mem>>)
      tpu.wait_dma2 semaphore(%run_scoped3A : memref<!tpu.dma_semaphore, #tpu.memory_space<semaphore_mem>>) src(%arg4 : memref<16xf32, #tpu.memory_space<hbm>>) dst(%arg9 : memref<16xf32, #tpu.memory_space<vmem>>)
      tpu.yield
    }) : () -> ()
    %get3A = arith.constant 0 : index
    %get3A_1 = tpu.vector_load %arg9[%get3A] {strides = array<i32>} : memref<16xf32, #tpu.memory_space<vmem>>, vector<16xf32>,
    %get3A_2 = vector.shape_cast %get3A_1 : vector<16xf32> to vector<16xf32>
    %mul3A_3 = arith.constant 2 : i32
    %mul3A_4 = arith.muli %add3A, %mul3A_3 : i32
    %add3A_5 = arith.constant 0 : i32
    %add3A_6 = arith.addi %mul3A_4, %add3A_5 : i32
    "tpu.region"() ({
      %run_scoped3A = tpu.sem_alloc : memref<!tpu.dma_semaphore, #tpu.memory_space<semaphore_mem>>
      %dma_start3A_1189 = arith.constant 0 : i32
      %dma_start3A_1190 = arith.constant 0 : i32
      %dma_start3A_1191 = tpu.memref_slice %arg3[%add3A_6, %dma_start3A_1189, %dma_start3A_1190] : memref<64x2x128xi32, #tpu.memory_space<hbm>> -> memref<1x2x128xi32, #tpu.memory_space<hbm>>
      %dma_start3A_1192 = tpu.memref_squeeze %dma_start3A_1191 : memref<1x2x128xi32, #tpu.memory_space<hbm>> -> memref<2x128xi32, #tpu.memory_space<hbm>>
      %dma_start3A_1193 = arith.constant 0 : i32
      %dma_start3A_1194 = arith.constant 0 : i32
      %dma_start3A_1195 = tpu.memref_slice %arg3[%add3A_6, %dma_start3A_1193, %dma_start3A_1194] : memref<64x2x128xi32, #tpu.memory_space<hbm>> -> memref<1x2x128xi32, #tpu.memory_space<hbm>>
      %dma_start3A_1196 = tpu.memref_squeeze %dma_start3A_1195 : memref<1x2x128xi32, #tpu.memory_space<hbm>> -> memref<2x128xi32, #tpu.memory_space<hbm>>
      tpu.enqueue_dma source(%dma_start3A_1196 : memref<2x128xi32, #tpu.memory_space<hbm>>) target(%arg6 : memref<2x128xi32, #tpu.memory_space<vmem>>) target_semaphore(%run_scoped3A : memref<!tpu.dma_semaphore, #tpu.memory_space<semaphore_mem>>)
      %dma_wait3A_1197 = arith.constant 0 : i32
      %dma_wait3A_1198 = arith.constant 0 : i32
      %dma_wait3A_1199 = tpu.memref_slice %arg3[%add3A_6, %dma_wait3A_1197, %dma_wait3A_1198] : memref<64x2x128xi32, #tpu.memory_space<hbm>> -> memref<1x2x128xi32, #tpu.memory_space<hbm>>
      %dma_wait3A_1200 = tpu.memref_squeeze %dma_wait3A_1199 : memref<1x2x128xi32, #tpu.memory_space<hbm>> -> memref<2x128xi32, #tpu.memory_space<hbm>>
      %dma_wait3A_1201 = arith.constant 0 : i32
      %dma_wait3A_1202 = arith.constant 0 : i32
      %dma_wait3A_1203 = tpu.memref_slice %arg3[%add3A_6, %dma_wait3A_1201, %dma_wait3A_1202] : memref<64x2x128xi32, #tpu.memory_space<hbm>> -> memref<1x2x128xi32, #tpu.memory_space<hbm>>
      %dma_wait3A_1204 = tpu.memref_squeeze %dma_wait3A_1203 : memref<1x2x128xi32, #tpu.memory_space<hbm>> -> memref<2x128xi32, #tpu.memory_space<hbm>>
      tpu.wait_dma2 semaphore(%run_scoped3A : memref<!tpu.dma_semaphore, #tpu.memory_space<semaphore_mem>>) src(%dma_wait3A_1204 : memref<2x128xi32, #tpu.memory_space<hbm>>) dst(%arg6 : memref<2x128xi32, #tpu.memory_space<vmem>>)
      tpu.yield
    }) : () -> ()
    %get3A_7 = arith.constant 0 : i32
    %get3A_8 = arith.index_cast %get3A_7 : i32 to index
    %get3A_9 = arith.constant 0 : index
    %get3A_10 = tpu.vector_load %arg6[%get3A_8, %get3A_9] {strides = array<i32>} : memref<2x128xi32, #tpu.memory_space<vmem>>, vector<1x16xi32>,
    %get3A_11 = vector.shape_cast %get3A_10 : vector<1x16xi32> to vector<16xi32>
    %mul3A_12 = arith.constant 100352 : i32
    %mul3A_13 = arith.muli %add3A_6, %mul3A_12 : i32
    %add3A_14 = vector.broadcast %mul3A_13 : i32 to vector<16xi32>
    %add3A_15 = arith.addi %get3A_11, %add3A_14 : vector<16xi32>
    %swap3A = arith.constant 0 : i32
    %swap3A_16 = arith.index_cast %swap3A : i32 to index
    %swap3A_17 = arith.constant 0 : index
    %swap3A_18 = tpu.vector_load %arg7[%swap3A_16, %swap3A_17] {strides = array<i32>} : memref<2x128xi32, #tpu.memory_space<vmem>>, vector<1x16xi32>,
    %swap3A_19 = vector.shape_cast %swap3A_18 : vector<1x16xi32> to vector<16xi32>
    %swap3A_20 = vector.shape_cast %add3A_15 : vector<16xi32> to vector<1x16xi32>
    tpu.vector_store %arg7[%swap3A_16, %swap3A_17], %swap3A_20 {strides = array<i32>} : memref<2x128xi32, #tpu.memory_space<vmem>>, vector<1x16xi32>,
    %get3A_21 = arith.constant 0 : i32
    %get3A_22 = arith.index_cast %get3A_21 : i32 to index
    %get3A_23 = arith.constant 16 : index
    %get3A_24 = tpu.vector_load %arg6[%get3A_22, %get3A_23] {strides = array<i32>} : memref<2x128xi32, #tpu.memory_space<vmem>>, vector<1x16xi32>,
    %get3A_25 = vector.shape_cast %get3A_24 : vector<1x16xi32> to vector<16xi32>
    %mul3A_26 = arith.constant 100352 : i32
    %mul3A_27 = arith.muli %add3A_6, %mul3A_26 : i32
    %add3A_28 = vector.broadcast %mul3A_27 : i32 to vector<16xi32>
    %add3A_29 = arith.addi %get3A_25, %add3A_28 : vector<16xi32>
    %swap3A_30 = arith.constant 0 : i32
    %swap3A_31 = arith.index_cast %swap3A_30 : i32 to index
    %swap3A_32 = arith.constant 16 : index
    %swap3A_33 = tpu.vector_load %arg7[%swap3A_31, %swap3A_32] {strides = array<i32>} : memref<2x128xi32, #tpu.memory_space<vmem>>, vector<1x16xi32>,
    %swap3A_34 = vector.shape_cast %swap3A_33 : vector<1x16xi32> to vector<16xi32>
    %swap3A_35 = vector.shape_cast %add3A_29 : vector<16xi32> to vector<1x16xi32>
    tpu.vector_store %arg7[%swap3A_31, %swap3A_32], %swap3A_35 {strides = array<i32>} : memref<2x128xi32, #tpu.memory_space<vmem>>, vector<1x16xi32>,
    %get3A_36 = arith.constant 0 : i32
    %get3A_37 = arith.index_cast %get3A_36 : i32 to index
    %get3A_38 = arith.constant 32 : index
    %get3A_39 = tpu.vector_load %arg6[%get3A_37, %get3A_38] {strides = array<i32>} : memref<2x128xi32, #tpu.memory_space<vmem>>, vector<1x16xi32>,
    %get3A_40 = vector.shape_cast %get3A_39 : vector<1x16xi32> to vector<16xi32>
    %mul3A_41 = arith.constant 100352 : i32
    %mul3A_42 = arith.muli %add3A_6, %mul3A_41 : i32
    %add3A_43 = vector.broadcast %mul3A_42 : i32 to vector<16xi32>
    %add3A_44 = arith.addi %get3A_40, %add3A_43 : vector<16xi32>
    %swap3A_45 = arith.constant 0 : i32
    %swap3A_46 = arith.index_cast %swap3A_45 : i32 to index
    %swap3A_47 = arith.constant 32 : index
    %swap3A_48 = tpu.vector_load %arg7[%swap3A_46, %swap3A_47] {strides = array<i32>} : memref<2x128xi32, #tpu.memory_space<vmem>>, vector<1x16xi32>,
    %swap3A_49 = vector.shape_cast %swap3A_48 : vector<1x16xi32> to vector<16xi32>
    %swap3A_50 = vector.shape_cast %add3A_44 : vector<16xi32> to vector<1x16xi32>
    tpu.vector_store %arg7[%swap3A_46, %swap3A_47], %swap3A_50 {strides = array<i32>} : memref<2x128xi32, #tpu.memory_space<vmem>>, vector<1x16xi32>,
    %get3A_51 = arith.constant 0 : i32
    %get3A_52 = arith.index_cast %get3A_51 : i32 to index
    %get3A_53 = arith.constant 48 : index
    %get3A_54 = tpu.vector_load %arg6[%get3A_52, %get3A_53] {strides = array<i32>} : memref<2x128xi32, #tpu.memory_space<vmem>>, vector<1x16xi32>,
    %get3A_55 = vector.shape_cast %get3A_54 : vector<1x16xi32> to vector<16xi32>
    %mul3A_56 = arith.constant 100352 : i32
    %mul3A_57 = arith.muli %add3A_6, %mul3A_56 : i32
    %add3A_58 = vector.broadcast %mul3A_57 : i32 to vector<16xi32>
    %add3A_59 = arith.addi %get3A_55, %add3A_58 : vector<16xi32>
    %swap3A_60 = arith.constant 0 : i32
    %swap3A_61 = arith.index_cast %swap3A_60 : i32 to index
    %swap3A_62 = arith.constant 48 : index
    %swap3A_63 = tpu.vector_load %arg7[%swap3A_61, %swap3A_62] {strides = array<i32>} : memref<2x128xi32, #tpu.memory_space<vmem>>, vector<1x16xi32>,
    %swap3A_64 = vector.shape_cast %swap3A_63 : vector<1x16xi32> to vector<16xi32>
    %swap3A_65 = vector.shape_cast %add3A_59 : vector<16xi32> to vector<1x16xi32>
    tpu.vector_store %arg7[%swap3A_61, %swap3A_62], %swap3A_65 {strides = array<i32>} : memref<2x128xi32, #tpu.memory_space<vmem>>, vector<1x16xi32>,
    %get3A_66 = arith.constant 0 : i32
    %get3A_67 = arith.index_cast %get3A_66 : i32 to index
    %get3A_68 = arith.constant 64 : index
    %get3A_69 = tpu.vector_load %arg6[%get3A_67, %get3A_68] {strides = array<i32>} : memref<2x128xi32, #tpu.memory_space<vmem>>, vector<1x16xi32>,
    %get3A_70 = vector.shape_cast %get3A_69 : vector<1x16xi32> to vector<16xi32>
    %mul3A_71 = arith.constant 100352 : i32
    %mul3A_72 = arith.muli %add3A_6, %mul3A_71 : i32
    %add3A_73 = vector.broadcast %mul3A_72 : i32 to vector<16xi32>
    %add3A_74 = arith.addi %get3A_70, %add3A_73 : vector<16xi32>
    %swap3A_75 = arith.constant 0 : i32
    %swap3A_76 = arith.index_cast %swap3A_75 : i32 to index
    %swap3A_77 = arith.constant 64 : index
    %swap3A_78 = tpu.vector_load %arg7[%swap3A_76, %swap3A_77] {strides = array<i32>} : memref<2x128xi32, #tpu.memory_space<vmem>>, vector<1x16xi32>,
    %swap3A_79 = vector.shape_cast %swap3A_78 : vector<1x16xi32> to vector<16xi32>
    %swap3A_80 = vector.shape_cast %add3A_74 : vector<16xi32> to vector<1x16xi32>
    tpu.vector_store %arg7[%swap3A_76, %swap3A_77], %swap3A_80 {strides = array<i32>} : memref<2x128xi32, #tpu.memory_space<vmem>>, vector<1x16xi32>,
    %get3A_81 = arith.constant 0 : i32
    %get3A_82 = arith.index_cast %get3A_81 : i32 to index
    %get3A_83 = arith.constant 80 : index
    %get3A_84 = tpu.vector_load %arg6[%get3A_82, %get3A_83] {strides = array<i32>} : memref<2x128xi32, #tpu.memory_space<vmem>>, vector<1x16xi32>,
    %get3A_85 = vector.shape_cast %get3A_84 : vector<1x16xi32> to vector<16xi32>
    %mul3A_86 = arith.constant 100352 : i32
    %mul3A_87 = arith.muli %add3A_6, %mul3A_86 : i32
    %add3A_88 = vector.broadcast %mul3A_87 : i32 to vector<16xi32>
    %add3A_89 = arith.addi %get3A_85, %add3A_88 : vector<16xi32>
    %swap3A_90 = arith.constant 0 : i32
    %swap3A_91 = arith.index_cast %swap3A_90 : i32 to index
    %swap3A_92 = arith.constant 80 : index
    %swap3A_93 = tpu.vector_load %arg7[%swap3A_91, %swap3A_92] {strides = array<i32>} : memref<2x128xi32, #tpu.memory_space<vmem>>, vector<1x16xi32>,
    %swap3A_94 = vector.shape_cast %swap3A_93 : vector<1x16xi32> to vector<16xi32>
    %swap3A_95 = vector.shape_cast %add3A_89 : vector<16xi32> to vector<1x16xi32>
    tpu.vector_store %arg7[%swap3A_91, %swap3A_92], %swap3A_95 {strides = array<i32>} : memref<2x128xi32, #tpu.memory_space<vmem>>, vector<1x16xi32>,
    %get3A_96 = arith.constant 0 : i32
    %get3A_97 = arith.index_cast %get3A_96 : i32 to index
    %get3A_98 = arith.constant 96 : index
    %get3A_99 = tpu.vector_load %arg6[%get3A_97, %get3A_98] {strides = array<i32>} : memref<2x128xi32, #tpu.memory_space<vmem>>, vector<1x16xi32>,
    %get3A_100 = vector.shape_cast %get3A_99 : vector<1x16xi32> to vector<16xi32>
    %mul3A_101 = arith.constant 100352 : i32
    %mul3A_102 = arith.muli %add3A_6, %mul3A_101 : i32
    %add3A_103 = vector.broadcast %mul3A_102 : i32 to vector<16xi32>
    %add3A_104 = arith.addi %get3A_100, %add3A_103 : vector<16xi32>
    %swap3A_105 = arith.constant 0 : i32
    %swap3A_106 = arith.index_cast %swap3A_105 : i32 to index
    %swap3A_107 = arith.constant 96 : index
    %swap3A_108 = tpu.vector_load %arg7[%swap3A_106, %swap3A_107] {strides = array<i32>} : memref<2x128xi32, #tpu.memory_space<vmem>>, vector<1x16xi32>,
    %swap3A_109 = vector.shape_cast %swap3A_108 : vector<1x16xi32> to vector<16xi32>
    %swap3A_110 = vector.shape_cast %add3A_104 : vector<16xi32> to vector<1x16xi32>
    tpu.vector_store %arg7[%swap3A_106, %swap3A_107], %swap3A_110 {strides = array<i32>} : memref<2x128xi32, #tpu.memory_space<vmem>>, vector<1x16xi32>,
    %get3A_111 = arith.constant 0 : i32
    %get3A_112 = arith.index_cast %get3A_111 : i32 to index
    %get3A_113 = arith.constant 112 : index
    %get3A_114 = tpu.vector_load %arg6[%get3A_112, %get3A_113] {strides = array<i32>} : memref<2x128xi32, #tpu.memory_space<vmem>>, vector<1x16xi32>,
    %get3A_115 = vector.shape_cast %get3A_114 : vector<1x16xi32> to vector<16xi32>
    %mul3A_116 = arith.constant 100352 : i32
    %mul3A_117 = arith.muli %add3A_6, %mul3A_116 : i32
    %add3A_118 = vector.broadcast %mul3A_117 : i32 to vector<16xi32>
    %add3A_119 = arith.addi %get3A_115, %add3A_118 : vector<16xi32>
    %swap3A_120 = arith.constant 0 : i32
    %swap3A_121 = arith.index_cast %swap3A_120 : i32 to index
    %swap3A_122 = arith.constant 112 : index
    %swap3A_123 = tpu.vector_load %arg7[%swap3A_121, %swap3A_122] {strides = array<i32>} : memref<2x128xi32, #tpu.memory_space<vmem>>, vector<1x16xi32>,
    %swap3A_124 = vector.shape_cast %swap3A_123 : vector<1x16xi32> to vector<16xi32>
    %swap3A_125 = vector.shape_cast %add3A_119 : vector<16xi32> to vector<1x16xi32>
    tpu.vector_store %arg7[%swap3A_121, %swap3A_122], %swap3A_125 {strides = array<i32>} : memref<2x128xi32, #tpu.memory_space<vmem>>, vector<1x16xi32>,
    %get3A_126 = arith.constant 1 : i32
    %get3A_127 = arith.index_cast %get3A_126 : i32 to index
    %get3A_128 = arith.constant 0 : index
    %get3A_129 = tpu.vector_load %arg6[%get3A_127, %get3A_128] {strides = array<i32>} : memref<2x128xi32, #tpu.memory_space<vmem>>, vector<1x16xi32>,
    %get3A_130 = vector.shape_cast %get3A_129 : vector<1x16xi32> to vector<16xi32>
    %mul3A_131 = arith.constant 100352 : i32
    %mul3A_132 = arith.muli %add3A_6, %mul3A_131 : i32
    %add3A_133 = vector.broadcast %mul3A_132 : i32 to vector<16xi32>
    %add3A_134 = arith.addi %get3A_130, %add3A_133 : vector<16xi32>
    %swap3A_135 = arith.constant 1 : i32
    %swap3A_136 = arith.index_cast %swap3A_135 : i32 to index
    %swap3A_137 = arith.constant 0 : index
    %swap3A_138 = tpu.vector_load %arg7[%swap3A_136, %swap3A_137] {strides = array<i32>} : memref<2x128xi32, #tpu.memory_space<vmem>>, vector<1x16xi32>,
    %swap3A_139 = vector.shape_cast %swap3A_138 : vector<1x16xi32> to vector<16xi32>
    %swap3A_140 = vector.shape_cast %add3A_134 : vector<16xi32> to vector<1x16xi32>
    tpu.vector_store %arg7[%swap3A_136, %swap3A_137], %swap3A_140 {strides = array<i32>} : memref<2x128xi32, #tpu.memory_space<vmem>>, vector<1x16xi32>,
    %get3A_141 = arith.constant 1 : i32
    %get3A_142 = arith.index_cast %get3A_141 : i32 to index
    %get3A_143 = arith.constant 16 : index
    %get3A_144 = tpu.vector_load %arg6[%get3A_142, %get3A_143] {strides = array<i32>} : memref<2x128xi32, #tpu.memory_space<vmem>>, vector<1x16xi32>,
    %get3A_145 = vector.shape_cast %get3A_144 : vector<1x16xi32> to vector<16xi32>
    %mul3A_146 = arith.constant 100352 : i32
    %mul3A_147 = arith.muli %add3A_6, %mul3A_146 : i32
    %add3A_148 = vector.broadcast %mul3A_147 : i32 to vector<16xi32>
    %add3A_149 = arith.addi %get3A_145, %add3A_148 : vector<16xi32>
    %swap3A_150 = arith.constant 1 : i32
    %swap3A_151 = arith.index_cast %swap3A_150 : i32 to index
    %swap3A_152 = arith.constant 16 : index
    %swap3A_153 = tpu.vector_load %arg7[%swap3A_151, %swap3A_152] {strides = array<i32>} : memref<2x128xi32, #tpu.memory_space<vmem>>, vector<1x16xi32>,
    %swap3A_154 = vector.shape_cast %swap3A_153 : vector<1x16xi32> to vector<16xi32>
    %swap3A_155 = vector.shape_cast %add3A_149 : vector<16xi32> to vector<1x16xi32>
    tpu.vector_store %arg7[%swap3A_151, %swap3A_152], %swap3A_155 {strides = array<i32>} : memref<2x128xi32, #tpu.memory_space<vmem>>, vector<1x16xi32>,
    %get3A_156 = arith.constant 1 : i32
    %get3A_157 = arith.index_cast %get3A_156 : i32 to index
    %get3A_158 = arith.constant 32 : index
    %get3A_159 = tpu.vector_load %arg6[%get3A_157, %get3A_158] {strides = array<i32>} : memref<2x128xi32, #tpu.memory_space<vmem>>, vector<1x16xi32>,
    %get3A_160 = vector.shape_cast %get3A_159 : vector<1x16xi32> to vector<16xi32>
    %mul3A_161 = arith.constant 100352 : i32
    %mul3A_162 = arith.muli %add3A_6, %mul3A_161 : i32
    %add3A_163 = vector.broadcast %mul3A_162 : i32 to vector<16xi32>
    %add3A_164 = arith.addi %get3A_160, %add3A_163 : vector<16xi32>
    %swap3A_165 = arith.constant 1 : i32
    %swap3A_166 = arith.index_cast %swap3A_165 : i32 to index
    %swap3A_167 = arith.constant 32 : index
    %swap3A_168 = tpu.vector_load %arg7[%swap3A_166, %swap3A_167] {strides = array<i32>} : memref<2x128xi32, #tpu.memory_space<vmem>>, vector<1x16xi32>,
    %swap3A_169 = vector.shape_cast %swap3A_168 : vector<1x16xi32> to vector<16xi32>
    %swap3A_170 = vector.shape_cast %add3A_164 : vector<16xi32> to vector<1x16xi32>
    tpu.vector_store %arg7[%swap3A_166, %swap3A_167], %swap3A_170 {strides = array<i32>} : memref<2x128xi32, #tpu.memory_space<vmem>>, vector<1x16xi32>,
    %get3A_171 = arith.constant 1 : i32
    %get3A_172 = arith.index_cast %get3A_171 : i32 to index
    %get3A_173 = arith.constant 48 : index
    %get3A_174 = tpu.vector_load %arg6[%get3A_172, %get3A_173] {strides = array<i32>} : memref<2x128xi32, #tpu.memory_space<vmem>>, vector<1x16xi32>,
    %get3A_175 = vector.shape_cast %get3A_174 : vector<1x16xi32> to vector<16xi32>
    %mul3A_176 = arith.constant 100352 : i32
    %mul3A_177 = arith.muli %add3A_6, %mul3A_176 : i32
    %add3A_178 = vector.broadcast %mul3A_177 : i32 to vector<16xi32>
    %add3A_179 = arith.addi %get3A_175, %add3A_178 : vector<16xi32>
    %swap3A_180 = arith.constant 1 : i32
    %swap3A_181 = arith.index_cast %swap3A_180 : i32 to index
    %swap3A_182 = arith.constant 48 : index
    %swap3A_183 = tpu.vector_load %arg7[%swap3A_181, %swap3A_182] {strides = array<i32>} : memref<2x128xi32, #tpu.memory_space<vmem>>, vector<1x16xi32>,
    %swap3A_184 = vector.shape_cast %swap3A_183 : vector<1x16xi32> to vector<16xi32>
    %swap3A_185 = vector.shape_cast %add3A_179 : vector<16xi32> to vector<1x16xi32>
    tpu.vector_store %arg7[%swap3A_181, %swap3A_182], %swap3A_185 {strides = array<i32>} : memref<2x128xi32, #tpu.memory_space<vmem>>, vector<1x16xi32>,
    %get3A_186 = arith.constant 1 : i32
    %get3A_187 = arith.index_cast %get3A_186 : i32 to index
    %get3A_188 = arith.constant 64 : index
    %get3A_189 = tpu.vector_load %arg6[%get3A_187, %get3A_188] {strides = array<i32>} : memref<2x128xi32, #tpu.memory_space<vmem>>, vector<1x16xi32>,
    %get3A_190 = vector.shape_cast %get3A_189 : vector<1x16xi32> to vector<16xi32>
    %mul3A_191 = arith.constant 100352 : i32
    %mul3A_192 = arith.muli %add3A_6, %mul3A_191 : i32
    %add3A_193 = vector.broadcast %mul3A_192 : i32 to vector<16xi32>
    %add3A_194 = arith.addi %get3A_190, %add3A_193 : vector<16xi32>
    %swap3A_195 = arith.constant 1 : i32
    %swap3A_196 = arith.index_cast %swap3A_195 : i32 to index
    %swap3A_197 = arith.constant 64 : index
    %swap3A_198 = tpu.vector_load %arg7[%swap3A_196, %swap3A_197] {strides = array<i32>} : memref<2x128xi32, #tpu.memory_space<vmem>>, vector<1x16xi32>,
    %swap3A_199 = vector.shape_cast %swap3A_198 : vector<1x16xi32> to vector<16xi32>
    %swap3A_200 = vector.shape_cast %add3A_194 : vector<16xi32> to vector<1x16xi32>
    tpu.vector_store %arg7[%swap3A_196, %swap3A_197], %swap3A_200 {strides = array<i32>} : memref<2x128xi32, #tpu.memory_space<vmem>>, vector<1x16xi32>,
    %get3A_201 = arith.constant 1 : i32
    %get3A_202 = arith.index_cast %get3A_201 : i32 to index
    %get3A_203 = arith.constant 80 : index
    %get3A_204 = tpu.vector_load %arg6[%get3A_202, %get3A_203] {strides = array<i32>} : memref<2x128xi32, #tpu.memory_space<vmem>>, vector<1x16xi32>,
    %get3A_205 = vector.shape_cast %get3A_204 : vector<1x16xi32> to vector<16xi32>
    %mul3A_206 = arith.constant 100352 : i32
    %mul3A_207 = arith.muli %add3A_6, %mul3A_206 : i32
    %add3A_208 = vector.broadcast %mul3A_207 : i32 to vector<16xi32>
    %add3A_209 = arith.addi %get3A_205, %add3A_208 : vector<16xi32>
    %swap3A_210 = arith.constant 1 : i32
    %swap3A_211 = arith.index_cast %swap3A_210 : i32 to index
    %swap3A_212 = arith.constant 80 : index
    %swap3A_213 = tpu.vector_load %arg7[%swap3A_211, %swap3A_212] {strides = array<i32>} : memref<2x128xi32, #tpu.memory_space<vmem>>, vector<1x16xi32>,
    %swap3A_214 = vector.shape_cast %swap3A_213 : vector<1x16xi32> to vector<16xi32>
    %swap3A_215 = vector.shape_cast %add3A_209 : vector<16xi32> to vector<1x16xi32>
    tpu.vector_store %arg7[%swap3A_211, %swap3A_212], %swap3A_215 {strides = array<i32>} : memref<2x128xi32, #tpu.memory_space<vmem>>, vector<1x16xi32>,
    %get3A_216 = arith.constant 1 : i32
    %get3A_217 = arith.index_cast %get3A_216 : i32 to index
    %get3A_218 = arith.constant 96 : index
    %get3A_219 = tpu.vector_load %arg6[%get3A_217, %get3A_218] {strides = array<i32>} : memref<2x128xi32, #tpu.memory_space<vmem>>, vector<1x16xi32>,
    %get3A_220 = vector.shape_cast %get3A_219 : vector<1x16xi32> to vector<16xi32>
    %mul3A_221 = arith.constant 100352 : i32
    %mul3A_222 = arith.muli %add3A_6, %mul3A_221 : i32
    %add3A_223 = vector.broadcast %mul3A_222 : i32 to vector<16xi32>
    %add3A_224 = arith.addi %get3A_220, %add3A_223 : vector<16xi32>
    %swap3A_225 = arith.constant 1 : i32
    %swap3A_226 = arith.index_cast %swap3A_225 : i32 to index
    %swap3A_227 = arith.constant 96 : index
    %swap3A_228 = tpu.vector_load %arg7[%swap3A_226, %swap3A_227] {strides = array<i32>} : memref<2x128xi32, #tpu.memory_space<vmem>>, vector<1x16xi32>,
    %swap3A_229 = vector.shape_cast %swap3A_228 : vector<1x16xi32> to vector<16xi32>
    %swap3A_230 = vector.shape_cast %add3A_224 : vector<16xi32> to vector<1x16xi32>
    tpu.vector_store %arg7[%swap3A_226, %swap3A_227], %swap3A_230 {strides = array<i32>} : memref<2x128xi32, #tpu.memory_space<vmem>>, vector<1x16xi32>,
    %get3A_231 = arith.constant 1 : i32
    %get3A_232 = arith.index_cast %get3A_231 : i32 to index
    %get3A_233 = arith.constant 112 : index
    %get3A_234 = tpu.vector_load %arg6[%get3A_232, %get3A_233] {strides = array<i32>} : memref<2x128xi32, #tpu.memory_space<vmem>>, vector<1x16xi32>,
    %get3A_235 = vector.shape_cast %get3A_234 : vector<1x16xi32> to vector<16xi32>
    %mul3A_236 = arith.constant 100352 : i32
    %mul3A_237 = arith.muli %add3A_6, %mul3A_236 : i32
    %add3A_238 = vector.broadcast %mul3A_237 : i32 to vector<16xi32>
    %add3A_239 = arith.addi %get3A_235, %add3A_238 : vector<16xi32>
    %swap3A_240 = arith.constant 1 : i32
    %swap3A_241 = arith.index_cast %swap3A_240 : i32 to index
    %swap3A_242 = arith.constant 112 : index
    %swap3A_243 = tpu.vector_load %arg7[%swap3A_241, %swap3A_242] {strides = array<i32>} : memref<2x128xi32, #tpu.memory_space<vmem>>, vector<1x16xi32>,
    %swap3A_244 = vector.shape_cast %swap3A_243 : vector<1x16xi32> to vector<16xi32>
    %swap3A_245 = vector.shape_cast %add3A_239 : vector<16xi32> to vector<1x16xi32>
    tpu.vector_store %arg7[%swap3A_241, %swap3A_242], %swap3A_245 {strides = array<i32>} : memref<2x128xi32, #tpu.memory_space<vmem>>, vector<1x16xi32>,
    %dma_start3A = arith.constant 0 : i32
    %dma_start3A_246 = arith.constant 0 : i32
    %dma_start3A_247 = arith.constant 0 : i32
    %dma_start3A_248 = tpu.memref_slice %arg8[%dma_start3A_246, %dma_start3A_247] : memref<2x128xf32, #tpu.memory_space<vmem>> -> memref<1x128xf32, #tpu.memory_space<vmem>>
    %dma_start3A_249 = tpu.memref_squeeze %dma_start3A_248 : memref<1x128xf32, #tpu.memory_space<vmem>> -> memref<128xf32, #tpu.memory_space<vmem>>
    %dma_start3A_250 = arith.constant 0 : i32
    %dma_start3A_251 = tpu.memref_slice %arg7[%dma_start3A, %dma_start3A_250] : memref<2x128xi32, #tpu.memory_space<vmem>> -> memref<1x128xi32, #tpu.memory_space<vmem>>
    %dma_start3A_252 = tpu.memref_squeeze %dma_start3A_251 : memref<1x128xi32, #tpu.memory_space<vmem>> -> memref<128xi32, #tpu.memory_space<vmem>>
    %dma_start3A_253 = arith.constant 0 : i32
    %dma_start3A_254 = tpu.memref_slice %arg2[%dma_start3A_253] : memref<6422528xf32, #tpu.memory_space<hbm>> -> memref<6422528xf32, #tpu.memory_space<hbm>>
    tpu.enqueue_indirect_dma source(%dma_start3A_254 : memref<6422528xf32, #tpu.memory_space<hbm>>) target(%dma_start3A_249 : memref<128xf32, #tpu.memory_space<vmem>>) offsets(%dma_start3A_252 : memref<128xi32, #tpu.memory_space<vmem>>) semaphore(%arg10 : memref<!tpu.dma_semaphore, #tpu.memory_space<semaphore_mem>>)
    %dma_start3A_255 = arith.constant 1 : i32
    %dma_start3A_256 = arith.constant 1 : i32
    %dma_start3A_257 = arith.constant 0 : i32
    %dma_start3A_258 = tpu.memref_slice %arg8[%dma_start3A_256, %dma_start3A_257] : memref<2x128xf32, #tpu.memory_space<vmem>> -> memref<1x128xf32, #tpu.memory_space<vmem>>
    %dma_start3A_259 = tpu.memref_squeeze %dma_start3A_258 : memref<1x128xf32, #tpu.memory_space<vmem>> -> memref<128xf32, #tpu.memory_space<vmem>>
    %dma_start3A_260 = arith.constant 0 : i32
    %dma_start3A_261 = tpu.memref_slice %arg7[%dma_start3A_255, %dma_start3A_260] : memref<2x128xi32, #tpu.memory_space<vmem>> -> memref<1x128xi32, #tpu.memory_space<vmem>>
    %dma_start3A_262 = tpu.memref_squeeze %dma_start3A_261 : memref<1x128xi32, #tpu.memory_space<vmem>> -> memref<128xi32, #tpu.memory_space<vmem>>
    %dma_start3A_263 = arith.constant 0 : i32
    %dma_start3A_264 = tpu.memref_slice %arg2[%dma_start3A_263] : memref<6422528xf32, #tpu.memory_space<hbm>> -> memref<6422528xf32, #tpu.memory_space<hbm>>
    tpu.enqueue_indirect_dma source(%dma_start3A_264 : memref<6422528xf32, #tpu.memory_space<hbm>>) target(%dma_start3A_259 : memref<128xf32, #tpu.memory_space<vmem>>) offsets(%dma_start3A_262 : memref<128xi32, #tpu.memory_space<vmem>>) semaphore(%arg10 : memref<!tpu.dma_semaphore, #tpu.memory_space<semaphore_mem>>)
    %dma_wait3A = arith.constant 0 : i32
    %dma_wait3A_265 = arith.constant 0 : i32
    %dma_wait3A_266 = arith.constant 0 : i32
    %dma_wait3A_267 = tpu.memref_slice %arg8[%dma_wait3A_265, %dma_wait3A_266] : memref<2x128xf32, #tpu.memory_space<vmem>> -> memref<1x128xf32, #tpu.memory_space<vmem>>
    %dma_wait3A_268 = tpu.memref_squeeze %dma_wait3A_267 : memref<1x128xf32, #tpu.memory_space<vmem>> -> memref<128xf32, #tpu.memory_space<vmem>>
    %dma_wait3A_269 = arith.constant 0 : i32
    %dma_wait3A_270 = tpu.memref_slice %arg7[%dma_wait3A, %dma_wait3A_269] : memref<2x128xi32, #tpu.memory_space<vmem>> -> memref<1x128xi32, #tpu.memory_space<vmem>>
    %dma_wait3A_271 = tpu.memref_squeeze %dma_wait3A_270 : memref<1x128xi32, #tpu.memory_space<vmem>> -> memref<128xi32, #tpu.memory_space<vmem>>
    %dma_wait3A_272 = arith.constant 0 : i32
    %dma_wait3A_273 = tpu.memref_slice %arg2[%dma_wait3A_272] : memref<6422528xf32, #tpu.memory_space<hbm>> -> memref<6422528xf32, #tpu.memory_space<hbm>>
    tpu.wait_indirect_dma semaphore(%arg10 : memref<!tpu.dma_semaphore, #tpu.memory_space<semaphore_mem>>) src(%dma_wait3A_273 : memref<6422528xf32, #tpu.memory_space<hbm>>) dst(%dma_wait3A_268 : memref<128xf32, #tpu.memory_space<vmem>>)
    %dma_wait3A_274 = arith.constant 1 : i32
    %dma_wait3A_275 = arith.constant 1 : i32
    %dma_wait3A_276 = arith.constant 0 : i32
    %dma_wait3A_277 = tpu.memref_slice %arg8[%dma_wait3A_275, %dma_wait3A_276] : memref<2x128xf32, #tpu.memory_space<vmem>> -> memref<1x128xf32, #tpu.memory_space<vmem>>
    %dma_wait3A_278 = tpu.memref_squeeze %dma_wait3A_277 : memref<1x128xf32, #tpu.memory_space<vmem>> -> memref<128xf32, #tpu.memory_space<vmem>>
    %dma_wait3A_279 = arith.constant 0 : i32
    %dma_wait3A_280 = tpu.memref_slice %arg7[%dma_wait3A_274, %dma_wait3A_279] : memref<2x128xi32, #tpu.memory_space<vmem>> -> memref<1x128xi32, #tpu.memory_space<vmem>>
    %dma_wait3A_281 = tpu.memref_squeeze %dma_wait3A_280 : memref<1x128xi32, #tpu.memory_space<vmem>> -> memref<128xi32, #tpu.memory_space<vmem>>
    %dma_wait3A_282 = arith.constant 0 : i32
    %dma_wait3A_283 = tpu.memref_slice %arg2[%dma_wait3A_282] : memref<6422528xf32, #tpu.memory_space<hbm>> -> memref<6422528xf32, #tpu.memory_space<hbm>>
    tpu.wait_indirect_dma semaphore(%arg10 : memref<!tpu.dma_semaphore, #tpu.memory_space<semaphore_mem>>) src(%dma_wait3A_283 : memref<6422528xf32, #tpu.memory_space<hbm>>) dst(%dma_wait3A_278 : memref<128xf32, #tpu.memory_space<vmem>>)
    %get3A_284 = arith.constant 0 : i32
    %get3A_285 = arith.index_cast %get3A_284 : i32 to index
    %get3A_286 = arith.constant 0 : index
    %get3A_287 = tpu.vector_load %arg8[%get3A_285, %get3A_286] {strides = array<i32>} : memref<2x128xf32, #tpu.memory_space<vmem>>, vector<1x16xf32>,
    %get3A_288 = vector.shape_cast %get3A_287 : vector<1x16xf32> to vector<16xf32>
    %lt3A = arith.constant 0.000000e+00 : f32
    %lt3A_289 = vector.broadcast %lt3A : f32 to vector<16xf32>
    %lt3A_290 = arith.cmpf olt, %get3A_288, %lt3A_289 : vector<16xf32>
    %mul3A_291 = arith.mulf %get3A_288, %get3A_2 : vector<16xf32>
    %div3A = arith.divf %get3A_288, %get3A_2 : vector<16xf32>
    %select_n3A = arith.select %lt3A_290, %mul3A_291, %div3A : vector<16xi1>, vector<16xf32>
    %swap3A_292 = arith.constant 0 : i32
    %swap3A_293 = arith.index_cast %swap3A_292 : i32 to index
    %swap3A_294 = arith.constant 0 : index
    %swap3A_295 = tpu.vector_load %arg8[%swap3A_293, %swap3A_294] {strides = array<i32>} : memref<2x128xf32, #tpu.memory_space<vmem>>, vector<1x16xf32>,
    %swap3A_296 = vector.shape_cast %swap3A_295 : vector<1x16xf32> to vector<16xf32>
    %swap3A_297 = vector.shape_cast %select_n3A : vector<16xf32> to vector<1x16xf32>
    tpu.vector_store %arg8[%swap3A_293, %swap3A_294], %swap3A_297 {strides = array<i32>} : memref<2x128xf32, #tpu.memory_space<vmem>>, vector<1x16xf32>,
    %get3A_298 = arith.constant 0 : i32
    %get3A_299 = arith.index_cast %get3A_298 : i32 to index
    %get3A_300 = arith.constant 16 : index
    %get3A_301 = tpu.vector_load %arg8[%get3A_299, %get3A_300] {strides = array<i32>} : memref<2x128xf32, #tpu.memory_space<vmem>>, vector<1x16xf32>,
    %get3A_302 = vector.shape_cast %get3A_301 : vector<1x16xf32> to vector<16xf32>
    %lt3A_303 = arith.constant 0.000000e+00 : f32
    %lt3A_304 = vector.broadcast %lt3A_303 : f32 to vector<16xf32>
    %lt3A_305 = arith.cmpf olt, %get3A_302, %lt3A_304 : vector<16xf32>
    %mul3A_306 = arith.mulf %get3A_302, %get3A_2 : vector<16xf32>
    %div3A_307 = arith.divf %get3A_302, %get3A_2 : vector<16xf32>
    %select_n3A_308 = arith.select %lt3A_305, %mul3A_306, %div3A_307 : vector<16xi1>, vector<16xf32>
    %swap3A_309 = arith.constant 0 : i32
    %swap3A_310 = arith.index_cast %swap3A_309 : i32 to index
    %swap3A_311 = arith.constant 16 : index
    %swap3A_312 = tpu.vector_load %arg8[%swap3A_310, %swap3A_311] {strides = array<i32>} : memref<2x128xf32, #tpu.memory_space<vmem>>, vector<1x16xf32>,
    %swap3A_313 = vector.shape_cast %swap3A_312 : vector<1x16xf32> to vector<16xf32>
    %swap3A_314 = vector.shape_cast %select_n3A_308 : vector<16xf32> to vector<1x16xf32>
    tpu.vector_store %arg8[%swap3A_310, %swap3A_311], %swap3A_314 {strides = array<i32>} : memref<2x128xf32, #tpu.memory_space<vmem>>, vector<1x16xf32>,
    %get3A_315 = arith.constant 0 : i32
    %get3A_316 = arith.index_cast %get3A_315 : i32 to index
    %get3A_317 = arith.constant 32 : index
    %get3A_318 = tpu.vector_load %arg8[%get3A_316, %get3A_317] {strides = array<i32>} : memref<2x128xf32, #tpu.memory_space<vmem>>, vector<1x16xf32>,
    %get3A_319 = vector.shape_cast %get3A_318 : vector<1x16xf32> to vector<16xf32>
    %lt3A_320 = arith.constant 0.000000e+00 : f32
    %lt3A_321 = vector.broadcast %lt3A_320 : f32 to vector<16xf32>
    %lt3A_322 = arith.cmpf olt, %get3A_319, %lt3A_321 : vector<16xf32>
    %mul3A_323 = arith.mulf %get3A_319, %get3A_2 : vector<16xf32>
    %div3A_324 = arith.divf %get3A_319, %get3A_2 : vector<16xf32>
    %select_n3A_325 = arith.select %lt3A_322, %mul3A_323, %div3A_324 : vector<16xi1>, vector<16xf32>
    %swap3A_326 = arith.constant 0 : i32
    %swap3A_327 = arith.index_cast %swap3A_326 : i32 to index
    %swap3A_328 = arith.constant 32 : index
    %swap3A_329 = tpu.vector_load %arg8[%swap3A_327, %swap3A_328] {strides = array<i32>} : memref<2x128xf32, #tpu.memory_space<vmem>>, vector<1x16xf32>,
    %swap3A_330 = vector.shape_cast %swap3A_329 : vector<1x16xf32> to vector<16xf32>
    %swap3A_331 = vector.shape_cast %select_n3A_325 : vector<16xf32> to vector<1x16xf32>
    tpu.vector_store %arg8[%swap3A_327, %swap3A_328], %swap3A_331 {strides = array<i32>} : memref<2x128xf32, #tpu.memory_space<vmem>>, vector<1x16xf32>,
    %get3A_332 = arith.constant 0 : i32
    %get3A_333 = arith.index_cast %get3A_332 : i32 to index
    %get3A_334 = arith.constant 48 : index
    %get3A_335 = tpu.vector_load %arg8[%get3A_333, %get3A_334] {strides = array<i32>} : memref<2x128xf32, #tpu.memory_space<vmem>>, vector<1x16xf32>,
    %get3A_336 = vector.shape_cast %get3A_335 : vector<1x16xf32> to vector<16xf32>
    %lt3A_337 = arith.constant 0.000000e+00 : f32
    %lt3A_338 = vector.broadcast %lt3A_337 : f32 to vector<16xf32>
    %lt3A_339 = arith.cmpf olt, %get3A_336, %lt3A_338 : vector<16xf32>
    %mul3A_340 = arith.mulf %get3A_336, %get3A_2 : vector<16xf32>
    %div3A_341 = arith.divf %get3A_336, %get3A_2 : vector<16xf32>
    %select_n3A_342 = arith.select %lt3A_339, %mul3A_340, %div3A_341 : vector<16xi1>, vector<16xf32>
    %swap3A_343 = arith.constant 0 : i32
    %swap3A_344 = arith.index_cast %swap3A_343 : i32 to index
    %swap3A_345 = arith.constant 48 : index
    %swap3A_346 = tpu.vector_load %arg8[%swap3A_344, %swap3A_345] {strides = array<i32>} : memref<2x128xf32, #tpu.memory_space<vmem>>, vector<1x16xf32>,
    %swap3A_347 = vector.shape_cast %swap3A_346 : vector<1x16xf32> to vector<16xf32>
    %swap3A_348 = vector.shape_cast %select_n3A_342 : vector<16xf32> to vector<1x16xf32>
    tpu.vector_store %arg8[%swap3A_344, %swap3A_345], %swap3A_348 {strides = array<i32>} : memref<2x128xf32, #tpu.memory_space<vmem>>, vector<1x16xf32>,
    %get3A_349 = arith.constant 0 : i32
    %get3A_350 = arith.index_cast %get3A_349 : i32 to index
    %get3A_351 = arith.constant 64 : index
    %get3A_352 = tpu.vector_load %arg8[%get3A_350, %get3A_351] {strides = array<i32>} : memref<2x128xf32, #tpu.memory_space<vmem>>, vector<1x16xf32>,
    %get3A_353 = vector.shape_cast %get3A_352 : vector<1x16xf32> to vector<16xf32>
    %lt3A_354 = arith.constant 0.000000e+00 : f32
    %lt3A_355 = vector.broadcast %lt3A_354 : f32 to vector<16xf32>
    %lt3A_356 = arith.cmpf olt, %get3A_353, %lt3A_355 : vector<16xf32>
    %mul3A_357 = arith.mulf %get3A_353, %get3A_2 : vector<16xf32>
    %div3A_358 = arith.divf %get3A_353, %get3A_2 : vector<16xf32>
    %select_n3A_359 = arith.select %lt3A_356, %mul3A_357, %div3A_358 : vector<16xi1>, vector<16xf32>
    %swap3A_360 = arith.constant 0 : i32
    %swap3A_361 = arith.index_cast %swap3A_360 : i32 to index
    %swap3A_362 = arith.constant 64 : index
    %swap3A_363 = tpu.vector_load %arg8[%swap3A_361, %swap3A_362] {strides = array<i32>} : memref<2x128xf32, #tpu.memory_space<vmem>>, vector<1x16xf32>,
    %swap3A_364 = vector.shape_cast %swap3A_363 : vector<1x16xf32> to vector<16xf32>
    %swap3A_365 = vector.shape_cast %select_n3A_359 : vector<16xf32> to vector<1x16xf32>
    tpu.vector_store %arg8[%swap3A_361, %swap3A_362], %swap3A_365 {strides = array<i32>} : memref<2x128xf32, #tpu.memory_space<vmem>>, vector<1x16xf32>,
    %get3A_366 = arith.constant 0 : i32
    %get3A_367 = arith.index_cast %get3A_366 : i32 to index
    %get3A_368 = arith.constant 80 : index
    %get3A_369 = tpu.vector_load %arg8[%get3A_367, %get3A_368] {strides = array<i32>} : memref<2x128xf32, #tpu.memory_space<vmem>>, vector<1x16xf32>,
    %get3A_370 = vector.shape_cast %get3A_369 : vector<1x16xf32> to vector<16xf32>
    %lt3A_371 = arith.constant 0.000000e+00 : f32
    %lt3A_372 = vector.broadcast %lt3A_371 : f32 to vector<16xf32>
    %lt3A_373 = arith.cmpf olt, %get3A_370, %lt3A_372 : vector<16xf32>
    %mul3A_374 = arith.mulf %get3A_370, %get3A_2 : vector<16xf32>
    %div3A_375 = arith.divf %get3A_370, %get3A_2 : vector<16xf32>
    %select_n3A_376 = arith.select %lt3A_373, %mul3A_374, %div3A_375 : vector<16xi1>, vector<16xf32>
    %swap3A_377 = arith.constant 0 : i32
    %swap3A_378 = arith.index_cast %swap3A_377 : i32 to index
    %swap3A_379 = arith.constant 80 : index
    %swap3A_380 = tpu.vector_load %arg8[%swap3A_378, %swap3A_379] {strides = array<i32>} : memref<2x128xf32, #tpu.memory_space<vmem>>, vector<1x16xf32>,
    %swap3A_381 = vector.shape_cast %swap3A_380 : vector<1x16xf32> to vector<16xf32>
    %swap3A_382 = vector.shape_cast %select_n3A_376 : vector<16xf32> to vector<1x16xf32>
    tpu.vector_store %arg8[%swap3A_378, %swap3A_379], %swap3A_382 {strides = array<i32>} : memref<2x128xf32, #tpu.memory_space<vmem>>, vector<1x16xf32>,
    %get3A_383 = arith.constant 0 : i32
    %get3A_384 = arith.index_cast %get3A_383 : i32 to index
    %get3A_385 = arith.constant 96 : index
    %get3A_386 = tpu.vector_load %arg8[%get3A_384, %get3A_385] {strides = array<i32>} : memref<2x128xf32, #tpu.memory_space<vmem>>, vector<1x16xf32>,
    %get3A_387 = vector.shape_cast %get3A_386 : vector<1x16xf32> to vector<16xf32>
    %lt3A_388 = arith.constant 0.000000e+00 : f32
    %lt3A_389 = vector.broadcast %lt3A_388 : f32 to vector<16xf32>
    %lt3A_390 = arith.cmpf olt, %get3A_387, %lt3A_389 : vector<16xf32>
    %mul3A_391 = arith.mulf %get3A_387, %get3A_2 : vector<16xf32>
    %div3A_392 = arith.divf %get3A_387, %get3A_2 : vector<16xf32>
    %select_n3A_393 = arith.select %lt3A_390, %mul3A_391, %div3A_392 : vector<16xi1>, vector<16xf32>
    %swap3A_394 = arith.constant 0 : i32
    %swap3A_395 = arith.index_cast %swap3A_394 : i32 to index
    %swap3A_396 = arith.constant 96 : index
    %swap3A_397 = tpu.vector_load %arg8[%swap3A_395, %swap3A_396] {strides = array<i32>} : memref<2x128xf32, #tpu.memory_space<vmem>>, vector<1x16xf32>,
    %swap3A_398 = vector.shape_cast %swap3A_397 : vector<1x16xf32> to vector<16xf32>
    %swap3A_399 = vector.shape_cast %select_n3A_393 : vector<16xf32> to vector<1x16xf32>
    tpu.vector_store %arg8[%swap3A_395, %swap3A_396], %swap3A_399 {strides = array<i32>} : memref<2x128xf32, #tpu.memory_space<vmem>>, vector<1x16xf32>,
    %get3A_400 = arith.constant 0 : i32
    %get3A_401 = arith.index_cast %get3A_400 : i32 to index
    %get3A_402 = arith.constant 112 : index
    %get3A_403 = tpu.vector_load %arg8[%get3A_401, %get3A_402] {strides = array<i32>} : memref<2x128xf32, #tpu.memory_space<vmem>>, vector<1x16xf32>,
    %get3A_404 = vector.shape_cast %get3A_403 : vector<1x16xf32> to vector<16xf32>
    %lt3A_405 = arith.constant 0.000000e+00 : f32
    %lt3A_406 = vector.broadcast %lt3A_405 : f32 to vector<16xf32>
    %lt3A_407 = arith.cmpf olt, %get3A_404, %lt3A_406 : vector<16xf32>
    %mul3A_408 = arith.mulf %get3A_404, %get3A_2 : vector<16xf32>
    %div3A_409 = arith.divf %get3A_404, %get3A_2 : vector<16xf32>
    %select_n3A_410 = arith.select %lt3A_407, %mul3A_408, %div3A_409 : vector<16xi1>, vector<16xf32>
    %swap3A_411 = arith.constant 0 : i32
    %swap3A_412 = arith.index_cast %swap3A_411 : i32 to index
    %swap3A_413 = arith.constant 112 : index
    %swap3A_414 = tpu.vector_load %arg8[%swap3A_412, %swap3A_413] {strides = array<i32>} : memref<2x128xf32, #tpu.memory_space<vmem>>, vector<1x16xf32>,
    %swap3A_415 = vector.shape_cast %swap3A_414 : vector<1x16xf32> to vector<16xf32>
    %swap3A_416 = vector.shape_cast %select_n3A_410 : vector<16xf32> to vector<1x16xf32>
    tpu.vector_store %arg8[%swap3A_412, %swap3A_413], %swap3A_416 {strides = array<i32>} : memref<2x128xf32, #tpu.memory_space<vmem>>, vector<1x16xf32>,
    %get3A_417 = arith.constant 1 : i32
    %get3A_418 = arith.index_cast %get3A_417 : i32 to index
    %get3A_419 = arith.constant 0 : index
    %get3A_420 = tpu.vector_load %arg8[%get3A_418, %get3A_419] {strides = array<i32>} : memref<2x128xf32, #tpu.memory_space<vmem>>, vector<1x16xf32>,
    %get3A_421 = vector.shape_cast %get3A_420 : vector<1x16xf32> to vector<16xf32>
    %lt3A_422 = arith.constant 0.000000e+00 : f32
    %lt3A_423 = vector.broadcast %lt3A_422 : f32 to vector<16xf32>
    %lt3A_424 = arith.cmpf olt, %get3A_421, %lt3A_423 : vector<16xf32>
    %mul3A_425 = arith.mulf %get3A_421, %get3A_2 : vector<16xf32>
    %div3A_426 = arith.divf %get3A_421, %get3A_2 : vector<16xf32>
    %select_n3A_427 = arith.select %lt3A_424, %mul3A_425, %div3A_426 : vector<16xi1>, vector<16xf32>
    %swap3A_428 = arith.constant 1 : i32
    %swap3A_429 = arith.index_cast %swap3A_428 : i32 to index
    %swap3A_430 = arith.constant 0 : index
    %swap3A_431 = tpu.vector_load %arg8[%swap3A_429, %swap3A_430] {strides = array<i32>} : memref<2x128xf32, #tpu.memory_space<vmem>>, vector<1x16xf32>,
    %swap3A_432 = vector.shape_cast %swap3A_431 : vector<1x16xf32> to vector<16xf32>
    %swap3A_433 = vector.shape_cast %select_n3A_427 : vector<16xf32> to vector<1x16xf32>
    tpu.vector_store %arg8[%swap3A_429, %swap3A_430], %swap3A_433 {strides = array<i32>} : memref<2x128xf32, #tpu.memory_space<vmem>>, vector<1x16xf32>,
    %get3A_434 = arith.constant 1 : i32
    %get3A_435 = arith.index_cast %get3A_434 : i32 to index
    %get3A_436 = arith.constant 16 : index
    %get3A_437 = tpu.vector_load %arg8[%get3A_435, %get3A_436] {strides = array<i32>} : memref<2x128xf32, #tpu.memory_space<vmem>>, vector<1x16xf32>,
    %get3A_438 = vector.shape_cast %get3A_437 : vector<1x16xf32> to vector<16xf32>
    %lt3A_439 = arith.constant 0.000000e+00 : f32
    %lt3A_440 = vector.broadcast %lt3A_439 : f32 to vector<16xf32>
    %lt3A_441 = arith.cmpf olt, %get3A_438, %lt3A_440 : vector<16xf32>
    %mul3A_442 = arith.mulf %get3A_438, %get3A_2 : vector<16xf32>
    %div3A_443 = arith.divf %get3A_438, %get3A_2 : vector<16xf32>
    %select_n3A_444 = arith.select %lt3A_441, %mul3A_442, %div3A_443 : vector<16xi1>, vector<16xf32>
    %swap3A_445 = arith.constant 1 : i32
    %swap3A_446 = arith.index_cast %swap3A_445 : i32 to index
    %swap3A_447 = arith.constant 16 : index
    %swap3A_448 = tpu.vector_load %arg8[%swap3A_446, %swap3A_447] {strides = array<i32>} : memref<2x128xf32, #tpu.memory_space<vmem>>, vector<1x16xf32>,
    %swap3A_449 = vector.shape_cast %swap3A_448 : vector<1x16xf32> to vector<16xf32>
    %swap3A_450 = vector.shape_cast %select_n3A_444 : vector<16xf32> to vector<1x16xf32>
    tpu.vector_store %arg8[%swap3A_446, %swap3A_447], %swap3A_450 {strides = array<i32>} : memref<2x128xf32, #tpu.memory_space<vmem>>, vector<1x16xf32>,
    %get3A_451 = arith.constant 1 : i32
    %get3A_452 = arith.index_cast %get3A_451 : i32 to index
    %get3A_453 = arith.constant 32 : index
    %get3A_454 = tpu.vector_load %arg8[%get3A_452, %get3A_453] {strides = array<i32>} : memref<2x128xf32, #tpu.memory_space<vmem>>, vector<1x16xf32>,
    %get3A_455 = vector.shape_cast %get3A_454 : vector<1x16xf32> to vector<16xf32>
    %lt3A_456 = arith.constant 0.000000e+00 : f32
    %lt3A_457 = vector.broadcast %lt3A_456 : f32 to vector<16xf32>
    %lt3A_458 = arith.cmpf olt, %get3A_455, %lt3A_457 : vector<16xf32>
    %mul3A_459 = arith.mulf %get3A_455, %get3A_2 : vector<16xf32>
    %div3A_460 = arith.divf %get3A_455, %get3A_2 : vector<16xf32>
    %select_n3A_461 = arith.select %lt3A_458, %mul3A_459, %div3A_460 : vector<16xi1>, vector<16xf32>
    %swap3A_462 = arith.constant 1 : i32
    %swap3A_463 = arith.index_cast %swap3A_462 : i32 to index
    %swap3A_464 = arith.constant 32 : index
    %swap3A_465 = tpu.vector_load %arg8[%swap3A_463, %swap3A_464] {strides = array<i32>} : memref<2x128xf32, #tpu.memory_space<vmem>>, vector<1x16xf32>,
    %swap3A_466 = vector.shape_cast %swap3A_465 : vector<1x16xf32> to vector<16xf32>
    %swap3A_467 = vector.shape_cast %select_n3A_461 : vector<16xf32> to vector<1x16xf32>
    tpu.vector_store %arg8[%swap3A_463, %swap3A_464], %swap3A_467 {strides = array<i32>} : memref<2x128xf32, #tpu.memory_space<vmem>>, vector<1x16xf32>,
    %get3A_468 = arith.constant 1 : i32
    %get3A_469 = arith.index_cast %get3A_468 : i32 to index
    %get3A_470 = arith.constant 48 : index
    %get3A_471 = tpu.vector_load %arg8[%get3A_469, %get3A_470] {strides = array<i32>} : memref<2x128xf32, #tpu.memory_space<vmem>>, vector<1x16xf32>,
    %get3A_472 = vector.shape_cast %get3A_471 : vector<1x16xf32> to vector<16xf32>
    %lt3A_473 = arith.constant 0.000000e+00 : f32
    %lt3A_474 = vector.broadcast %lt3A_473 : f32 to vector<16xf32>
    %lt3A_475 = arith.cmpf olt, %get3A_472, %lt3A_474 : vector<16xf32>
    %mul3A_476 = arith.mulf %get3A_472, %get3A_2 : vector<16xf32>
    %div3A_477 = arith.divf %get3A_472, %get3A_2 : vector<16xf32>
    %select_n3A_478 = arith.select %lt3A_475, %mul3A_476, %div3A_477 : vector<16xi1>, vector<16xf32>
    %swap3A_479 = arith.constant 1 : i32
    %swap3A_480 = arith.index_cast %swap3A_479 : i32 to index
    %swap3A_481 = arith.constant 48 : index
    %swap3A_482 = tpu.vector_load %arg8[%swap3A_480, %swap3A_481] {strides = array<i32>} : memref<2x128xf32, #tpu.memory_space<vmem>>, vector<1x16xf32>,
    %swap3A_483 = vector.shape_cast %swap3A_482 : vector<1x16xf32> to vector<16xf32>
    %swap3A_484 = vector.shape_cast %select_n3A_478 : vector<16xf32> to vector<1x16xf32>
    tpu.vector_store %arg8[%swap3A_480, %swap3A_481], %swap3A_484 {strides = array<i32>} : memref<2x128xf32, #tpu.memory_space<vmem>>, vector<1x16xf32>,
    %get3A_485 = arith.constant 1 : i32
    %get3A_486 = arith.index_cast %get3A_485 : i32 to index
    %get3A_487 = arith.constant 64 : index
    %get3A_488 = tpu.vector_load %arg8[%get3A_486, %get3A_487] {strides = array<i32>} : memref<2x128xf32, #tpu.memory_space<vmem>>, vector<1x16xf32>,
    %get3A_489 = vector.shape_cast %get3A_488 : vector<1x16xf32> to vector<16xf32>
    %lt3A_490 = arith.constant 0.000000e+00 : f32
    %lt3A_491 = vector.broadcast %lt3A_490 : f32 to vector<16xf32>
    %lt3A_492 = arith.cmpf olt, %get3A_489, %lt3A_491 : vector<16xf32>
    %mul3A_493 = arith.mulf %get3A_489, %get3A_2 : vector<16xf32>
    %div3A_494 = arith.divf %get3A_489, %get3A_2 : vector<16xf32>
    %select_n3A_495 = arith.select %lt3A_492, %mul3A_493, %div3A_494 : vector<16xi1>, vector<16xf32>
    %swap3A_496 = arith.constant 1 : i32
    %swap3A_497 = arith.index_cast %swap3A_496 : i32 to index
    %swap3A_498 = arith.constant 64 : index
    %swap3A_499 = tpu.vector_load %arg8[%swap3A_497, %swap3A_498] {strides = array<i32>} : memref<2x128xf32, #tpu.memory_space<vmem>>, vector<1x16xf32>,
    %swap3A_500 = vector.shape_cast %swap3A_499 : vector<1x16xf32> to vector<16xf32>
    %swap3A_501 = vector.shape_cast %select_n3A_495 : vector<16xf32> to vector<1x16xf32>
    tpu.vector_store %arg8[%swap3A_497, %swap3A_498], %swap3A_501 {strides = array<i32>} : memref<2x128xf32, #tpu.memory_space<vmem>>, vector<1x16xf32>,
    %get3A_502 = arith.constant 1 : i32
    %get3A_503 = arith.index_cast %get3A_502 : i32 to index
    %get3A_504 = arith.constant 80 : index
    %get3A_505 = tpu.vector_load %arg8[%get3A_503, %get3A_504] {strides = array<i32>} : memref<2x128xf32, #tpu.memory_space<vmem>>, vector<1x16xf32>,
    %get3A_506 = vector.shape_cast %get3A_505 : vector<1x16xf32> to vector<16xf32>
    %lt3A_507 = arith.constant 0.000000e+00 : f32
    %lt3A_508 = vector.broadcast %lt3A_507 : f32 to vector<16xf32>
    %lt3A_509 = arith.cmpf olt, %get3A_506, %lt3A_508 : vector<16xf32>
    %mul3A_510 = arith.mulf %get3A_506, %get3A_2 : vector<16xf32>
    %div3A_511 = arith.divf %get3A_506, %get3A_2 : vector<16xf32>
    %select_n3A_512 = arith.select %lt3A_509, %mul3A_510, %div3A_511 : vector<16xi1>, vector<16xf32>
    %swap3A_513 = arith.constant 1 : i32
    %swap3A_514 = arith.index_cast %swap3A_513 : i32 to index
    %swap3A_515 = arith.constant 80 : index
    %swap3A_516 = tpu.vector_load %arg8[%swap3A_514, %swap3A_515] {strides = array<i32>} : memref<2x128xf32, #tpu.memory_space<vmem>>, vector<1x16xf32>,
    %swap3A_517 = vector.shape_cast %swap3A_516 : vector<1x16xf32> to vector<16xf32>
    %swap3A_518 = vector.shape_cast %select_n3A_512 : vector<16xf32> to vector<1x16xf32>
    tpu.vector_store %arg8[%swap3A_514, %swap3A_515], %swap3A_518 {strides = array<i32>} : memref<2x128xf32, #tpu.memory_space<vmem>>, vector<1x16xf32>,
    %get3A_519 = arith.constant 1 : i32
    %get3A_520 = arith.index_cast %get3A_519 : i32 to index
    %get3A_521 = arith.constant 96 : index
    %get3A_522 = tpu.vector_load %arg8[%get3A_520, %get3A_521] {strides = array<i32>} : memref<2x128xf32, #tpu.memory_space<vmem>>, vector<1x16xf32>,
    %get3A_523 = vector.shape_cast %get3A_522 : vector<1x16xf32> to vector<16xf32>
    %lt3A_524 = arith.constant 0.000000e+00 : f32
    %lt3A_525 = vector.broadcast %lt3A_524 : f32 to vector<16xf32>
    %lt3A_526 = arith.cmpf olt, %get3A_523, %lt3A_525 : vector<16xf32>
    %mul3A_527 = arith.mulf %get3A_523, %get3A_2 : vector<16xf32>
    %div3A_528 = arith.divf %get3A_523, %get3A_2 : vector<16xf32>
    %select_n3A_529 = arith.select %lt3A_526, %mul3A_527, %div3A_528 : vector<16xi1>, vector<16xf32>
    %swap3A_530 = arith.constant 1 : i32
    %swap3A_531 = arith.index_cast %swap3A_530 : i32 to index
    %swap3A_532 = arith.constant 96 : index
    %swap3A_533 = tpu.vector_load %arg8[%swap3A_531, %swap3A_532] {strides = array<i32>} : memref<2x128xf32, #tpu.memory_space<vmem>>, vector<1x16xf32>,
    %swap3A_534 = vector.shape_cast %swap3A_533 : vector<1x16xf32> to vector<16xf32>
    %swap3A_535 = vector.shape_cast %select_n3A_529 : vector<16xf32> to vector<1x16xf32>
    tpu.vector_store %arg8[%swap3A_531, %swap3A_532], %swap3A_535 {strides = array<i32>} : memref<2x128xf32, #tpu.memory_space<vmem>>, vector<1x16xf32>,
    %get3A_536 = arith.constant 1 : i32
    %get3A_537 = arith.index_cast %get3A_536 : i32 to index
    %get3A_538 = arith.constant 112 : index
    %get3A_539 = tpu.vector_load %arg8[%get3A_537, %get3A_538] {strides = array<i32>} : memref<2x128xf32, #tpu.memory_space<vmem>>, vector<1x16xf32>,
    %get3A_540 = vector.shape_cast %get3A_539 : vector<1x16xf32> to vector<16xf32>
    %lt3A_541 = arith.constant 0.000000e+00 : f32
    %lt3A_542 = vector.broadcast %lt3A_541 : f32 to vector<16xf32>
    %lt3A_543 = arith.cmpf olt, %get3A_540, %lt3A_542 : vector<16xf32>
    %mul3A_544 = arith.mulf %get3A_540, %get3A_2 : vector<16xf32>
    %div3A_545 = arith.divf %get3A_540, %get3A_2 : vector<16xf32>
    %select_n3A_546 = arith.select %lt3A_543, %mul3A_544, %div3A_545 : vector<16xi1>, vector<16xf32>
    %swap3A_547 = arith.constant 1 : i32
    %swap3A_548 = arith.index_cast %swap3A_547 : i32 to index
    %swap3A_549 = arith.constant 112 : index
    %swap3A_550 = tpu.vector_load %arg8[%swap3A_548, %swap3A_549] {strides = array<i32>} : memref<2x128xf32, #tpu.memory_space<vmem>>, vector<1x16xf32>,
    %swap3A_551 = vector.shape_cast %swap3A_550 : vector<1x16xf32> to vector<16xf32>
    %swap3A_552 = vector.shape_cast %select_n3A_546 : vector<16xf32> to vector<1x16xf32>
    tpu.vector_store %arg8[%swap3A_548, %swap3A_549], %swap3A_552 {strides = array<i32>} : memref<2x128xf32, #tpu.memory_space<vmem>>, vector<1x16xf32>,
    %dma_start3A_553 = arith.constant 0 : i32
    %dma_start3A_554 = arith.constant 0 : i32
    %dma_start3A_555 = arith.constant 0 : i32
    %dma_start3A_556 = tpu.memref_slice %arg8[%dma_start3A_553, %dma_start3A_555] : memref<2x128xf32, #tpu.memory_space<vmem>> -> memref<1x128xf32, #tpu.memory_space<vmem>>
    %dma_start3A_557 = tpu.memref_squeeze %dma_start3A_556 : memref<1x128xf32, #tpu.memory_space<vmem>> -> memref<128xf32, #tpu.memory_space<vmem>>
    %dma_start3A_558 = arith.constant 0 : i32
    %dma_start3A_559 = tpu.memref_slice %arg7[%dma_start3A_554, %dma_start3A_558] : memref<2x128xi32, #tpu.memory_space<vmem>> -> memref<1x128xi32, #tpu.memory_space<vmem>>
    %dma_start3A_560 = tpu.memref_squeeze %dma_start3A_559 : memref<1x128xi32, #tpu.memory_space<vmem>> -> memref<128xi32, #tpu.memory_space<vmem>>
    %dma_start3A_561 = arith.constant 0 : i32
    %dma_start3A_562 = tpu.memref_slice %arg2[%dma_start3A_561] : memref<6422528xf32, #tpu.memory_space<hbm>> -> memref<6422528xf32, #tpu.memory_space<hbm>>
    tpu.enqueue_indirect_dma source(%dma_start3A_557 : memref<128xf32, #tpu.memory_space<vmem>>) target(%dma_start3A_562 : memref<6422528xf32, #tpu.memory_space<hbm>>) offsets(%dma_start3A_560 : memref<128xi32, #tpu.memory_space<vmem>>) semaphore(%arg10 : memref<!tpu.dma_semaphore, #tpu.memory_space<semaphore_mem>>)
    %dma_start3A_563 = arith.constant 1 : i32
    %dma_start3A_564 = arith.constant 1 : i32
    %dma_start3A_565 = arith.constant 0 : i32
    %dma_start3A_566 = tpu.memref_slice %arg8[%dma_start3A_563, %dma_start3A_565] : memref<2x128xf32, #tpu.memory_space<vmem>> -> memref<1x128xf32, #tpu.memory_space<vmem>>
    %dma_start3A_567 = tpu.memref_squeeze %dma_start3A_566 : memref<1x128xf32, #tpu.memory_space<vmem>> -> memref<128xf32, #tpu.memory_space<vmem>>
    %dma_start3A_568 = arith.constant 0 : i32
    %dma_start3A_569 = tpu.memref_slice %arg7[%dma_start3A_564, %dma_start3A_568] : memref<2x128xi32, #tpu.memory_space<vmem>> -> memref<1x128xi32, #tpu.memory_space<vmem>>
    %dma_start3A_570 = tpu.memref_squeeze %dma_start3A_569 : memref<1x128xi32, #tpu.memory_space<vmem>> -> memref<128xi32, #tpu.memory_space<vmem>>
    %dma_start3A_571 = arith.constant 0 : i32
    %dma_start3A_572 = tpu.memref_slice %arg2[%dma_start3A_571] : memref<6422528xf32, #tpu.memory_space<hbm>> -> memref<6422528xf32, #tpu.memory_space<hbm>>
    tpu.enqueue_indirect_dma source(%dma_start3A_567 : memref<128xf32, #tpu.memory_space<vmem>>) target(%dma_start3A_572 : memref<6422528xf32, #tpu.memory_space<hbm>>) offsets(%dma_start3A_570 : memref<128xi32, #tpu.memory_space<vmem>>) semaphore(%arg10 : memref<!tpu.dma_semaphore, #tpu.memory_space<semaphore_mem>>)
    %dma_wait3A_573 = arith.constant 0 : i32
    %dma_wait3A_574 = arith.constant 0 : i32
    %dma_wait3A_575 = arith.constant 0 : i32
    %dma_wait3A_576 = tpu.memref_slice %arg8[%dma_wait3A_573, %dma_wait3A_575] : memref<2x128xf32, #tpu.memory_space<vmem>> -> memref<1x128xf32, #tpu.memory_space<vmem>>
    %dma_wait3A_577 = tpu.memref_squeeze %dma_wait3A_576 : memref<1x128xf32, #tpu.memory_space<vmem>> -> memref<128xf32, #tpu.memory_space<vmem>>
    %dma_wait3A_578 = arith.constant 0 : i32
    %dma_wait3A_579 = tpu.memref_slice %arg7[%dma_wait3A_574, %dma_wait3A_578] : memref<2x128xi32, #tpu.memory_space<vmem>> -> memref<1x128xi32, #tpu.memory_space<vmem>>
    %dma_wait3A_580 = tpu.memref_squeeze %dma_wait3A_579 : memref<1x128xi32, #tpu.memory_space<vmem>> -> memref<128xi32, #tpu.memory_space<vmem>>
    %dma_wait3A_581 = arith.constant 0 : i32
    %dma_wait3A_582 = tpu.memref_slice %arg2[%dma_wait3A_581] : memref<6422528xf32, #tpu.memory_space<hbm>> -> memref<6422528xf32, #tpu.memory_space<hbm>>
    tpu.wait_indirect_dma semaphore(%arg10 : memref<!tpu.dma_semaphore, #tpu.memory_space<semaphore_mem>>) src(%dma_wait3A_577 : memref<128xf32, #tpu.memory_space<vmem>>) dst(%dma_wait3A_582 : memref<6422528xf32, #tpu.memory_space<hbm>>)
    %dma_wait3A_583 = arith.constant 1 : i32
    %dma_wait3A_584 = arith.constant 1 : i32
    %dma_wait3A_585 = arith.constant 0 : i32
    %dma_wait3A_586 = tpu.memref_slice %arg8[%dma_wait3A_583, %dma_wait3A_585] : memref<2x128xf32, #tpu.memory_space<vmem>> -> memref<1x128xf32, #tpu.memory_space<vmem>>
    %dma_wait3A_587 = tpu.memref_squeeze %dma_wait3A_586 : memref<1x128xf32, #tpu.memory_space<vmem>> -> memref<128xf32, #tpu.memory_space<vmem>>
    %dma_wait3A_588 = arith.constant 0 : i32
    %dma_wait3A_589 = tpu.memref_slice %arg7[%dma_wait3A_584, %dma_wait3A_588] : memref<2x128xi32, #tpu.memory_space<vmem>> -> memref<1x128xi32, #tpu.memory_space<vmem>>
    %dma_wait3A_590 = tpu.memref_squeeze %dma_wait3A_589 : memref<1x128xi32, #tpu.memory_space<vmem>> -> memref<128xi32, #tpu.memory_space<vmem>>
    %dma_wait3A_591 = arith.constant 0 : i32
    %dma_wait3A_592 = tpu.memref_slice %arg2[%dma_wait3A_591] : memref<6422528xf32, #tpu.memory_space<hbm>> -> memref<6422528xf32, #tpu.memory_space<hbm>>
    tpu.wait_indirect_dma semaphore(%arg10 : memref<!tpu.dma_semaphore, #tpu.memory_space<semaphore_mem>>) src(%dma_wait3A_587 : memref<128xf32, #tpu.memory_space<vmem>>) dst(%dma_wait3A_592 : memref<6422528xf32, #tpu.memory_space<hbm>>)
    %mul3A_593 = arith.constant 2 : i32
    %mul3A_594 = arith.muli %add3A, %mul3A_593 : i32
    %add3A_595 = arith.constant 1 : i32
    %add3A_596 = arith.addi %mul3A_594, %add3A_595 : i32
    "tpu.region"() ({
      %run_scoped3A = tpu.sem_alloc : memref<!tpu.dma_semaphore, #tpu.memory_space<semaphore_mem>>
      %dma_start3A_1189 = arith.constant 0 : i32
      %dma_start3A_1190 = arith.constant 0 : i32
      %dma_start3A_1191 = tpu.memref_slice %arg3[%add3A_596, %dma_start3A_1189, %dma_start3A_1190] : memref<64x2x128xi32, #tpu.memory_space<hbm>> -> memref<1x2x128xi32, #tpu.memory_space<hbm>>
      %dma_start3A_1192 = tpu.memref_squeeze %dma_start3A_1191 : memref<1x2x128xi32, #tpu.memory_space<hbm>> -> memref<2x128xi32, #tpu.memory_space<hbm>>
      %dma_start3A_1193 = arith.constant 0 : i32
      %dma_start3A_1194 = arith.constant 0 : i32
      %dma_start3A_1195 = tpu.memref_slice %arg3[%add3A_596, %dma_start3A_1193, %dma_start3A_1194] : memref<64x2x128xi32, #tpu.memory_space<hbm>> -> memref<1x2x128xi32, #tpu.memory_space<hbm>>
      %dma_start3A_1196 = tpu.memref_squeeze %dma_start3A_1195 : memref<1x2x128xi32, #tpu.memory_space<hbm>> -> memref<2x128xi32, #tpu.memory_space<hbm>>
      tpu.enqueue_dma source(%dma_start3A_1196 : memref<2x128xi32, #tpu.memory_space<hbm>>) target(%arg6 : memref<2x128xi32, #tpu.memory_space<vmem>>) target_semaphore(%run_scoped3A : memref<!tpu.dma_semaphore, #tpu.memory_space<semaphore_mem>>)
      %dma_wait3A_1197 = arith.constant 0 : i32
      %dma_wait3A_1198 = arith.constant 0 : i32
      %dma_wait3A_1199 = tpu.memref_slice %arg3[%add3A_596, %dma_wait3A_1197, %dma_wait3A_1198] : memref<64x2x128xi32, #tpu.memory_space<hbm>> -> memref<1x2x128xi32, #tpu.memory_space<hbm>>
      %dma_wait3A_1200 = tpu.memref_squeeze %dma_wait3A_1199 : memref<1x2x128xi32, #tpu.memory_space<hbm>> -> memref<2x128xi32, #tpu.memory_space<hbm>>
      %dma_wait3A_1201 = arith.constant 0 : i32
      %dma_wait3A_1202 = arith.constant 0 : i32
      %dma_wait3A_1203 = tpu.memref_slice %arg3[%add3A_596, %dma_wait3A_1201, %dma_wait3A_1202] : memref<64x2x128xi32, #tpu.memory_space<hbm>> -> memref<1x2x128xi32, #tpu.memory_space<hbm>>
      %dma_wait3A_1204 = tpu.memref_squeeze %dma_wait3A_1203 : memref<1x2x128xi32, #tpu.memory_space<hbm>> -> memref<2x128xi32, #tpu.memory_space<hbm>>
      tpu.wait_dma2 semaphore(%run_scoped3A : memref<!tpu.dma_semaphore, #tpu.memory_space<semaphore_mem>>) src(%dma_wait3A_1204 : memref<2x128xi32, #tpu.memory_space<hbm>>) dst(%arg6 : memref<2x128xi32, #tpu.memory_space<vmem>>)
      tpu.yield
    }) : () -> ()
    %get3A_597 = arith.constant 0 : i32
    %get3A_598 = arith.index_cast %get3A_597 : i32 to index
    %get3A_599 = arith.constant 0 : index
    %get3A_600 = tpu.vector_load %arg6[%get3A_598, %get3A_599] {strides = array<i32>} : memref<2x128xi32, #tpu.memory_space<vmem>>, vector<1x16xi32>,
    %get3A_601 = vector.shape_cast %get3A_600 : vector<1x16xi32> to vector<16xi32>
    %mul3A_602 = arith.constant 100352 : i32
    %mul3A_603 = arith.muli %add3A_596, %mul3A_602 : i32
    %add3A_604 = vector.broadcast %mul3A_603 : i32 to vector<16xi32>
    %add3A_605 = arith.addi %get3A_601, %add3A_604 : vector<16xi32>
    %swap3A_606 = arith.constant 0 : i32
    %swap3A_607 = arith.index_cast %swap3A_606 : i32 to index
    %swap3A_608 = arith.constant 0 : index
    %swap3A_609 = tpu.vector_load %arg7[%swap3A_607, %swap3A_608] {strides = array<i32>} : memref<2x128xi32, #tpu.memory_space<vmem>>, vector<1x16xi32>,
    %swap3A_610 = vector.shape_cast %swap3A_609 : vector<1x16xi32> to vector<16xi32>
    %swap3A_611 = vector.shape_cast %add3A_605 : vector<16xi32> to vector<1x16xi32>
    tpu.vector_store %arg7[%swap3A_607, %swap3A_608], %swap3A_611 {strides = array<i32>} : memref<2x128xi32, #tpu.memory_space<vmem>>, vector<1x16xi32>,
    %get3A_612 = arith.constant 0 : i32
    %get3A_613 = arith.index_cast %get3A_612 : i32 to index
    %get3A_614 = arith.constant 16 : index
    %get3A_615 = tpu.vector_load %arg6[%get3A_613, %get3A_614] {strides = array<i32>} : memref<2x128xi32, #tpu.memory_space<vmem>>, vector<1x16xi32>,
    %get3A_616 = vector.shape_cast %get3A_615 : vector<1x16xi32> to vector<16xi32>
    %mul3A_617 = arith.constant 100352 : i32
    %mul3A_618 = arith.muli %add3A_596, %mul3A_617 : i32
    %add3A_619 = vector.broadcast %mul3A_618 : i32 to vector<16xi32>
    %add3A_620 = arith.addi %get3A_616, %add3A_619 : vector<16xi32>
    %swap3A_621 = arith.constant 0 : i32
    %swap3A_622 = arith.index_cast %swap3A_621 : i32 to index
    %swap3A_623 = arith.constant 16 : index
    %swap3A_624 = tpu.vector_load %arg7[%swap3A_622, %swap3A_623] {strides = array<i32>} : memref<2x128xi32, #tpu.memory_space<vmem>>, vector<1x16xi32>,
    %swap3A_625 = vector.shape_cast %swap3A_624 : vector<1x16xi32> to vector<16xi32>
    %swap3A_626 = vector.shape_cast %add3A_620 : vector<16xi32> to vector<1x16xi32>
    tpu.vector_store %arg7[%swap3A_622, %swap3A_623], %swap3A_626 {strides = array<i32>} : memref<2x128xi32, #tpu.memory_space<vmem>>, vector<1x16xi32>,
    %get3A_627 = arith.constant 0 : i32
    %get3A_628 = arith.index_cast %get3A_627 : i32 to index
    %get3A_629 = arith.constant 32 : index
    %get3A_630 = tpu.vector_load %arg6[%get3A_628, %get3A_629] {strides = array<i32>} : memref<2x128xi32, #tpu.memory_space<vmem>>, vector<1x16xi32>,
    %get3A_631 = vector.shape_cast %get3A_630 : vector<1x16xi32> to vector<16xi32>
    %mul3A_632 = arith.constant 100352 : i32
    %mul3A_633 = arith.muli %add3A_596, %mul3A_632 : i32
    %add3A_634 = vector.broadcast %mul3A_633 : i32 to vector<16xi32>
    %add3A_635 = arith.addi %get3A_631, %add3A_634 : vector<16xi32>
    %swap3A_636 = arith.constant 0 : i32
    %swap3A_637 = arith.index_cast %swap3A_636 : i32 to index
    %swap3A_638 = arith.constant 32 : index
    %swap3A_639 = tpu.vector_load %arg7[%swap3A_637, %swap3A_638] {strides = array<i32>} : memref<2x128xi32, #tpu.memory_space<vmem>>, vector<1x16xi32>,
    %swap3A_640 = vector.shape_cast %swap3A_639 : vector<1x16xi32> to vector<16xi32>
    %swap3A_641 = vector.shape_cast %add3A_635 : vector<16xi32> to vector<1x16xi32>
    tpu.vector_store %arg7[%swap3A_637, %swap3A_638], %swap3A_641 {strides = array<i32>} : memref<2x128xi32, #tpu.memory_space<vmem>>, vector<1x16xi32>,
    %get3A_642 = arith.constant 0 : i32
    %get3A_643 = arith.index_cast %get3A_642 : i32 to index
    %get3A_644 = arith.constant 48 : index
    %get3A_645 = tpu.vector_load %arg6[%get3A_643, %get3A_644] {strides = array<i32>} : memref<2x128xi32, #tpu.memory_space<vmem>>, vector<1x16xi32>,
    %get3A_646 = vector.shape_cast %get3A_645 : vector<1x16xi32> to vector<16xi32>
    %mul3A_647 = arith.constant 100352 : i32
    %mul3A_648 = arith.muli %add3A_596, %mul3A_647 : i32
    %add3A_649 = vector.broadcast %mul3A_648 : i32 to vector<16xi32>
    %add3A_650 = arith.addi %get3A_646, %add3A_649 : vector<16xi32>
    %swap3A_651 = arith.constant 0 : i32
    %swap3A_652 = arith.index_cast %swap3A_651 : i32 to index
    %swap3A_653 = arith.constant 48 : index
    %swap3A_654 = tpu.vector_load %arg7[%swap3A_652, %swap3A_653] {strides = array<i32>} : memref<2x128xi32, #tpu.memory_space<vmem>>, vector<1x16xi32>,
    %swap3A_655 = vector.shape_cast %swap3A_654 : vector<1x16xi32> to vector<16xi32>
    %swap3A_656 = vector.shape_cast %add3A_650 : vector<16xi32> to vector<1x16xi32>
    tpu.vector_store %arg7[%swap3A_652, %swap3A_653], %swap3A_656 {strides = array<i32>} : memref<2x128xi32, #tpu.memory_space<vmem>>, vector<1x16xi32>,
    %get3A_657 = arith.constant 0 : i32
    %get3A_658 = arith.index_cast %get3A_657 : i32 to index
    %get3A_659 = arith.constant 64 : index
    %get3A_660 = tpu.vector_load %arg6[%get3A_658, %get3A_659] {strides = array<i32>} : memref<2x128xi32, #tpu.memory_space<vmem>>, vector<1x16xi32>,
    %get3A_661 = vector.shape_cast %get3A_660 : vector<1x16xi32> to vector<16xi32>
    %mul3A_662 = arith.constant 100352 : i32
    %mul3A_663 = arith.muli %add3A_596, %mul3A_662 : i32
    %add3A_664 = vector.broadcast %mul3A_663 : i32 to vector<16xi32>
    %add3A_665 = arith.addi %get3A_661, %add3A_664 : vector<16xi32>
    %swap3A_666 = arith.constant 0 : i32
    %swap3A_667 = arith.index_cast %swap3A_666 : i32 to index
    %swap3A_668 = arith.constant 64 : index
    %swap3A_669 = tpu.vector_load %arg7[%swap3A_667, %swap3A_668] {strides = array<i32>} : memref<2x128xi32, #tpu.memory_space<vmem>>, vector<1x16xi32>,
    %swap3A_670 = vector.shape_cast %swap3A_669 : vector<1x16xi32> to vector<16xi32>
    %swap3A_671 = vector.shape_cast %add3A_665 : vector<16xi32> to vector<1x16xi32>
    tpu.vector_store %arg7[%swap3A_667, %swap3A_668], %swap3A_671 {strides = array<i32>} : memref<2x128xi32, #tpu.memory_space<vmem>>, vector<1x16xi32>,
    %get3A_672 = arith.constant 0 : i32
    %get3A_673 = arith.index_cast %get3A_672 : i32 to index
    %get3A_674 = arith.constant 80 : index
    %get3A_675 = tpu.vector_load %arg6[%get3A_673, %get3A_674] {strides = array<i32>} : memref<2x128xi32, #tpu.memory_space<vmem>>, vector<1x16xi32>,
    %get3A_676 = vector.shape_cast %get3A_675 : vector<1x16xi32> to vector<16xi32>
    %mul3A_677 = arith.constant 100352 : i32
    %mul3A_678 = arith.muli %add3A_596, %mul3A_677 : i32
    %add3A_679 = vector.broadcast %mul3A_678 : i32 to vector<16xi32>
    %add3A_680 = arith.addi %get3A_676, %add3A_679 : vector<16xi32>
    %swap3A_681 = arith.constant 0 : i32
    %swap3A_682 = arith.index_cast %swap3A_681 : i32 to index
    %swap3A_683 = arith.constant 80 : index
    %swap3A_684 = tpu.vector_load %arg7[%swap3A_682, %swap3A_683] {strides = array<i32>} : memref<2x128xi32, #tpu.memory_space<vmem>>, vector<1x16xi32>,
    %swap3A_685 = vector.shape_cast %swap3A_684 : vector<1x16xi32> to vector<16xi32>
    %swap3A_686 = vector.shape_cast %add3A_680 : vector<16xi32> to vector<1x16xi32>
    tpu.vector_store %arg7[%swap3A_682, %swap3A_683], %swap3A_686 {strides = array<i32>} : memref<2x128xi32, #tpu.memory_space<vmem>>, vector<1x16xi32>,
    %get3A_687 = arith.constant 0 : i32
    %get3A_688 = arith.index_cast %get3A_687 : i32 to index
    %get3A_689 = arith.constant 96 : index
    %get3A_690 = tpu.vector_load %arg6[%get3A_688, %get3A_689] {strides = array<i32>} : memref<2x128xi32, #tpu.memory_space<vmem>>, vector<1x16xi32>,
    %get3A_691 = vector.shape_cast %get3A_690 : vector<1x16xi32> to vector<16xi32>
    %mul3A_692 = arith.constant 100352 : i32
    %mul3A_693 = arith.muli %add3A_596, %mul3A_692 : i32
    %add3A_694 = vector.broadcast %mul3A_693 : i32 to vector<16xi32>
    %add3A_695 = arith.addi %get3A_691, %add3A_694 : vector<16xi32>
    %swap3A_696 = arith.constant 0 : i32
    %swap3A_697 = arith.index_cast %swap3A_696 : i32 to index
    %swap3A_698 = arith.constant 96 : index
    %swap3A_699 = tpu.vector_load %arg7[%swap3A_697, %swap3A_698] {strides = array<i32>} : memref<2x128xi32, #tpu.memory_space<vmem>>, vector<1x16xi32>,
    %swap3A_700 = vector.shape_cast %swap3A_699 : vector<1x16xi32> to vector<16xi32>
    %swap3A_701 = vector.shape_cast %add3A_695 : vector<16xi32> to vector<1x16xi32>
    tpu.vector_store %arg7[%swap3A_697, %swap3A_698], %swap3A_701 {strides = array<i32>} : memref<2x128xi32, #tpu.memory_space<vmem>>, vector<1x16xi32>,
    %get3A_702 = arith.constant 0 : i32
    %get3A_703 = arith.index_cast %get3A_702 : i32 to index
    %get3A_704 = arith.constant 112 : index
    %get3A_705 = tpu.vector_load %arg6[%get3A_703, %get3A_704] {strides = array<i32>} : memref<2x128xi32, #tpu.memory_space<vmem>>, vector<1x16xi32>,
    %get3A_706 = vector.shape_cast %get3A_705 : vector<1x16xi32> to vector<16xi32>
    %mul3A_707 = arith.constant 100352 : i32
    %mul3A_708 = arith.muli %add3A_596, %mul3A_707 : i32
    %add3A_709 = vector.broadcast %mul3A_708 : i32 to vector<16xi32>
    %add3A_710 = arith.addi %get3A_706, %add3A_709 : vector<16xi32>
    %swap3A_711 = arith.constant 0 : i32
    %swap3A_712 = arith.index_cast %swap3A_711 : i32 to index
    %swap3A_713 = arith.constant 112 : index
    %swap3A_714 = tpu.vector_load %arg7[%swap3A_712, %swap3A_713] {strides = array<i32>} : memref<2x128xi32, #tpu.memory_space<vmem>>, vector<1x16xi32>,
    %swap3A_715 = vector.shape_cast %swap3A_714 : vector<1x16xi32> to vector<16xi32>
    %swap3A_716 = vector.shape_cast %add3A_710 : vector<16xi32> to vector<1x16xi32>
    tpu.vector_store %arg7[%swap3A_712, %swap3A_713], %swap3A_716 {strides = array<i32>} : memref<2x128xi32, #tpu.memory_space<vmem>>, vector<1x16xi32>,
    %get3A_717 = arith.constant 1 : i32
    %get3A_718 = arith.index_cast %get3A_717 : i32 to index
    %get3A_719 = arith.constant 0 : index
    %get3A_720 = tpu.vector_load %arg6[%get3A_718, %get3A_719] {strides = array<i32>} : memref<2x128xi32, #tpu.memory_space<vmem>>, vector<1x16xi32>,
    %get3A_721 = vector.shape_cast %get3A_720 : vector<1x16xi32> to vector<16xi32>
    %mul3A_722 = arith.constant 100352 : i32
    %mul3A_723 = arith.muli %add3A_596, %mul3A_722 : i32
    %add3A_724 = vector.broadcast %mul3A_723 : i32 to vector<16xi32>
    %add3A_725 = arith.addi %get3A_721, %add3A_724 : vector<16xi32>
    %swap3A_726 = arith.constant 1 : i32
    %swap3A_727 = arith.index_cast %swap3A_726 : i32 to index
    %swap3A_728 = arith.constant 0 : index
    %swap3A_729 = tpu.vector_load %arg7[%swap3A_727, %swap3A_728] {strides = array<i32>} : memref<2x128xi32, #tpu.memory_space<vmem>>, vector<1x16xi32>,
    %swap3A_730 = vector.shape_cast %swap3A_729 : vector<1x16xi32> to vector<16xi32>
    %swap3A_731 = vector.shape_cast %add3A_725 : vector<16xi32> to vector<1x16xi32>
    tpu.vector_store %arg7[%swap3A_727, %swap3A_728], %swap3A_731 {strides = array<i32>} : memref<2x128xi32, #tpu.memory_space<vmem>>, vector<1x16xi32>,
    %get3A_732 = arith.constant 1 : i32
    %get3A_733 = arith.index_cast %get3A_732 : i32 to index
    %get3A_734 = arith.constant 16 : index
    %get3A_735 = tpu.vector_load %arg6[%get3A_733, %get3A_734] {strides = array<i32>} : memref<2x128xi32, #tpu.memory_space<vmem>>, vector<1x16xi32>,
    %get3A_736 = vector.shape_cast %get3A_735 : vector<1x16xi32> to vector<16xi32>
    %mul3A_737 = arith.constant 100352 : i32
    %mul3A_738 = arith.muli %add3A_596, %mul3A_737 : i32
    %add3A_739 = vector.broadcast %mul3A_738 : i32 to vector<16xi32>
    %add3A_740 = arith.addi %get3A_736, %add3A_739 : vector<16xi32>
    %swap3A_741 = arith.constant 1 : i32
    %swap3A_742 = arith.index_cast %swap3A_741 : i32 to index
    %swap3A_743 = arith.constant 16 : index
    %swap3A_744 = tpu.vector_load %arg7[%swap3A_742, %swap3A_743] {strides = array<i32>} : memref<2x128xi32, #tpu.memory_space<vmem>>, vector<1x16xi32>,
    %swap3A_745 = vector.shape_cast %swap3A_744 : vector<1x16xi32> to vector<16xi32>
    %swap3A_746 = vector.shape_cast %add3A_740 : vector<16xi32> to vector<1x16xi32>
    tpu.vector_store %arg7[%swap3A_742, %swap3A_743], %swap3A_746 {strides = array<i32>} : memref<2x128xi32, #tpu.memory_space<vmem>>, vector<1x16xi32>,
    %get3A_747 = arith.constant 1 : i32
    %get3A_748 = arith.index_cast %get3A_747 : i32 to index
    %get3A_749 = arith.constant 32 : index
    %get3A_750 = tpu.vector_load %arg6[%get3A_748, %get3A_749] {strides = array<i32>} : memref<2x128xi32, #tpu.memory_space<vmem>>, vector<1x16xi32>,
    %get3A_751 = vector.shape_cast %get3A_750 : vector<1x16xi32> to vector<16xi32>
    %mul3A_752 = arith.constant 100352 : i32
    %mul3A_753 = arith.muli %add3A_596, %mul3A_752 : i32
    %add3A_754 = vector.broadcast %mul3A_753 : i32 to vector<16xi32>
    %add3A_755 = arith.addi %get3A_751, %add3A_754 : vector<16xi32>
    %swap3A_756 = arith.constant 1 : i32
    %swap3A_757 = arith.index_cast %swap3A_756 : i32 to index
    %swap3A_758 = arith.constant 32 : index
    %swap3A_759 = tpu.vector_load %arg7[%swap3A_757, %swap3A_758] {strides = array<i32>} : memref<2x128xi32, #tpu.memory_space<vmem>>, vector<1x16xi32>,
    %swap3A_760 = vector.shape_cast %swap3A_759 : vector<1x16xi32> to vector<16xi32>
    %swap3A_761 = vector.shape_cast %add3A_755 : vector<16xi32> to vector<1x16xi32>
    tpu.vector_store %arg7[%swap3A_757, %swap3A_758], %swap3A_761 {strides = array<i32>} : memref<2x128xi32, #tpu.memory_space<vmem>>, vector<1x16xi32>,
    %get3A_762 = arith.constant 1 : i32
    %get3A_763 = arith.index_cast %get3A_762 : i32 to index
    %get3A_764 = arith.constant 48 : index
    %get3A_765 = tpu.vector_load %arg6[%get3A_763, %get3A_764] {strides = array<i32>} : memref<2x128xi32, #tpu.memory_space<vmem>>, vector<1x16xi32>,
    %get3A_766 = vector.shape_cast %get3A_765 : vector<1x16xi32> to vector<16xi32>
    %mul3A_767 = arith.constant 100352 : i32
    %mul3A_768 = arith.muli %add3A_596, %mul3A_767 : i32
    %add3A_769 = vector.broadcast %mul3A_768 : i32 to vector<16xi32>
    %add3A_770 = arith.addi %get3A_766, %add3A_769 : vector<16xi32>
    %swap3A_771 = arith.constant 1 : i32
    %swap3A_772 = arith.index_cast %swap3A_771 : i32 to index
    %swap3A_773 = arith.constant 48 : index
    %swap3A_774 = tpu.vector_load %arg7[%swap3A_772, %swap3A_773] {strides = array<i32>} : memref<2x128xi32, #tpu.memory_space<vmem>>, vector<1x16xi32>,
    %swap3A_775 = vector.shape_cast %swap3A_774 : vector<1x16xi32> to vector<16xi32>
    %swap3A_776 = vector.shape_cast %add3A_770 : vector<16xi32> to vector<1x16xi32>
    tpu.vector_store %arg7[%swap3A_772, %swap3A_773], %swap3A_776 {strides = array<i32>} : memref<2x128xi32, #tpu.memory_space<vmem>>, vector<1x16xi32>,
    %get3A_777 = arith.constant 1 : i32
    %get3A_778 = arith.index_cast %get3A_777 : i32 to index
    %get3A_779 = arith.constant 64 : index
    %get3A_780 = tpu.vector_load %arg6[%get3A_778, %get3A_779] {strides = array<i32>} : memref<2x128xi32, #tpu.memory_space<vmem>>, vector<1x16xi32>,
    %get3A_781 = vector.shape_cast %get3A_780 : vector<1x16xi32> to vector<16xi32>
    %mul3A_782 = arith.constant 100352 : i32
    %mul3A_783 = arith.muli %add3A_596, %mul3A_782 : i32
    %add3A_784 = vector.broadcast %mul3A_783 : i32 to vector<16xi32>
    %add3A_785 = arith.addi %get3A_781, %add3A_784 : vector<16xi32>
    %swap3A_786 = arith.constant 1 : i32
    %swap3A_787 = arith.index_cast %swap3A_786 : i32 to index
    %swap3A_788 = arith.constant 64 : index
    %swap3A_789 = tpu.vector_load %arg7[%swap3A_787, %swap3A_788] {strides = array<i32>} : memref<2x128xi32, #tpu.memory_space<vmem>>, vector<1x16xi32>,
    %swap3A_790 = vector.shape_cast %swap3A_789 : vector<1x16xi32> to vector<16xi32>
    %swap3A_791 = vector.shape_cast %add3A_785 : vector<16xi32> to vector<1x16xi32>
    tpu.vector_store %arg7[%swap3A_787, %swap3A_788], %swap3A_791 {strides = array<i32>} : memref<2x128xi32, #tpu.memory_space<vmem>>, vector<1x16xi32>,
    %get3A_792 = arith.constant 1 : i32
    %get3A_793 = arith.index_cast %get3A_792 : i32 to index
    %get3A_794 = arith.constant 80 : index
    %get3A_795 = tpu.vector_load %arg6[%get3A_793, %get3A_794] {strides = array<i32>} : memref<2x128xi32, #tpu.memory_space<vmem>>, vector<1x16xi32>,
    %get3A_796 = vector.shape_cast %get3A_795 : vector<1x16xi32> to vector<16xi32>
    %mul3A_797 = arith.constant 100352 : i32
    %mul3A_798 = arith.muli %add3A_596, %mul3A_797 : i32
    %add3A_799 = vector.broadcast %mul3A_798 : i32 to vector<16xi32>
    %add3A_800 = arith.addi %get3A_796, %add3A_799 : vector<16xi32>
    %swap3A_801 = arith.constant 1 : i32
    %swap3A_802 = arith.index_cast %swap3A_801 : i32 to index
    %swap3A_803 = arith.constant 80 : index
    %swap3A_804 = tpu.vector_load %arg7[%swap3A_802, %swap3A_803] {strides = array<i32>} : memref<2x128xi32, #tpu.memory_space<vmem>>, vector<1x16xi32>,
    %swap3A_805 = vector.shape_cast %swap3A_804 : vector<1x16xi32> to vector<16xi32>
    %swap3A_806 = vector.shape_cast %add3A_800 : vector<16xi32> to vector<1x16xi32>
    tpu.vector_store %arg7[%swap3A_802, %swap3A_803], %swap3A_806 {strides = array<i32>} : memref<2x128xi32, #tpu.memory_space<vmem>>, vector<1x16xi32>,
    %get3A_807 = arith.constant 1 : i32
    %get3A_808 = arith.index_cast %get3A_807 : i32 to index
    %get3A_809 = arith.constant 96 : index
    %get3A_810 = tpu.vector_load %arg6[%get3A_808, %get3A_809] {strides = array<i32>} : memref<2x128xi32, #tpu.memory_space<vmem>>, vector<1x16xi32>,
    %get3A_811 = vector.shape_cast %get3A_810 : vector<1x16xi32> to vector<16xi32>
    %mul3A_812 = arith.constant 100352 : i32
    %mul3A_813 = arith.muli %add3A_596, %mul3A_812 : i32
    %add3A_814 = vector.broadcast %mul3A_813 : i32 to vector<16xi32>
    %add3A_815 = arith.addi %get3A_811, %add3A_814 : vector<16xi32>
    %swap3A_816 = arith.constant 1 : i32
    %swap3A_817 = arith.index_cast %swap3A_816 : i32 to index
    %swap3A_818 = arith.constant 96 : index
    %swap3A_819 = tpu.vector_load %arg7[%swap3A_817, %swap3A_818] {strides = array<i32>} : memref<2x128xi32, #tpu.memory_space<vmem>>, vector<1x16xi32>,
    %swap3A_820 = vector.shape_cast %swap3A_819 : vector<1x16xi32> to vector<16xi32>
    %swap3A_821 = vector.shape_cast %add3A_815 : vector<16xi32> to vector<1x16xi32>
    tpu.vector_store %arg7[%swap3A_817, %swap3A_818], %swap3A_821 {strides = array<i32>} : memref<2x128xi32, #tpu.memory_space<vmem>>, vector<1x16xi32>,
    %get3A_822 = arith.constant 1 : i32
    %get3A_823 = arith.index_cast %get3A_822 : i32 to index
    %get3A_824 = arith.constant 112 : index
    %get3A_825 = tpu.vector_load %arg6[%get3A_823, %get3A_824] {strides = array<i32>} : memref<2x128xi32, #tpu.memory_space<vmem>>, vector<1x16xi32>,
    %get3A_826 = vector.shape_cast %get3A_825 : vector<1x16xi32> to vector<16xi32>
    %mul3A_827 = arith.constant 100352 : i32
    %mul3A_828 = arith.muli %add3A_596, %mul3A_827 : i32
    %add3A_829 = vector.broadcast %mul3A_828 : i32 to vector<16xi32>
    %add3A_830 = arith.addi %get3A_826, %add3A_829 : vector<16xi32>
    %swap3A_831 = arith.constant 1 : i32
    %swap3A_832 = arith.index_cast %swap3A_831 : i32 to index
    %swap3A_833 = arith.constant 112 : index
    %swap3A_834 = tpu.vector_load %arg7[%swap3A_832, %swap3A_833] {strides = array<i32>} : memref<2x128xi32, #tpu.memory_space<vmem>>, vector<1x16xi32>,
    %swap3A_835 = vector.shape_cast %swap3A_834 : vector<1x16xi32> to vector<16xi32>
    %swap3A_836 = vector.shape_cast %add3A_830 : vector<16xi32> to vector<1x16xi32>
    tpu.vector_store %arg7[%swap3A_832, %swap3A_833], %swap3A_836 {strides = array<i32>} : memref<2x128xi32, #tpu.memory_space<vmem>>, vector<1x16xi32>,
    %dma_start3A_837 = arith.constant 0 : i32
    %dma_start3A_838 = arith.constant 0 : i32
    %dma_start3A_839 = arith.constant 0 : i32
    %dma_start3A_840 = tpu.memref_slice %arg8[%dma_start3A_838, %dma_start3A_839] : memref<2x128xf32, #tpu.memory_space<vmem>> -> memref<1x128xf32, #tpu.memory_space<vmem>>
    %dma_start3A_841 = tpu.memref_squeeze %dma_start3A_840 : memref<1x128xf32, #tpu.memory_space<vmem>> -> memref<128xf32, #tpu.memory_space<vmem>>
    %dma_start3A_842 = arith.constant 0 : i32
    %dma_start3A_843 = tpu.memref_slice %arg7[%dma_start3A_837, %dma_start3A_842] : memref<2x128xi32, #tpu.memory_space<vmem>> -> memref<1x128xi32, #tpu.memory_space<vmem>>
    %dma_start3A_844 = tpu.memref_squeeze %dma_start3A_843 : memref<1x128xi32, #tpu.memory_space<vmem>> -> memref<128xi32, #tpu.memory_space<vmem>>
    %dma_start3A_845 = arith.constant 0 : i32
    %dma_start3A_846 = tpu.memref_slice %arg2[%dma_start3A_845] : memref<6422528xf32, #tpu.memory_space<hbm>> -> memref<6422528xf32, #tpu.memory_space<hbm>>
    tpu.enqueue_indirect_dma source(%dma_start3A_846 : memref<6422528xf32, #tpu.memory_space<hbm>>) target(%dma_start3A_841 : memref<128xf32, #tpu.memory_space<vmem>>) offsets(%dma_start3A_844 : memref<128xi32, #tpu.memory_space<vmem>>) semaphore(%arg10 : memref<!tpu.dma_semaphore, #tpu.memory_space<semaphore_mem>>)
    %dma_start3A_847 = arith.constant 1 : i32
    %dma_start3A_848 = arith.constant 1 : i32
    %dma_start3A_849 = arith.constant 0 : i32
    %dma_start3A_850 = tpu.memref_slice %arg8[%dma_start3A_848, %dma_start3A_849] : memref<2x128xf32, #tpu.memory_space<vmem>> -> memref<1x128xf32, #tpu.memory_space<vmem>>
    %dma_start3A_851 = tpu.memref_squeeze %dma_start3A_850 : memref<1x128xf32, #tpu.memory_space<vmem>> -> memref<128xf32, #tpu.memory_space<vmem>>
    %dma_start3A_852 = arith.constant 0 : i32
    %dma_start3A_853 = tpu.memref_slice %arg7[%dma_start3A_847, %dma_start3A_852] : memref<2x128xi32, #tpu.memory_space<vmem>> -> memref<1x128xi32, #tpu.memory_space<vmem>>
    %dma_start3A_854 = tpu.memref_squeeze %dma_start3A_853 : memref<1x128xi32, #tpu.memory_space<vmem>> -> memref<128xi32, #tpu.memory_space<vmem>>
    %dma_start3A_855 = arith.constant 0 : i32
    %dma_start3A_856 = tpu.memref_slice %arg2[%dma_start3A_855] : memref<6422528xf32, #tpu.memory_space<hbm>> -> memref<6422528xf32, #tpu.memory_space<hbm>>
    tpu.enqueue_indirect_dma source(%dma_start3A_856 : memref<6422528xf32, #tpu.memory_space<hbm>>) target(%dma_start3A_851 : memref<128xf32, #tpu.memory_space<vmem>>) offsets(%dma_start3A_854 : memref<128xi32, #tpu.memory_space<vmem>>) semaphore(%arg10 : memref<!tpu.dma_semaphore, #tpu.memory_space<semaphore_mem>>)
    %dma_wait3A_857 = arith.constant 0 : i32
    %dma_wait3A_858 = arith.constant 0 : i32
    %dma_wait3A_859 = arith.constant 0 : i32
    %dma_wait3A_860 = tpu.memref_slice %arg8[%dma_wait3A_858, %dma_wait3A_859] : memref<2x128xf32, #tpu.memory_space<vmem>> -> memref<1x128xf32, #tpu.memory_space<vmem>>
    %dma_wait3A_861 = tpu.memref_squeeze %dma_wait3A_860 : memref<1x128xf32, #tpu.memory_space<vmem>> -> memref<128xf32, #tpu.memory_space<vmem>>
    %dma_wait3A_862 = arith.constant 0 : i32
    %dma_wait3A_863 = tpu.memref_slice %arg7[%dma_wait3A_857, %dma_wait3A_862] : memref<2x128xi32, #tpu.memory_space<vmem>> -> memref<1x128xi32, #tpu.memory_space<vmem>>
    %dma_wait3A_864 = tpu.memref_squeeze %dma_wait3A_863 : memref<1x128xi32, #tpu.memory_space<vmem>> -> memref<128xi32, #tpu.memory_space<vmem>>
    %dma_wait3A_865 = arith.constant 0 : i32
    %dma_wait3A_866 = tpu.memref_slice %arg2[%dma_wait3A_865] : memref<6422528xf32, #tpu.memory_space<hbm>> -> memref<6422528xf32, #tpu.memory_space<hbm>>
    tpu.wait_indirect_dma semaphore(%arg10 : memref<!tpu.dma_semaphore, #tpu.memory_space<semaphore_mem>>) src(%dma_wait3A_866 : memref<6422528xf32, #tpu.memory_space<hbm>>) dst(%dma_wait3A_861 : memref<128xf32, #tpu.memory_space<vmem>>)
    %dma_wait3A_867 = arith.constant 1 : i32
    %dma_wait3A_868 = arith.constant 1 : i32
    %dma_wait3A_869 = arith.constant 0 : i32
    %dma_wait3A_870 = tpu.memref_slice %arg8[%dma_wait3A_868, %dma_wait3A_869] : memref<2x128xf32, #tpu.memory_space<vmem>> -> memref<1x128xf32, #tpu.memory_space<vmem>>
    %dma_wait3A_871 = tpu.memref_squeeze %dma_wait3A_870 : memref<1x128xf32, #tpu.memory_space<vmem>> -> memref<128xf32, #tpu.memory_space<vmem>>
    %dma_wait3A_872 = arith.constant 0 : i32
    %dma_wait3A_873 = tpu.memref_slice %arg7[%dma_wait3A_867, %dma_wait3A_872] : memref<2x128xi32, #tpu.memory_space<vmem>> -> memref<1x128xi32, #tpu.memory_space<vmem>>
    %dma_wait3A_874 = tpu.memref_squeeze %dma_wait3A_873 : memref<1x128xi32, #tpu.memory_space<vmem>> -> memref<128xi32, #tpu.memory_space<vmem>>
    %dma_wait3A_875 = arith.constant 0 : i32
    %dma_wait3A_876 = tpu.memref_slice %arg2[%dma_wait3A_875] : memref<6422528xf32, #tpu.memory_space<hbm>> -> memref<6422528xf32, #tpu.memory_space<hbm>>
    tpu.wait_indirect_dma semaphore(%arg10 : memref<!tpu.dma_semaphore, #tpu.memory_space<semaphore_mem>>) src(%dma_wait3A_876 : memref<6422528xf32, #tpu.memory_space<hbm>>) dst(%dma_wait3A_871 : memref<128xf32, #tpu.memory_space<vmem>>)
    %get3A_877 = arith.constant 0 : i32
    %get3A_878 = arith.index_cast %get3A_877 : i32 to index
    %get3A_879 = arith.constant 0 : index
    %get3A_880 = tpu.vector_load %arg8[%get3A_878, %get3A_879] {strides = array<i32>} : memref<2x128xf32, #tpu.memory_space<vmem>>, vector<1x16xf32>,
    %get3A_881 = vector.shape_cast %get3A_880 : vector<1x16xf32> to vector<16xf32>
    %lt3A_882 = arith.constant 0.000000e+00 : f32
    %lt3A_883 = vector.broadcast %lt3A_882 : f32 to vector<16xf32>
    %lt3A_884 = arith.cmpf olt, %get3A_881, %lt3A_883 : vector<16xf32>
    %mul3A_885 = arith.mulf %get3A_881, %get3A_2 : vector<16xf32>
    %div3A_886 = arith.divf %get3A_881, %get3A_2 : vector<16xf32>
    %select_n3A_887 = arith.select %lt3A_884, %mul3A_885, %div3A_886 : vector<16xi1>, vector<16xf32>
    %swap3A_888 = arith.constant 0 : i32
    %swap3A_889 = arith.index_cast %swap3A_888 : i32 to index
    %swap3A_890 = arith.constant 0 : index
    %swap3A_891 = tpu.vector_load %arg8[%swap3A_889, %swap3A_890] {strides = array<i32>} : memref<2x128xf32, #tpu.memory_space<vmem>>, vector<1x16xf32>,
    %swap3A_892 = vector.shape_cast %swap3A_891 : vector<1x16xf32> to vector<16xf32>
    %swap3A_893 = vector.shape_cast %select_n3A_887 : vector<16xf32> to vector<1x16xf32>
    tpu.vector_store %arg8[%swap3A_889, %swap3A_890], %swap3A_893 {strides = array<i32>} : memref<2x128xf32, #tpu.memory_space<vmem>>, vector<1x16xf32>,
    %get3A_894 = arith.constant 0 : i32
    %get3A_895 = arith.index_cast %get3A_894 : i32 to index
    %get3A_896 = arith.constant 16 : index
    %get3A_897 = tpu.vector_load %arg8[%get3A_895, %get3A_896] {strides = array<i32>} : memref<2x128xf32, #tpu.memory_space<vmem>>, vector<1x16xf32>,
    %get3A_898 = vector.shape_cast %get3A_897 : vector<1x16xf32> to vector<16xf32>
    %lt3A_899 = arith.constant 0.000000e+00 : f32
    %lt3A_900 = vector.broadcast %lt3A_899 : f32 to vector<16xf32>
    %lt3A_901 = arith.cmpf olt, %get3A_898, %lt3A_900 : vector<16xf32>
    %mul3A_902 = arith.mulf %get3A_898, %get3A_2 : vector<16xf32>
    %div3A_903 = arith.divf %get3A_898, %get3A_2 : vector<16xf32>
    %select_n3A_904 = arith.select %lt3A_901, %mul3A_902, %div3A_903 : vector<16xi1>, vector<16xf32>
    %swap3A_905 = arith.constant 0 : i32
    %swap3A_906 = arith.index_cast %swap3A_905 : i32 to index
    %swap3A_907 = arith.constant 16 : index
    %swap3A_908 = tpu.vector_load %arg8[%swap3A_906, %swap3A_907] {strides = array<i32>} : memref<2x128xf32, #tpu.memory_space<vmem>>, vector<1x16xf32>,
    %swap3A_909 = vector.shape_cast %swap3A_908 : vector<1x16xf32> to vector<16xf32>
    %swap3A_910 = vector.shape_cast %select_n3A_904 : vector<16xf32> to vector<1x16xf32>
    tpu.vector_store %arg8[%swap3A_906, %swap3A_907], %swap3A_910 {strides = array<i32>} : memref<2x128xf32, #tpu.memory_space<vmem>>, vector<1x16xf32>,
    %get3A_911 = arith.constant 0 : i32
    %get3A_912 = arith.index_cast %get3A_911 : i32 to index
    %get3A_913 = arith.constant 32 : index
    %get3A_914 = tpu.vector_load %arg8[%get3A_912, %get3A_913] {strides = array<i32>} : memref<2x128xf32, #tpu.memory_space<vmem>>, vector<1x16xf32>,
    %get3A_915 = vector.shape_cast %get3A_914 : vector<1x16xf32> to vector<16xf32>
    %lt3A_916 = arith.constant 0.000000e+00 : f32
    %lt3A_917 = vector.broadcast %lt3A_916 : f32 to vector<16xf32>
    %lt3A_918 = arith.cmpf olt, %get3A_915, %lt3A_917 : vector<16xf32>
    %mul3A_919 = arith.mulf %get3A_915, %get3A_2 : vector<16xf32>
    %div3A_920 = arith.divf %get3A_915, %get3A_2 : vector<16xf32>
    %select_n3A_921 = arith.select %lt3A_918, %mul3A_919, %div3A_920 : vector<16xi1>, vector<16xf32>
    %swap3A_922 = arith.constant 0 : i32
    %swap3A_923 = arith.index_cast %swap3A_922 : i32 to index
    %swap3A_924 = arith.constant 32 : index
    %swap3A_925 = tpu.vector_load %arg8[%swap3A_923, %swap3A_924] {strides = array<i32>} : memref<2x128xf32, #tpu.memory_space<vmem>>, vector<1x16xf32>,
    %swap3A_926 = vector.shape_cast %swap3A_925 : vector<1x16xf32> to vector<16xf32>
    %swap3A_927 = vector.shape_cast %select_n3A_921 : vector<16xf32> to vector<1x16xf32>
    tpu.vector_store %arg8[%swap3A_923, %swap3A_924], %swap3A_927 {strides = array<i32>} : memref<2x128xf32, #tpu.memory_space<vmem>>, vector<1x16xf32>,
    %get3A_928 = arith.constant 0 : i32
    %get3A_929 = arith.index_cast %get3A_928 : i32 to index
    %get3A_930 = arith.constant 48 : index
    %get3A_931 = tpu.vector_load %arg8[%get3A_929, %get3A_930] {strides = array<i32>} : memref<2x128xf32, #tpu.memory_space<vmem>>, vector<1x16xf32>,
    %get3A_932 = vector.shape_cast %get3A_931 : vector<1x16xf32> to vector<16xf32>
    %lt3A_933 = arith.constant 0.000000e+00 : f32
    %lt3A_934 = vector.broadcast %lt3A_933 : f32 to vector<16xf32>
    %lt3A_935 = arith.cmpf olt, %get3A_932, %lt3A_934 : vector<16xf32>
    %mul3A_936 = arith.mulf %get3A_932, %get3A_2 : vector<16xf32>
    %div3A_937 = arith.divf %get3A_932, %get3A_2 : vector<16xf32>
    %select_n3A_938 = arith.select %lt3A_935, %mul3A_936, %div3A_937 : vector<16xi1>, vector<16xf32>
    %swap3A_939 = arith.constant 0 : i32
    %swap3A_940 = arith.index_cast %swap3A_939 : i32 to index
    %swap3A_941 = arith.constant 48 : index
    %swap3A_942 = tpu.vector_load %arg8[%swap3A_940, %swap3A_941] {strides = array<i32>} : memref<2x128xf32, #tpu.memory_space<vmem>>, vector<1x16xf32>,
    %swap3A_943 = vector.shape_cast %swap3A_942 : vector<1x16xf32> to vector<16xf32>
    %swap3A_944 = vector.shape_cast %select_n3A_938 : vector<16xf32> to vector<1x16xf32>
    tpu.vector_store %arg8[%swap3A_940, %swap3A_941], %swap3A_944 {strides = array<i32>} : memref<2x128xf32, #tpu.memory_space<vmem>>, vector<1x16xf32>,
    %get3A_945 = arith.constant 0 : i32
    %get3A_946 = arith.index_cast %get3A_945 : i32 to index
    %get3A_947 = arith.constant 64 : index
    %get3A_948 = tpu.vector_load %arg8[%get3A_946, %get3A_947] {strides = array<i32>} : memref<2x128xf32, #tpu.memory_space<vmem>>, vector<1x16xf32>,
    %get3A_949 = vector.shape_cast %get3A_948 : vector<1x16xf32> to vector<16xf32>
    %lt3A_950 = arith.constant 0.000000e+00 : f32
    %lt3A_951 = vector.broadcast %lt3A_950 : f32 to vector<16xf32>
    %lt3A_952 = arith.cmpf olt, %get3A_949, %lt3A_951 : vector<16xf32>
    %mul3A_953 = arith.mulf %get3A_949, %get3A_2 : vector<16xf32>
    %div3A_954 = arith.divf %get3A_949, %get3A_2 : vector<16xf32>
    %select_n3A_955 = arith.select %lt3A_952, %mul3A_953, %div3A_954 : vector<16xi1>, vector<16xf32>
    %swap3A_956 = arith.constant 0 : i32
    %swap3A_957 = arith.index_cast %swap3A_956 : i32 to index
    %swap3A_958 = arith.constant 64 : index
    %swap3A_959 = tpu.vector_load %arg8[%swap3A_957, %swap3A_958] {strides = array<i32>} : memref<2x128xf32, #tpu.memory_space<vmem>>, vector<1x16xf32>,
    %swap3A_960 = vector.shape_cast %swap3A_959 : vector<1x16xf32> to vector<16xf32>
    %swap3A_961 = vector.shape_cast %select_n3A_955 : vector<16xf32> to vector<1x16xf32>
    tpu.vector_store %arg8[%swap3A_957, %swap3A_958], %swap3A_961 {strides = array<i32>} : memref<2x128xf32, #tpu.memory_space<vmem>>, vector<1x16xf32>,
    %get3A_962 = arith.constant 0 : i32
    %get3A_963 = arith.index_cast %get3A_962 : i32 to index
    %get3A_964 = arith.constant 80 : index
    %get3A_965 = tpu.vector_load %arg8[%get3A_963, %get3A_964] {strides = array<i32>} : memref<2x128xf32, #tpu.memory_space<vmem>>, vector<1x16xf32>,
    %get3A_966 = vector.shape_cast %get3A_965 : vector<1x16xf32> to vector<16xf32>
    %lt3A_967 = arith.constant 0.000000e+00 : f32
    %lt3A_968 = vector.broadcast %lt3A_967 : f32 to vector<16xf32>
    %lt3A_969 = arith.cmpf olt, %get3A_966, %lt3A_968 : vector<16xf32>
    %mul3A_970 = arith.mulf %get3A_966, %get3A_2 : vector<16xf32>
    %div3A_971 = arith.divf %get3A_966, %get3A_2 : vector<16xf32>
    %select_n3A_972 = arith.select %lt3A_969, %mul3A_970, %div3A_971 : vector<16xi1>, vector<16xf32>
    %swap3A_973 = arith.constant 0 : i32
    %swap3A_974 = arith.index_cast %swap3A_973 : i32 to index
    %swap3A_975 = arith.constant 80 : index
    %swap3A_976 = tpu.vector_load %arg8[%swap3A_974, %swap3A_975] {strides = array<i32>} : memref<2x128xf32, #tpu.memory_space<vmem>>, vector<1x16xf32>,
    %swap3A_977 = vector.shape_cast %swap3A_976 : vector<1x16xf32> to vector<16xf32>
    %swap3A_978 = vector.shape_cast %select_n3A_972 : vector<16xf32> to vector<1x16xf32>
    tpu.vector_store %arg8[%swap3A_974, %swap3A_975], %swap3A_978 {strides = array<i32>} : memref<2x128xf32, #tpu.memory_space<vmem>>, vector<1x16xf32>,
    %get3A_979 = arith.constant 0 : i32
    %get3A_980 = arith.index_cast %get3A_979 : i32 to index
    %get3A_981 = arith.constant 96 : index
    %get3A_982 = tpu.vector_load %arg8[%get3A_980, %get3A_981] {strides = array<i32>} : memref<2x128xf32, #tpu.memory_space<vmem>>, vector<1x16xf32>,
    %get3A_983 = vector.shape_cast %get3A_982 : vector<1x16xf32> to vector<16xf32>
    %lt3A_984 = arith.constant 0.000000e+00 : f32
    %lt3A_985 = vector.broadcast %lt3A_984 : f32 to vector<16xf32>
    %lt3A_986 = arith.cmpf olt, %get3A_983, %lt3A_985 : vector<16xf32>
    %mul3A_987 = arith.mulf %get3A_983, %get3A_2 : vector<16xf32>
    %div3A_988 = arith.divf %get3A_983, %get3A_2 : vector<16xf32>
    %select_n3A_989 = arith.select %lt3A_986, %mul3A_987, %div3A_988 : vector<16xi1>, vector<16xf32>
    %swap3A_990 = arith.constant 0 : i32
    %swap3A_991 = arith.index_cast %swap3A_990 : i32 to index
    %swap3A_992 = arith.constant 96 : index
    %swap3A_993 = tpu.vector_load %arg8[%swap3A_991, %swap3A_992] {strides = array<i32>} : memref<2x128xf32, #tpu.memory_space<vmem>>, vector<1x16xf32>,
    %swap3A_994 = vector.shape_cast %swap3A_993 : vector<1x16xf32> to vector<16xf32>
    %swap3A_995 = vector.shape_cast %select_n3A_989 : vector<16xf32> to vector<1x16xf32>
    tpu.vector_store %arg8[%swap3A_991, %swap3A_992], %swap3A_995 {strides = array<i32>} : memref<2x128xf32, #tpu.memory_space<vmem>>, vector<1x16xf32>,
    %get3A_996 = arith.constant 0 : i32
    %get3A_997 = arith.index_cast %get3A_996 : i32 to index
    %get3A_998 = arith.constant 112 : index
    %get3A_999 = tpu.vector_load %arg8[%get3A_997, %get3A_998] {strides = array<i32>} : memref<2x128xf32, #tpu.memory_space<vmem>>, vector<1x16xf32>,
    %get3A_1000 = vector.shape_cast %get3A_999 : vector<1x16xf32> to vector<16xf32>
    %lt3A_1001 = arith.constant 0.000000e+00 : f32
    %lt3A_1002 = vector.broadcast %lt3A_1001 : f32 to vector<16xf32>
    %lt3A_1003 = arith.cmpf olt, %get3A_1000, %lt3A_1002 : vector<16xf32>
    %mul3A_1004 = arith.mulf %get3A_1000, %get3A_2 : vector<16xf32>
    %div3A_1005 = arith.divf %get3A_1000, %get3A_2 : vector<16xf32>
    %select_n3A_1006 = arith.select %lt3A_1003, %mul3A_1004, %div3A_1005 : vector<16xi1>, vector<16xf32>
    %swap3A_1007 = arith.constant 0 : i32
    %swap3A_1008 = arith.index_cast %swap3A_1007 : i32 to index
    %swap3A_1009 = arith.constant 112 : index
    %swap3A_1010 = tpu.vector_load %arg8[%swap3A_1008, %swap3A_1009] {strides = array<i32>} : memref<2x128xf32, #tpu.memory_space<vmem>>, vector<1x16xf32>,
    %swap3A_1011 = vector.shape_cast %swap3A_1010 : vector<1x16xf32> to vector<16xf32>
    %swap3A_1012 = vector.shape_cast %select_n3A_1006 : vector<16xf32> to vector<1x16xf32>
    tpu.vector_store %arg8[%swap3A_1008, %swap3A_1009], %swap3A_1012 {strides = array<i32>} : memref<2x128xf32, #tpu.memory_space<vmem>>, vector<1x16xf32>,
    %get3A_1013 = arith.constant 1 : i32
    %get3A_1014 = arith.index_cast %get3A_1013 : i32 to index
    %get3A_1015 = arith.constant 0 : index
    %get3A_1016 = tpu.vector_load %arg8[%get3A_1014, %get3A_1015] {strides = array<i32>} : memref<2x128xf32, #tpu.memory_space<vmem>>, vector<1x16xf32>,
    %get3A_1017 = vector.shape_cast %get3A_1016 : vector<1x16xf32> to vector<16xf32>
    %lt3A_1018 = arith.constant 0.000000e+00 : f32
    %lt3A_1019 = vector.broadcast %lt3A_1018 : f32 to vector<16xf32>
    %lt3A_1020 = arith.cmpf olt, %get3A_1017, %lt3A_1019 : vector<16xf32>
    %mul3A_1021 = arith.mulf %get3A_1017, %get3A_2 : vector<16xf32>
    %div3A_1022 = arith.divf %get3A_1017, %get3A_2 : vector<16xf32>
    %select_n3A_1023 = arith.select %lt3A_1020, %mul3A_1021, %div3A_1022 : vector<16xi1>, vector<16xf32>
    %swap3A_1024 = arith.constant 1 : i32
    %swap3A_1025 = arith.index_cast %swap3A_1024 : i32 to index
    %swap3A_1026 = arith.constant 0 : index
    %swap3A_1027 = tpu.vector_load %arg8[%swap3A_1025, %swap3A_1026] {strides = array<i32>} : memref<2x128xf32, #tpu.memory_space<vmem>>, vector<1x16xf32>,
    %swap3A_1028 = vector.shape_cast %swap3A_1027 : vector<1x16xf32> to vector<16xf32>
    %swap3A_1029 = vector.shape_cast %select_n3A_1023 : vector<16xf32> to vector<1x16xf32>
    tpu.vector_store %arg8[%swap3A_1025, %swap3A_1026], %swap3A_1029 {strides = array<i32>} : memref<2x128xf32, #tpu.memory_space<vmem>>, vector<1x16xf32>,
    %get3A_1030 = arith.constant 1 : i32
    %get3A_1031 = arith.index_cast %get3A_1030 : i32 to index
    %get3A_1032 = arith.constant 16 : index
    %get3A_1033 = tpu.vector_load %arg8[%get3A_1031, %get3A_1032] {strides = array<i32>} : memref<2x128xf32, #tpu.memory_space<vmem>>, vector<1x16xf32>,
    %get3A_1034 = vector.shape_cast %get3A_1033 : vector<1x16xf32> to vector<16xf32>
    %lt3A_1035 = arith.constant 0.000000e+00 : f32
    %lt3A_1036 = vector.broadcast %lt3A_1035 : f32 to vector<16xf32>
    %lt3A_1037 = arith.cmpf olt, %get3A_1034, %lt3A_1036 : vector<16xf32>
    %mul3A_1038 = arith.mulf %get3A_1034, %get3A_2 : vector<16xf32>
    %div3A_1039 = arith.divf %get3A_1034, %get3A_2 : vector<16xf32>
    %select_n3A_1040 = arith.select %lt3A_1037, %mul3A_1038, %div3A_1039 : vector<16xi1>, vector<16xf32>
    %swap3A_1041 = arith.constant 1 : i32
    %swap3A_1042 = arith.index_cast %swap3A_1041 : i32 to index
    %swap3A_1043 = arith.constant 16 : index
    %swap3A_1044 = tpu.vector_load %arg8[%swap3A_1042, %swap3A_1043] {strides = array<i32>} : memref<2x128xf32, #tpu.memory_space<vmem>>, vector<1x16xf32>,
    %swap3A_1045 = vector.shape_cast %swap3A_1044 : vector<1x16xf32> to vector<16xf32>
    %swap3A_1046 = vector.shape_cast %select_n3A_1040 : vector<16xf32> to vector<1x16xf32>
    tpu.vector_store %arg8[%swap3A_1042, %swap3A_1043], %swap3A_1046 {strides = array<i32>} : memref<2x128xf32, #tpu.memory_space<vmem>>, vector<1x16xf32>,
    %get3A_1047 = arith.constant 1 : i32
    %get3A_1048 = arith.index_cast %get3A_1047 : i32 to index
    %get3A_1049 = arith.constant 32 : index
    %get3A_1050 = tpu.vector_load %arg8[%get3A_1048, %get3A_1049] {strides = array<i32>} : memref<2x128xf32, #tpu.memory_space<vmem>>, vector<1x16xf32>,
    %get3A_1051 = vector.shape_cast %get3A_1050 : vector<1x16xf32> to vector<16xf32>
    %lt3A_1052 = arith.constant 0.000000e+00 : f32
    %lt3A_1053 = vector.broadcast %lt3A_1052 : f32 to vector<16xf32>
    %lt3A_1054 = arith.cmpf olt, %get3A_1051, %lt3A_1053 : vector<16xf32>
    %mul3A_1055 = arith.mulf %get3A_1051, %get3A_2 : vector<16xf32>
    %div3A_1056 = arith.divf %get3A_1051, %get3A_2 : vector<16xf32>
    %select_n3A_1057 = arith.select %lt3A_1054, %mul3A_1055, %div3A_1056 : vector<16xi1>, vector<16xf32>
    %swap3A_1058 = arith.constant 1 : i32
    %swap3A_1059 = arith.index_cast %swap3A_1058 : i32 to index
    %swap3A_1060 = arith.constant 32 : index
    %swap3A_1061 = tpu.vector_load %arg8[%swap3A_1059, %swap3A_1060] {strides = array<i32>} : memref<2x128xf32, #tpu.memory_space<vmem>>, vector<1x16xf32>,
    %swap3A_1062 = vector.shape_cast %swap3A_1061 : vector<1x16xf32> to vector<16xf32>
    %swap3A_1063 = vector.shape_cast %select_n3A_1057 : vector<16xf32> to vector<1x16xf32>
    tpu.vector_store %arg8[%swap3A_1059, %swap3A_1060], %swap3A_1063 {strides = array<i32>} : memref<2x128xf32, #tpu.memory_space<vmem>>, vector<1x16xf32>,
    %get3A_1064 = arith.constant 1 : i32
    %get3A_1065 = arith.index_cast %get3A_1064 : i32 to index
    %get3A_1066 = arith.constant 48 : index
    %get3A_1067 = tpu.vector_load %arg8[%get3A_1065, %get3A_1066] {strides = array<i32>} : memref<2x128xf32, #tpu.memory_space<vmem>>, vector<1x16xf32>,
    %get3A_1068 = vector.shape_cast %get3A_1067 : vector<1x16xf32> to vector<16xf32>
    %lt3A_1069 = arith.constant 0.000000e+00 : f32
    %lt3A_1070 = vector.broadcast %lt3A_1069 : f32 to vector<16xf32>
    %lt3A_1071 = arith.cmpf olt, %get3A_1068, %lt3A_1070 : vector<16xf32>
    %mul3A_1072 = arith.mulf %get3A_1068, %get3A_2 : vector<16xf32>
    %div3A_1073 = arith.divf %get3A_1068, %get3A_2 : vector<16xf32>
    %select_n3A_1074 = arith.select %lt3A_1071, %mul3A_1072, %div3A_1073 : vector<16xi1>, vector<16xf32>
    %swap3A_1075 = arith.constant 1 : i32
    %swap3A_1076 = arith.index_cast %swap3A_1075 : i32 to index
    %swap3A_1077 = arith.constant 48 : index
    %swap3A_1078 = tpu.vector_load %arg8[%swap3A_1076, %swap3A_1077] {strides = array<i32>} : memref<2x128xf32, #tpu.memory_space<vmem>>, vector<1x16xf32>,
    %swap3A_1079 = vector.shape_cast %swap3A_1078 : vector<1x16xf32> to vector<16xf32>
    %swap3A_1080 = vector.shape_cast %select_n3A_1074 : vector<16xf32> to vector<1x16xf32>
    tpu.vector_store %arg8[%swap3A_1076, %swap3A_1077], %swap3A_1080 {strides = array<i32>} : memref<2x128xf32, #tpu.memory_space<vmem>>, vector<1x16xf32>,
    %get3A_1081 = arith.constant 1 : i32
    %get3A_1082 = arith.index_cast %get3A_1081 : i32 to index
    %get3A_1083 = arith.constant 64 : index
    %get3A_1084 = tpu.vector_load %arg8[%get3A_1082, %get3A_1083] {strides = array<i32>} : memref<2x128xf32, #tpu.memory_space<vmem>>, vector<1x16xf32>,
    %get3A_1085 = vector.shape_cast %get3A_1084 : vector<1x16xf32> to vector<16xf32>
    %lt3A_1086 = arith.constant 0.000000e+00 : f32
    %lt3A_1087 = vector.broadcast %lt3A_1086 : f32 to vector<16xf32>
    %lt3A_1088 = arith.cmpf olt, %get3A_1085, %lt3A_1087 : vector<16xf32>
    %mul3A_1089 = arith.mulf %get3A_1085, %get3A_2 : vector<16xf32>
    %div3A_1090 = arith.divf %get3A_1085, %get3A_2 : vector<16xf32>
    %select_n3A_1091 = arith.select %lt3A_1088, %mul3A_1089, %div3A_1090 : vector<16xi1>, vector<16xf32>
    %swap3A_1092 = arith.constant 1 : i32
    %swap3A_1093 = arith.index_cast %swap3A_1092 : i32 to index
    %swap3A_1094 = arith.constant 64 : index
    %swap3A_1095 = tpu.vector_load %arg8[%swap3A_1093, %swap3A_1094] {strides = array<i32>} : memref<2x128xf32, #tpu.memory_space<vmem>>, vector<1x16xf32>,
    %swap3A_1096 = vector.shape_cast %swap3A_1095 : vector<1x16xf32> to vector<16xf32>
    %swap3A_1097 = vector.shape_cast %select_n3A_1091 : vector<16xf32> to vector<1x16xf32>
    tpu.vector_store %arg8[%swap3A_1093, %swap3A_1094], %swap3A_1097 {strides = array<i32>} : memref<2x128xf32, #tpu.memory_space<vmem>>, vector<1x16xf32>,
    %get3A_1098 = arith.constant 1 : i32
    %get3A_1099 = arith.index_cast %get3A_1098 : i32 to index
    %get3A_1100 = arith.constant 80 : index
    %get3A_1101 = tpu.vector_load %arg8[%get3A_1099, %get3A_1100] {strides = array<i32>} : memref<2x128xf32, #tpu.memory_space<vmem>>, vector<1x16xf32>,
    %get3A_1102 = vector.shape_cast %get3A_1101 : vector<1x16xf32> to vector<16xf32>
    %lt3A_1103 = arith.constant 0.000000e+00 : f32
    %lt3A_1104 = vector.broadcast %lt3A_1103 : f32 to vector<16xf32>
    %lt3A_1105 = arith.cmpf olt, %get3A_1102, %lt3A_1104 : vector<16xf32>
    %mul3A_1106 = arith.mulf %get3A_1102, %get3A_2 : vector<16xf32>
    %div3A_1107 = arith.divf %get3A_1102, %get3A_2 : vector<16xf32>
    %select_n3A_1108 = arith.select %lt3A_1105, %mul3A_1106, %div3A_1107 : vector<16xi1>, vector<16xf32>
    %swap3A_1109 = arith.constant 1 : i32
    %swap3A_1110 = arith.index_cast %swap3A_1109 : i32 to index
    %swap3A_1111 = arith.constant 80 : index
    %swap3A_1112 = tpu.vector_load %arg8[%swap3A_1110, %swap3A_1111] {strides = array<i32>} : memref<2x128xf32, #tpu.memory_space<vmem>>, vector<1x16xf32>,
    %swap3A_1113 = vector.shape_cast %swap3A_1112 : vector<1x16xf32> to vector<16xf32>
    %swap3A_1114 = vector.shape_cast %select_n3A_1108 : vector<16xf32> to vector<1x16xf32>
    tpu.vector_store %arg8[%swap3A_1110, %swap3A_1111], %swap3A_1114 {strides = array<i32>} : memref<2x128xf32, #tpu.memory_space<vmem>>, vector<1x16xf32>,
    %get3A_1115 = arith.constant 1 : i32
    %get3A_1116 = arith.index_cast %get3A_1115 : i32 to index
    %get3A_1117 = arith.constant 96 : index
    %get3A_1118 = tpu.vector_load %arg8[%get3A_1116, %get3A_1117] {strides = array<i32>} : memref<2x128xf32, #tpu.memory_space<vmem>>, vector<1x16xf32>,
    %get3A_1119 = vector.shape_cast %get3A_1118 : vector<1x16xf32> to vector<16xf32>
    %lt3A_1120 = arith.constant 0.000000e+00 : f32
    %lt3A_1121 = vector.broadcast %lt3A_1120 : f32 to vector<16xf32>
    %lt3A_1122 = arith.cmpf olt, %get3A_1119, %lt3A_1121 : vector<16xf32>
    %mul3A_1123 = arith.mulf %get3A_1119, %get3A_2 : vector<16xf32>
    %div3A_1124 = arith.divf %get3A_1119, %get3A_2 : vector<16xf32>
    %select_n3A_1125 = arith.select %lt3A_1122, %mul3A_1123, %div3A_1124 : vector<16xi1>, vector<16xf32>
    %swap3A_1126 = arith.constant 1 : i32
    %swap3A_1127 = arith.index_cast %swap3A_1126 : i32 to index
    %swap3A_1128 = arith.constant 96 : index
    %swap3A_1129 = tpu.vector_load %arg8[%swap3A_1127, %swap3A_1128] {strides = array<i32>} : memref<2x128xf32, #tpu.memory_space<vmem>>, vector<1x16xf32>,
    %swap3A_1130 = vector.shape_cast %swap3A_1129 : vector<1x16xf32> to vector<16xf32>
    %swap3A_1131 = vector.shape_cast %select_n3A_1125 : vector<16xf32> to vector<1x16xf32>
    tpu.vector_store %arg8[%swap3A_1127, %swap3A_1128], %swap3A_1131 {strides = array<i32>} : memref<2x128xf32, #tpu.memory_space<vmem>>, vector<1x16xf32>,
    %get3A_1132 = arith.constant 1 : i32
    %get3A_1133 = arith.index_cast %get3A_1132 : i32 to index
    %get3A_1134 = arith.constant 112 : index
    %get3A_1135 = tpu.vector_load %arg8[%get3A_1133, %get3A_1134] {strides = array<i32>} : memref<2x128xf32, #tpu.memory_space<vmem>>, vector<1x16xf32>,
    %get3A_1136 = vector.shape_cast %get3A_1135 : vector<1x16xf32> to vector<16xf32>
    %lt3A_1137 = arith.constant 0.000000e+00 : f32
    %lt3A_1138 = vector.broadcast %lt3A_1137 : f32 to vector<16xf32>
    %lt3A_1139 = arith.cmpf olt, %get3A_1136, %lt3A_1138 : vector<16xf32>
    %mul3A_1140 = arith.mulf %get3A_1136, %get3A_2 : vector<16xf32>
    %div3A_1141 = arith.divf %get3A_1136, %get3A_2 : vector<16xf32>
    %select_n3A_1142 = arith.select %lt3A_1139, %mul3A_1140, %div3A_1141 : vector<16xi1>, vector<16xf32>
    %swap3A_1143 = arith.constant 1 : i32
    %swap3A_1144 = arith.index_cast %swap3A_1143 : i32 to index
    %swap3A_1145 = arith.constant 112 : index
    %swap3A_1146 = tpu.vector_load %arg8[%swap3A_1144, %swap3A_1145] {strides = array<i32>} : memref<2x128xf32, #tpu.memory_space<vmem>>, vector<1x16xf32>,
    %swap3A_1147 = vector.shape_cast %swap3A_1146 : vector<1x16xf32> to vector<16xf32>
    %swap3A_1148 = vector.shape_cast %select_n3A_1142 : vector<16xf32> to vector<1x16xf32>
    tpu.vector_store %arg8[%swap3A_1144, %swap3A_1145], %swap3A_1148 {strides = array<i32>} : memref<2x128xf32, #tpu.memory_space<vmem>>, vector<1x16xf32>,
    %dma_start3A_1149 = arith.constant 0 : i32
    %dma_start3A_1150 = arith.constant 0 : i32
    %dma_start3A_1151 = arith.constant 0 : i32
    %dma_start3A_1152 = tpu.memref_slice %arg8[%dma_start3A_1149, %dma_start3A_1151] : memref<2x128xf32, #tpu.memory_space<vmem>> -> memref<1x128xf32, #tpu.memory_space<vmem>>
    %dma_start3A_1153 = tpu.memref_squeeze %dma_start3A_1152 : memref<1x128xf32, #tpu.memory_space<vmem>> -> memref<128xf32, #tpu.memory_space<vmem>>
    %dma_start3A_1154 = arith.constant 0 : i32
    %dma_start3A_1155 = tpu.memref_slice %arg7[%dma_start3A_1150, %dma_start3A_1154] : memref<2x128xi32, #tpu.memory_space<vmem>> -> memref<1x128xi32, #tpu.memory_space<vmem>>
    %dma_start3A_1156 = tpu.memref_squeeze %dma_start3A_1155 : memref<1x128xi32, #tpu.memory_space<vmem>> -> memref<128xi32, #tpu.memory_space<vmem>>
    %dma_start3A_1157 = arith.constant 0 : i32
    %dma_start3A_1158 = tpu.memref_slice %arg2[%dma_start3A_1157] : memref<6422528xf32, #tpu.memory_space<hbm>> -> memref<6422528xf32, #tpu.memory_space<hbm>>
    tpu.enqueue_indirect_dma source(%dma_start3A_1153 : memref<128xf32, #tpu.memory_space<vmem>>) target(%dma_start3A_1158 : memref<6422528xf32, #tpu.memory_space<hbm>>) offsets(%dma_start3A_1156 : memref<128xi32, #tpu.memory_space<vmem>>) semaphore(%arg10 : memref<!tpu.dma_semaphore, #tpu.memory_space<semaphore_mem>>)
    %dma_start3A_1159 = arith.constant 1 : i32
    %dma_start3A_1160 = arith.constant 1 : i32
    %dma_start3A_1161 = arith.constant 0 : i32
    %dma_start3A_1162 = tpu.memref_slice %arg8[%dma_start3A_1159, %dma_start3A_1161] : memref<2x128xf32, #tpu.memory_space<vmem>> -> memref<1x128xf32, #tpu.memory_space<vmem>>
    %dma_start3A_1163 = tpu.memref_squeeze %dma_start3A_1162 : memref<1x128xf32, #tpu.memory_space<vmem>> -> memref<128xf32, #tpu.memory_space<vmem>>
    %dma_start3A_1164 = arith.constant 0 : i32
    %dma_start3A_1165 = tpu.memref_slice %arg7[%dma_start3A_1160, %dma_start3A_1164] : memref<2x128xi32, #tpu.memory_space<vmem>> -> memref<1x128xi32, #tpu.memory_space<vmem>>
    %dma_start3A_1166 = tpu.memref_squeeze %dma_start3A_1165 : memref<1x128xi32, #tpu.memory_space<vmem>> -> memref<128xi32, #tpu.memory_space<vmem>>
    %dma_start3A_1167 = arith.constant 0 : i32
    %dma_start3A_1168 = tpu.memref_slice %arg2[%dma_start3A_1167] : memref<6422528xf32, #tpu.memory_space<hbm>> -> memref<6422528xf32, #tpu.memory_space<hbm>>
    tpu.enqueue_indirect_dma source(%dma_start3A_1163 : memref<128xf32, #tpu.memory_space<vmem>>) target(%dma_start3A_1168 : memref<6422528xf32, #tpu.memory_space<hbm>>) offsets(%dma_start3A_1166 : memref<128xi32, #tpu.memory_space<vmem>>) semaphore(%arg10 : memref<!tpu.dma_semaphore, #tpu.memory_space<semaphore_mem>>)
    %dma_wait3A_1169 = arith.constant 0 : i32
    %dma_wait3A_1170 = arith.constant 0 : i32
    %dma_wait3A_1171 = arith.constant 0 : i32
    %dma_wait3A_1172 = tpu.memref_slice %arg8[%dma_wait3A_1169, %dma_wait3A_1171] : memref<2x128xf32, #tpu.memory_space<vmem>> -> memref<1x128xf32, #tpu.memory_space<vmem>>
    %dma_wait3A_1173 = tpu.memref_squeeze %dma_wait3A_1172 : memref<1x128xf32, #tpu.memory_space<vmem>> -> memref<128xf32, #tpu.memory_space<vmem>>
    %dma_wait3A_1174 = arith.constant 0 : i32
    %dma_wait3A_1175 = tpu.memref_slice %arg7[%dma_wait3A_1170, %dma_wait3A_1174] : memref<2x128xi32, #tpu.memory_space<vmem>> -> memref<1x128xi32, #tpu.memory_space<vmem>>
    %dma_wait3A_1176 = tpu.memref_squeeze %dma_wait3A_1175 : memref<1x128xi32, #tpu.memory_space<vmem>> -> memref<128xi32, #tpu.memory_space<vmem>>
    %dma_wait3A_1177 = arith.constant 0 : i32
    %dma_wait3A_1178 = tpu.memref_slice %arg2[%dma_wait3A_1177] : memref<6422528xf32, #tpu.memory_space<hbm>> -> memref<6422528xf32, #tpu.memory_space<hbm>>
    tpu.wait_indirect_dma semaphore(%arg10 : memref<!tpu.dma_semaphore, #tpu.memory_space<semaphore_mem>>) src(%dma_wait3A_1173 : memref<128xf32, #tpu.memory_space<vmem>>) dst(%dma_wait3A_1178 : memref<6422528xf32, #tpu.memory_space<hbm>>)
    %dma_wait3A_1179 = arith.constant 1 : i32
    %dma_wait3A_1180 = arith.constant 1 : i32
    %dma_wait3A_1181 = arith.constant 0 : i32
    %dma_wait3A_1182 = tpu.memref_slice %arg8[%dma_wait3A_1179, %dma_wait3A_1181] : memref<2x128xf32, #tpu.memory_space<vmem>> -> memref<1x128xf32, #tpu.memory_space<vmem>>
    %dma_wait3A_1183 = tpu.memref_squeeze %dma_wait3A_1182 : memref<1x128xf32, #tpu.memory_space<vmem>> -> memref<128xf32, #tpu.memory_space<vmem>>
    %dma_wait3A_1184 = arith.constant 0 : i32
    %dma_wait3A_1185 = tpu.memref_slice %arg7[%dma_wait3A_1180, %dma_wait3A_1184] : memref<2x128xi32, #tpu.memory_space<vmem>> -> memref<1x128xi32, #tpu.memory_space<vmem>>
    %dma_wait3A_1186 = tpu.memref_squeeze %dma_wait3A_1185 : memref<1x128xi32, #tpu.memory_space<vmem>> -> memref<128xi32, #tpu.memory_space<vmem>>
    %dma_wait3A_1187 = arith.constant 0 : i32
    %dma_wait3A_1188 = tpu.memref_slice %arg2[%dma_wait3A_1187] : memref<6422528xf32, #tpu.memory_space<hbm>> -> memref<6422528xf32, #tpu.memory_space<hbm>>
    tpu.wait_indirect_dma semaphore(%arg10 : memref<!tpu.dma_semaphore, #tpu.memory_space<semaphore_mem>>) src(%dma_wait3A_1183 : memref<128xf32, #tpu.memory_space<vmem>>) dst(%dma_wait3A_1188 : memref<6422528xf32, #tpu.memory_space<hbm>>)
    "tpu.region"() ({
      %run_scoped3A = tpu.sem_alloc : memref<!tpu.dma_semaphore, #tpu.memory_space<semaphore_mem>>
      %dma_start3A_1189 = arith.constant 0 : i32
      %dma_start3A_1190 = tpu.memref_slice %arg5[%add3A, %dma_start3A_1189] : memref<32x16xf32, #tpu.memory_space<hbm>> -> memref<1x16xf32, #tpu.memory_space<hbm>>
      %dma_start3A_1191 = tpu.memref_squeeze %dma_start3A_1190 : memref<1x16xf32, #tpu.memory_space<hbm>> -> memref<16xf32, #tpu.memory_space<hbm>>
      %dma_start3A_1192 = arith.constant 0 : i32
      %dma_start3A_1193 = tpu.memref_slice %arg5[%add3A, %dma_start3A_1192] : memref<32x16xf32, #tpu.memory_space<hbm>> -> memref<1x16xf32, #tpu.memory_space<hbm>>
      %dma_start3A_1194 = tpu.memref_squeeze %dma_start3A_1193 : memref<1x16xf32, #tpu.memory_space<hbm>> -> memref<16xf32, #tpu.memory_space<hbm>>
      tpu.enqueue_dma source(%arg9 : memref<16xf32, #tpu.memory_space<vmem>>) target(%dma_start3A_1194 : memref<16xf32, #tpu.memory_space<hbm>>) target_semaphore(%run_scoped3A : memref<!tpu.dma_semaphore, #tpu.memory_space<semaphore_mem>>)
      %dma_wait3A_1195 = arith.constant 0 : i32
      %dma_wait3A_1196 = tpu.memref_slice %arg5[%add3A, %dma_wait3A_1195] : memref<32x16xf32, #tpu.memory_space<hbm>> -> memref<1x16xf32, #tpu.memory_space<hbm>>
      %dma_wait3A_1197 = tpu.memref_squeeze %dma_wait3A_1196 : memref<1x16xf32, #tpu.memory_space<hbm>> -> memref<16xf32, #tpu.memory_space<hbm>>
      %dma_wait3A_1198 = arith.constant 0 : i32
      %dma_wait3A_1199 = tpu.memref_slice %arg5[%add3A, %dma_wait3A_1198] : memref<32x16xf32, #tpu.memory_space<hbm>> -> memref<1x16xf32, #tpu.memory_space<hbm>>
      %dma_wait3A_1200 = tpu.memref_squeeze %dma_wait3A_1199 : memref<1x16xf32, #tpu.memory_space<hbm>> -> memref<16xf32, #tpu.memory_space<hbm>>
      tpu.wait_dma2 semaphore(%run_scoped3A : memref<!tpu.dma_semaphore, #tpu.memory_space<semaphore_mem>>) src(%arg9 : memref<16xf32, #tpu.memory_space<vmem>>) dst(%dma_wait3A_1200 : memref<16xf32, #tpu.memory_space<hbm>>)
      tpu.yield
    }) : () -> ()
    return
  }
}

module attributes {stable_mosaic.version = 14 : i64} {
  func.func @_tc_body(%arg0: i32, %arg1: memref<8x100352xf32, #tpu.memory_space<vmem>>, %arg2: memref<8x50xf32, #tpu.memory_space<vmem>>, %arg3: memref<8x50xi32, #tpu.memory_space<vmem>>) attributes {dimension_semantics = [#tpu.dimension_semantics<arbitrary>], iteration_bounds = array<i64: 8>, scalar_prefetch = 0 : i64, scratch_operands = 0 : i64, tpu.core_type = #tpu.core_type<tc>, window_params = [{transform_indices = @transform_0, window_bounds = array<i64: 8, 100352>}, {transform_indices = @transform_1, window_bounds = array<i64: 8, 50>}, {transform_indices = @transform_2, window_bounds = array<i64: 8, 50>}]} {
    %iota3A = tpu.iota {dimensions = array<i32: 1>} : vector<8x128xi32>
    %iota3A_0 = tpu.iota {dimensions = array<i32: 1>} : vector<1x128xi32>
    %iota3A_1 = tpu.iota {dimensions = array<i32: 1>} : vector<1x64xi32>
    %iota3A_2 = tpu.iota {dimensions = array<i32: 1>} : vector<1x1024xi32>
    %broadcast_in_dim3A = arith.constant -3.000000e+38 : f32
    %broadcast_in_dim3A_3 = vector.broadcast %broadcast_in_dim3A : f32 to vector<8x128xf32>
    %get3A = arith.constant 0 : index
    %get3A_4 = arith.constant 0 : index
    %get3A_5 = vector.load %arg1[%get3A, %get3A_4] : memref<8x100352xf32, #tpu.memory_space<vmem>>, vector<8x1024xf32>
    %reduce_max3A = arith.constant dense<0xFF800000> : vector<8xf32>
    %reduce_max3A_6 = vector.multi_reduction <maximumf>, %get3A_5, %reduce_max3A [1] : vector<8x1024xf32> to vector<8xf32>
    %broadcast_in_dim3A_7 = vector.shape_cast %reduce_max3A_6 : vector<8xf32> to vector<8x1xf32>
    %eq3A = arith.constant 0 : i32
    %eq3A_8 = vector.broadcast %eq3A : i32 to vector<8x128xi32>
    %eq3A_9 = arith.cmpi eq, %iota3A, %eq3A_8 : vector<8x128xi32>
    %broadcast_in_dim3A_10 = vector.shape_cast %broadcast_in_dim3A_7 : vector<8x1xf32> to vector<8x1xf32>
    %broadcast_in_dim3A_11 = vector.broadcast %broadcast_in_dim3A_10 : vector<8x1xf32> to vector<8x128xf32>
    %select_n3A = arith.select %eq3A_9, %broadcast_in_dim3A_11, %broadcast_in_dim3A_3 : vector<8x128xi1>, vector<8x128xf32>
    %get3A_12 = arith.constant 0 : index
    %get3A_13 = arith.constant 1024 : index
    %get3A_14 = vector.load %arg1[%get3A_12, %get3A_13] : memref<8x100352xf32, #tpu.memory_space<vmem>>, vector<8x1024xf32>
    %reduce_max3A_15 = arith.constant dense<0xFF800000> : vector<8xf32>
    %reduce_max3A_16 = vector.multi_reduction <maximumf>, %get3A_14, %reduce_max3A_15 [1] : vector<8x1024xf32> to vector<8xf32>
    %broadcast_in_dim3A_17 = vector.shape_cast %reduce_max3A_16 : vector<8xf32> to vector<8x1xf32>
    %eq3A_18 = arith.constant 1 : i32
    %eq3A_19 = vector.broadcast %eq3A_18 : i32 to vector<8x128xi32>
    %eq3A_20 = arith.cmpi eq, %iota3A, %eq3A_19 : vector<8x128xi32>
    %broadcast_in_dim3A_21 = vector.shape_cast %broadcast_in_dim3A_17 : vector<8x1xf32> to vector<8x1xf32>
    %broadcast_in_dim3A_22 = vector.broadcast %broadcast_in_dim3A_21 : vector<8x1xf32> to vector<8x128xf32>
    %select_n3A_23 = arith.select %eq3A_20, %broadcast_in_dim3A_22, %select_n3A : vector<8x128xi1>, vector<8x128xf32>
    %get3A_24 = arith.constant 0 : index
    %get3A_25 = arith.constant 2048 : index
    %get3A_26 = vector.load %arg1[%get3A_24, %get3A_25] : memref<8x100352xf32, #tpu.memory_space<vmem>>, vector<8x1024xf32>
    %reduce_max3A_27 = arith.constant dense<0xFF800000> : vector<8xf32>
    %reduce_max3A_28 = vector.multi_reduction <maximumf>, %get3A_26, %reduce_max3A_27 [1] : vector<8x1024xf32> to vector<8xf32>
    %broadcast_in_dim3A_29 = vector.shape_cast %reduce_max3A_28 : vector<8xf32> to vector<8x1xf32>
    %eq3A_30 = arith.constant 2 : i32
    %eq3A_31 = vector.broadcast %eq3A_30 : i32 to vector<8x128xi32>
    %eq3A_32 = arith.cmpi eq, %iota3A, %eq3A_31 : vector<8x128xi32>
    %broadcast_in_dim3A_33 = vector.shape_cast %broadcast_in_dim3A_29 : vector<8x1xf32> to vector<8x1xf32>
    %broadcast_in_dim3A_34 = vector.broadcast %broadcast_in_dim3A_33 : vector<8x1xf32> to vector<8x128xf32>
    %select_n3A_35 = arith.select %eq3A_32, %broadcast_in_dim3A_34, %select_n3A_23 : vector<8x128xi1>, vector<8x128xf32>
    %get3A_36 = arith.constant 0 : index
    %get3A_37 = arith.constant 3072 : index
    %get3A_38 = vector.load %arg1[%get3A_36, %get3A_37] : memref<8x100352xf32, #tpu.memory_space<vmem>>, vector<8x1024xf32>
    %reduce_max3A_39 = arith.constant dense<0xFF800000> : vector<8xf32>
    %reduce_max3A_40 = vector.multi_reduction <maximumf>, %get3A_38, %reduce_max3A_39 [1] : vector<8x1024xf32> to vector<8xf32>
    %broadcast_in_dim3A_41 = vector.shape_cast %reduce_max3A_40 : vector<8xf32> to vector<8x1xf32>
    %eq3A_42 = arith.constant 3 : i32
    %eq3A_43 = vector.broadcast %eq3A_42 : i32 to vector<8x128xi32>
    %eq3A_44 = arith.cmpi eq, %iota3A, %eq3A_43 : vector<8x128xi32>
    %broadcast_in_dim3A_45 = vector.shape_cast %broadcast_in_dim3A_41 : vector<8x1xf32> to vector<8x1xf32>
    %broadcast_in_dim3A_46 = vector.broadcast %broadcast_in_dim3A_45 : vector<8x1xf32> to vector<8x128xf32>
    %select_n3A_47 = arith.select %eq3A_44, %broadcast_in_dim3A_46, %select_n3A_35 : vector<8x128xi1>, vector<8x128xf32>
    %get3A_48 = arith.constant 0 : index
    %get3A_49 = arith.constant 4096 : index
    %get3A_50 = vector.load %arg1[%get3A_48, %get3A_49] : memref<8x100352xf32, #tpu.memory_space<vmem>>, vector<8x1024xf32>
    %reduce_max3A_51 = arith.constant dense<0xFF800000> : vector<8xf32>
    %reduce_max3A_52 = vector.multi_reduction <maximumf>, %get3A_50, %reduce_max3A_51 [1] : vector<8x1024xf32> to vector<8xf32>
    %broadcast_in_dim3A_53 = vector.shape_cast %reduce_max3A_52 : vector<8xf32> to vector<8x1xf32>
    %eq3A_54 = arith.constant 4 : i32
    %eq3A_55 = vector.broadcast %eq3A_54 : i32 to vector<8x128xi32>
    %eq3A_56 = arith.cmpi eq, %iota3A, %eq3A_55 : vector<8x128xi32>
    %broadcast_in_dim3A_57 = vector.shape_cast %broadcast_in_dim3A_53 : vector<8x1xf32> to vector<8x1xf32>
    %broadcast_in_dim3A_58 = vector.broadcast %broadcast_in_dim3A_57 : vector<8x1xf32> to vector<8x128xf32>
    %select_n3A_59 = arith.select %eq3A_56, %broadcast_in_dim3A_58, %select_n3A_47 : vector<8x128xi1>, vector<8x128xf32>
    %get3A_60 = arith.constant 0 : index
    %get3A_61 = arith.constant 5120 : index
    %get3A_62 = vector.load %arg1[%get3A_60, %get3A_61] : memref<8x100352xf32, #tpu.memory_space<vmem>>, vector<8x1024xf32>
    %reduce_max3A_63 = arith.constant dense<0xFF800000> : vector<8xf32>
    %reduce_max3A_64 = vector.multi_reduction <maximumf>, %get3A_62, %reduce_max3A_63 [1] : vector<8x1024xf32> to vector<8xf32>
    %broadcast_in_dim3A_65 = vector.shape_cast %reduce_max3A_64 : vector<8xf32> to vector<8x1xf32>
    %eq3A_66 = arith.constant 5 : i32
    %eq3A_67 = vector.broadcast %eq3A_66 : i32 to vector<8x128xi32>
    %eq3A_68 = arith.cmpi eq, %iota3A, %eq3A_67 : vector<8x128xi32>
    %broadcast_in_dim3A_69 = vector.shape_cast %broadcast_in_dim3A_65 : vector<8x1xf32> to vector<8x1xf32>
    %broadcast_in_dim3A_70 = vector.broadcast %broadcast_in_dim3A_69 : vector<8x1xf32> to vector<8x128xf32>
    %select_n3A_71 = arith.select %eq3A_68, %broadcast_in_dim3A_70, %select_n3A_59 : vector<8x128xi1>, vector<8x128xf32>
    %get3A_72 = arith.constant 0 : index
    %get3A_73 = arith.constant 6144 : index
    %get3A_74 = vector.load %arg1[%get3A_72, %get3A_73] : memref<8x100352xf32, #tpu.memory_space<vmem>>, vector<8x1024xf32>
    %reduce_max3A_75 = arith.constant dense<0xFF800000> : vector<8xf32>
    %reduce_max3A_76 = vector.multi_reduction <maximumf>, %get3A_74, %reduce_max3A_75 [1] : vector<8x1024xf32> to vector<8xf32>
    %broadcast_in_dim3A_77 = vector.shape_cast %reduce_max3A_76 : vector<8xf32> to vector<8x1xf32>
    %eq3A_78 = arith.constant 6 : i32
    %eq3A_79 = vector.broadcast %eq3A_78 : i32 to vector<8x128xi32>
    %eq3A_80 = arith.cmpi eq, %iota3A, %eq3A_79 : vector<8x128xi32>
    %broadcast_in_dim3A_81 = vector.shape_cast %broadcast_in_dim3A_77 : vector<8x1xf32> to vector<8x1xf32>
    %broadcast_in_dim3A_82 = vector.broadcast %broadcast_in_dim3A_81 : vector<8x1xf32> to vector<8x128xf32>
    %select_n3A_83 = arith.select %eq3A_80, %broadcast_in_dim3A_82, %select_n3A_71 : vector<8x128xi1>, vector<8x128xf32>
    %get3A_84 = arith.constant 0 : index
    %get3A_85 = arith.constant 7168 : index
    %get3A_86 = vector.load %arg1[%get3A_84, %get3A_85] : memref<8x100352xf32, #tpu.memory_space<vmem>>, vector<8x1024xf32>
    %reduce_max3A_87 = arith.constant dense<0xFF800000> : vector<8xf32>
    %reduce_max3A_88 = vector.multi_reduction <maximumf>, %get3A_86, %reduce_max3A_87 [1] : vector<8x1024xf32> to vector<8xf32>
    %broadcast_in_dim3A_89 = vector.shape_cast %reduce_max3A_88 : vector<8xf32> to vector<8x1xf32>
    %eq3A_90 = arith.constant 7 : i32
    %eq3A_91 = vector.broadcast %eq3A_90 : i32 to vector<8x128xi32>
    %eq3A_92 = arith.cmpi eq, %iota3A, %eq3A_91 : vector<8x128xi32>
    %broadcast_in_dim3A_93 = vector.shape_cast %broadcast_in_dim3A_89 : vector<8x1xf32> to vector<8x1xf32>
    %broadcast_in_dim3A_94 = vector.broadcast %broadcast_in_dim3A_93 : vector<8x1xf32> to vector<8x128xf32>
    %select_n3A_95 = arith.select %eq3A_92, %broadcast_in_dim3A_94, %select_n3A_83 : vector<8x128xi1>, vector<8x128xf32>
    %get3A_96 = arith.constant 0 : index
    %get3A_97 = arith.constant 8192 : index
    %get3A_98 = vector.load %arg1[%get3A_96, %get3A_97] : memref<8x100352xf32, #tpu.memory_space<vmem>>, vector<8x1024xf32>
    %reduce_max3A_99 = arith.constant dense<0xFF800000> : vector<8xf32>
    %reduce_max3A_100 = vector.multi_reduction <maximumf>, %get3A_98, %reduce_max3A_99 [1] : vector<8x1024xf32> to vector<8xf32>
    %broadcast_in_dim3A_101 = vector.shape_cast %reduce_max3A_100 : vector<8xf32> to vector<8x1xf32>
    %eq3A_102 = arith.constant 8 : i32
    %eq3A_103 = vector.broadcast %eq3A_102 : i32 to vector<8x128xi32>
    %eq3A_104 = arith.cmpi eq, %iota3A, %eq3A_103 : vector<8x128xi32>
    %broadcast_in_dim3A_105 = vector.shape_cast %broadcast_in_dim3A_101 : vector<8x1xf32> to vector<8x1xf32>
    %broadcast_in_dim3A_106 = vector.broadcast %broadcast_in_dim3A_105 : vector<8x1xf32> to vector<8x128xf32>
    %select_n3A_107 = arith.select %eq3A_104, %broadcast_in_dim3A_106, %select_n3A_95 : vector<8x128xi1>, vector<8x128xf32>
    %get3A_108 = arith.constant 0 : index
    %get3A_109 = arith.constant 9216 : index
    %get3A_110 = vector.load %arg1[%get3A_108, %get3A_109] : memref<8x100352xf32, #tpu.memory_space<vmem>>, vector<8x1024xf32>
    %reduce_max3A_111 = arith.constant dense<0xFF800000> : vector<8xf32>
    %reduce_max3A_112 = vector.multi_reduction <maximumf>, %get3A_110, %reduce_max3A_111 [1] : vector<8x1024xf32> to vector<8xf32>
    %broadcast_in_dim3A_113 = vector.shape_cast %reduce_max3A_112 : vector<8xf32> to vector<8x1xf32>
    %eq3A_114 = arith.constant 9 : i32
    %eq3A_115 = vector.broadcast %eq3A_114 : i32 to vector<8x128xi32>
    %eq3A_116 = arith.cmpi eq, %iota3A, %eq3A_115 : vector<8x128xi32>
    %broadcast_in_dim3A_117 = vector.shape_cast %broadcast_in_dim3A_113 : vector<8x1xf32> to vector<8x1xf32>
    %broadcast_in_dim3A_118 = vector.broadcast %broadcast_in_dim3A_117 : vector<8x1xf32> to vector<8x128xf32>
    %select_n3A_119 = arith.select %eq3A_116, %broadcast_in_dim3A_118, %select_n3A_107 : vector<8x128xi1>, vector<8x128xf32>
    %get3A_120 = arith.constant 0 : index
    %get3A_121 = arith.constant 10240 : index
    %get3A_122 = vector.load %arg1[%get3A_120, %get3A_121] : memref<8x100352xf32, #tpu.memory_space<vmem>>, vector<8x1024xf32>
    %reduce_max3A_123 = arith.constant dense<0xFF800000> : vector<8xf32>
    %reduce_max3A_124 = vector.multi_reduction <maximumf>, %get3A_122, %reduce_max3A_123 [1] : vector<8x1024xf32> to vector<8xf32>
    %broadcast_in_dim3A_125 = vector.shape_cast %reduce_max3A_124 : vector<8xf32> to vector<8x1xf32>
    %eq3A_126 = arith.constant 10 : i32
    %eq3A_127 = vector.broadcast %eq3A_126 : i32 to vector<8x128xi32>
    %eq3A_128 = arith.cmpi eq, %iota3A, %eq3A_127 : vector<8x128xi32>
    %broadcast_in_dim3A_129 = vector.shape_cast %broadcast_in_dim3A_125 : vector<8x1xf32> to vector<8x1xf32>
    %broadcast_in_dim3A_130 = vector.broadcast %broadcast_in_dim3A_129 : vector<8x1xf32> to vector<8x128xf32>
    %select_n3A_131 = arith.select %eq3A_128, %broadcast_in_dim3A_130, %select_n3A_119 : vector<8x128xi1>, vector<8x128xf32>
    %get3A_132 = arith.constant 0 : index
    %get3A_133 = arith.constant 11264 : index
    %get3A_134 = vector.load %arg1[%get3A_132, %get3A_133] : memref<8x100352xf32, #tpu.memory_space<vmem>>, vector<8x1024xf32>
    %reduce_max3A_135 = arith.constant dense<0xFF800000> : vector<8xf32>
    %reduce_max3A_136 = vector.multi_reduction <maximumf>, %get3A_134, %reduce_max3A_135 [1] : vector<8x1024xf32> to vector<8xf32>
    %broadcast_in_dim3A_137 = vector.shape_cast %reduce_max3A_136 : vector<8xf32> to vector<8x1xf32>
    %eq3A_138 = arith.constant 11 : i32
    %eq3A_139 = vector.broadcast %eq3A_138 : i32 to vector<8x128xi32>
    %eq3A_140 = arith.cmpi eq, %iota3A, %eq3A_139 : vector<8x128xi32>
    %broadcast_in_dim3A_141 = vector.shape_cast %broadcast_in_dim3A_137 : vector<8x1xf32> to vector<8x1xf32>
    %broadcast_in_dim3A_142 = vector.broadcast %broadcast_in_dim3A_141 : vector<8x1xf32> to vector<8x128xf32>
    %select_n3A_143 = arith.select %eq3A_140, %broadcast_in_dim3A_142, %select_n3A_131 : vector<8x128xi1>, vector<8x128xf32>
    %get3A_144 = arith.constant 0 : index
    %get3A_145 = arith.constant 12288 : index
    %get3A_146 = vector.load %arg1[%get3A_144, %get3A_145] : memref<8x100352xf32, #tpu.memory_space<vmem>>, vector<8x1024xf32>
    %reduce_max3A_147 = arith.constant dense<0xFF800000> : vector<8xf32>
    %reduce_max3A_148 = vector.multi_reduction <maximumf>, %get3A_146, %reduce_max3A_147 [1] : vector<8x1024xf32> to vector<8xf32>
    %broadcast_in_dim3A_149 = vector.shape_cast %reduce_max3A_148 : vector<8xf32> to vector<8x1xf32>
    %eq3A_150 = arith.constant 12 : i32
    %eq3A_151 = vector.broadcast %eq3A_150 : i32 to vector<8x128xi32>
    %eq3A_152 = arith.cmpi eq, %iota3A, %eq3A_151 : vector<8x128xi32>
    %broadcast_in_dim3A_153 = vector.shape_cast %broadcast_in_dim3A_149 : vector<8x1xf32> to vector<8x1xf32>
    %broadcast_in_dim3A_154 = vector.broadcast %broadcast_in_dim3A_153 : vector<8x1xf32> to vector<8x128xf32>
    %select_n3A_155 = arith.select %eq3A_152, %broadcast_in_dim3A_154, %select_n3A_143 : vector<8x128xi1>, vector<8x128xf32>
    %get3A_156 = arith.constant 0 : index
    %get3A_157 = arith.constant 13312 : index
    %get3A_158 = vector.load %arg1[%get3A_156, %get3A_157] : memref<8x100352xf32, #tpu.memory_space<vmem>>, vector<8x1024xf32>
    %reduce_max3A_159 = arith.constant dense<0xFF800000> : vector<8xf32>
    %reduce_max3A_160 = vector.multi_reduction <maximumf>, %get3A_158, %reduce_max3A_159 [1] : vector<8x1024xf32> to vector<8xf32>
    %broadcast_in_dim3A_161 = vector.shape_cast %reduce_max3A_160 : vector<8xf32> to vector<8x1xf32>
    %eq3A_162 = arith.constant 13 : i32
    %eq3A_163 = vector.broadcast %eq3A_162 : i32 to vector<8x128xi32>
    %eq3A_164 = arith.cmpi eq, %iota3A, %eq3A_163 : vector<8x128xi32>
    %broadcast_in_dim3A_165 = vector.shape_cast %broadcast_in_dim3A_161 : vector<8x1xf32> to vector<8x1xf32>
    %broadcast_in_dim3A_166 = vector.broadcast %broadcast_in_dim3A_165 : vector<8x1xf32> to vector<8x128xf32>
    %select_n3A_167 = arith.select %eq3A_164, %broadcast_in_dim3A_166, %select_n3A_155 : vector<8x128xi1>, vector<8x128xf32>
    %get3A_168 = arith.constant 0 : index
    %get3A_169 = arith.constant 14336 : index
    %get3A_170 = vector.load %arg1[%get3A_168, %get3A_169] : memref<8x100352xf32, #tpu.memory_space<vmem>>, vector<8x1024xf32>
    %reduce_max3A_171 = arith.constant dense<0xFF800000> : vector<8xf32>
    %reduce_max3A_172 = vector.multi_reduction <maximumf>, %get3A_170, %reduce_max3A_171 [1] : vector<8x1024xf32> to vector<8xf32>
    %broadcast_in_dim3A_173 = vector.shape_cast %reduce_max3A_172 : vector<8xf32> to vector<8x1xf32>
    %eq3A_174 = arith.constant 14 : i32
    %eq3A_175 = vector.broadcast %eq3A_174 : i32 to vector<8x128xi32>
    %eq3A_176 = arith.cmpi eq, %iota3A, %eq3A_175 : vector<8x128xi32>
    %broadcast_in_dim3A_177 = vector.shape_cast %broadcast_in_dim3A_173 : vector<8x1xf32> to vector<8x1xf32>
    %broadcast_in_dim3A_178 = vector.broadcast %broadcast_in_dim3A_177 : vector<8x1xf32> to vector<8x128xf32>
    %select_n3A_179 = arith.select %eq3A_176, %broadcast_in_dim3A_178, %select_n3A_167 : vector<8x128xi1>, vector<8x128xf32>
    %get3A_180 = arith.constant 0 : index
    %get3A_181 = arith.constant 15360 : index
    %get3A_182 = vector.load %arg1[%get3A_180, %get3A_181] : memref<8x100352xf32, #tpu.memory_space<vmem>>, vector<8x1024xf32>
    %reduce_max3A_183 = arith.constant dense<0xFF800000> : vector<8xf32>
    %reduce_max3A_184 = vector.multi_reduction <maximumf>, %get3A_182, %reduce_max3A_183 [1] : vector<8x1024xf32> to vector<8xf32>
    %broadcast_in_dim3A_185 = vector.shape_cast %reduce_max3A_184 : vector<8xf32> to vector<8x1xf32>
    %eq3A_186 = arith.constant 15 : i32
    %eq3A_187 = vector.broadcast %eq3A_186 : i32 to vector<8x128xi32>
    %eq3A_188 = arith.cmpi eq, %iota3A, %eq3A_187 : vector<8x128xi32>
    %broadcast_in_dim3A_189 = vector.shape_cast %broadcast_in_dim3A_185 : vector<8x1xf32> to vector<8x1xf32>
    %broadcast_in_dim3A_190 = vector.broadcast %broadcast_in_dim3A_189 : vector<8x1xf32> to vector<8x128xf32>
    %select_n3A_191 = arith.select %eq3A_188, %broadcast_in_dim3A_190, %select_n3A_179 : vector<8x128xi1>, vector<8x128xf32>
    %get3A_192 = arith.constant 0 : index
    %get3A_193 = arith.constant 16384 : index
    %get3A_194 = vector.load %arg1[%get3A_192, %get3A_193] : memref<8x100352xf32, #tpu.memory_space<vmem>>, vector<8x1024xf32>
    %reduce_max3A_195 = arith.constant dense<0xFF800000> : vector<8xf32>
    %reduce_max3A_196 = vector.multi_reduction <maximumf>, %get3A_194, %reduce_max3A_195 [1] : vector<8x1024xf32> to vector<8xf32>
    %broadcast_in_dim3A_197 = vector.shape_cast %reduce_max3A_196 : vector<8xf32> to vector<8x1xf32>
    %eq3A_198 = arith.constant 16 : i32
    %eq3A_199 = vector.broadcast %eq3A_198 : i32 to vector<8x128xi32>
    %eq3A_200 = arith.cmpi eq, %iota3A, %eq3A_199 : vector<8x128xi32>
    %broadcast_in_dim3A_201 = vector.shape_cast %broadcast_in_dim3A_197 : vector<8x1xf32> to vector<8x1xf32>
    %broadcast_in_dim3A_202 = vector.broadcast %broadcast_in_dim3A_201 : vector<8x1xf32> to vector<8x128xf32>
    %select_n3A_203 = arith.select %eq3A_200, %broadcast_in_dim3A_202, %select_n3A_191 : vector<8x128xi1>, vector<8x128xf32>
    %get3A_204 = arith.constant 0 : index
    %get3A_205 = arith.constant 17408 : index
    %get3A_206 = vector.load %arg1[%get3A_204, %get3A_205] : memref<8x100352xf32, #tpu.memory_space<vmem>>, vector<8x1024xf32>
    %reduce_max3A_207 = arith.constant dense<0xFF800000> : vector<8xf32>
    %reduce_max3A_208 = vector.multi_reduction <maximumf>, %get3A_206, %reduce_max3A_207 [1] : vector<8x1024xf32> to vector<8xf32>
    %broadcast_in_dim3A_209 = vector.shape_cast %reduce_max3A_208 : vector<8xf32> to vector<8x1xf32>
    %eq3A_210 = arith.constant 17 : i32
    %eq3A_211 = vector.broadcast %eq3A_210 : i32 to vector<8x128xi32>
    %eq3A_212 = arith.cmpi eq, %iota3A, %eq3A_211 : vector<8x128xi32>
    %broadcast_in_dim3A_213 = vector.shape_cast %broadcast_in_dim3A_209 : vector<8x1xf32> to vector<8x1xf32>
    %broadcast_in_dim3A_214 = vector.broadcast %broadcast_in_dim3A_213 : vector<8x1xf32> to vector<8x128xf32>
    %select_n3A_215 = arith.select %eq3A_212, %broadcast_in_dim3A_214, %select_n3A_203 : vector<8x128xi1>, vector<8x128xf32>
    %get3A_216 = arith.constant 0 : index
    %get3A_217 = arith.constant 18432 : index
    %get3A_218 = vector.load %arg1[%get3A_216, %get3A_217] : memref<8x100352xf32, #tpu.memory_space<vmem>>, vector<8x1024xf32>
    %reduce_max3A_219 = arith.constant dense<0xFF800000> : vector<8xf32>
    %reduce_max3A_220 = vector.multi_reduction <maximumf>, %get3A_218, %reduce_max3A_219 [1] : vector<8x1024xf32> to vector<8xf32>
    %broadcast_in_dim3A_221 = vector.shape_cast %reduce_max3A_220 : vector<8xf32> to vector<8x1xf32>
    %eq3A_222 = arith.constant 18 : i32
    %eq3A_223 = vector.broadcast %eq3A_222 : i32 to vector<8x128xi32>
    %eq3A_224 = arith.cmpi eq, %iota3A, %eq3A_223 : vector<8x128xi32>
    %broadcast_in_dim3A_225 = vector.shape_cast %broadcast_in_dim3A_221 : vector<8x1xf32> to vector<8x1xf32>
    %broadcast_in_dim3A_226 = vector.broadcast %broadcast_in_dim3A_225 : vector<8x1xf32> to vector<8x128xf32>
    %select_n3A_227 = arith.select %eq3A_224, %broadcast_in_dim3A_226, %select_n3A_215 : vector<8x128xi1>, vector<8x128xf32>
    %get3A_228 = arith.constant 0 : index
    %get3A_229 = arith.constant 19456 : index
    %get3A_230 = vector.load %arg1[%get3A_228, %get3A_229] : memref<8x100352xf32, #tpu.memory_space<vmem>>, vector<8x1024xf32>
    %reduce_max3A_231 = arith.constant dense<0xFF800000> : vector<8xf32>
    %reduce_max3A_232 = vector.multi_reduction <maximumf>, %get3A_230, %reduce_max3A_231 [1] : vector<8x1024xf32> to vector<8xf32>
    %broadcast_in_dim3A_233 = vector.shape_cast %reduce_max3A_232 : vector<8xf32> to vector<8x1xf32>
    %eq3A_234 = arith.constant 19 : i32
    %eq3A_235 = vector.broadcast %eq3A_234 : i32 to vector<8x128xi32>
    %eq3A_236 = arith.cmpi eq, %iota3A, %eq3A_235 : vector<8x128xi32>
    %broadcast_in_dim3A_237 = vector.shape_cast %broadcast_in_dim3A_233 : vector<8x1xf32> to vector<8x1xf32>
    %broadcast_in_dim3A_238 = vector.broadcast %broadcast_in_dim3A_237 : vector<8x1xf32> to vector<8x128xf32>
    %select_n3A_239 = arith.select %eq3A_236, %broadcast_in_dim3A_238, %select_n3A_227 : vector<8x128xi1>, vector<8x128xf32>
    %get3A_240 = arith.constant 0 : index
    %get3A_241 = arith.constant 20480 : index
    %get3A_242 = vector.load %arg1[%get3A_240, %get3A_241] : memref<8x100352xf32, #tpu.memory_space<vmem>>, vector<8x1024xf32>
    %reduce_max3A_243 = arith.constant dense<0xFF800000> : vector<8xf32>
    %reduce_max3A_244 = vector.multi_reduction <maximumf>, %get3A_242, %reduce_max3A_243 [1] : vector<8x1024xf32> to vector<8xf32>
    %broadcast_in_dim3A_245 = vector.shape_cast %reduce_max3A_244 : vector<8xf32> to vector<8x1xf32>
    %eq3A_246 = arith.constant 20 : i32
    %eq3A_247 = vector.broadcast %eq3A_246 : i32 to vector<8x128xi32>
    %eq3A_248 = arith.cmpi eq, %iota3A, %eq3A_247 : vector<8x128xi32>
    %broadcast_in_dim3A_249 = vector.shape_cast %broadcast_in_dim3A_245 : vector<8x1xf32> to vector<8x1xf32>
    %broadcast_in_dim3A_250 = vector.broadcast %broadcast_in_dim3A_249 : vector<8x1xf32> to vector<8x128xf32>
    %select_n3A_251 = arith.select %eq3A_248, %broadcast_in_dim3A_250, %select_n3A_239 : vector<8x128xi1>, vector<8x128xf32>
    %get3A_252 = arith.constant 0 : index
    %get3A_253 = arith.constant 21504 : index
    %get3A_254 = vector.load %arg1[%get3A_252, %get3A_253] : memref<8x100352xf32, #tpu.memory_space<vmem>>, vector<8x1024xf32>
    %reduce_max3A_255 = arith.constant dense<0xFF800000> : vector<8xf32>
    %reduce_max3A_256 = vector.multi_reduction <maximumf>, %get3A_254, %reduce_max3A_255 [1] : vector<8x1024xf32> to vector<8xf32>
    %broadcast_in_dim3A_257 = vector.shape_cast %reduce_max3A_256 : vector<8xf32> to vector<8x1xf32>
    %eq3A_258 = arith.constant 21 : i32
    %eq3A_259 = vector.broadcast %eq3A_258 : i32 to vector<8x128xi32>
    %eq3A_260 = arith.cmpi eq, %iota3A, %eq3A_259 : vector<8x128xi32>
    %broadcast_in_dim3A_261 = vector.shape_cast %broadcast_in_dim3A_257 : vector<8x1xf32> to vector<8x1xf32>
    %broadcast_in_dim3A_262 = vector.broadcast %broadcast_in_dim3A_261 : vector<8x1xf32> to vector<8x128xf32>
    %select_n3A_263 = arith.select %eq3A_260, %broadcast_in_dim3A_262, %select_n3A_251 : vector<8x128xi1>, vector<8x128xf32>
    %get3A_264 = arith.constant 0 : index
    %get3A_265 = arith.constant 22528 : index
    %get3A_266 = vector.load %arg1[%get3A_264, %get3A_265] : memref<8x100352xf32, #tpu.memory_space<vmem>>, vector<8x1024xf32>
    %reduce_max3A_267 = arith.constant dense<0xFF800000> : vector<8xf32>
    %reduce_max3A_268 = vector.multi_reduction <maximumf>, %get3A_266, %reduce_max3A_267 [1] : vector<8x1024xf32> to vector<8xf32>
    %broadcast_in_dim3A_269 = vector.shape_cast %reduce_max3A_268 : vector<8xf32> to vector<8x1xf32>
    %eq3A_270 = arith.constant 22 : i32
    %eq3A_271 = vector.broadcast %eq3A_270 : i32 to vector<8x128xi32>
    %eq3A_272 = arith.cmpi eq, %iota3A, %eq3A_271 : vector<8x128xi32>
    %broadcast_in_dim3A_273 = vector.shape_cast %broadcast_in_dim3A_269 : vector<8x1xf32> to vector<8x1xf32>
    %broadcast_in_dim3A_274 = vector.broadcast %broadcast_in_dim3A_273 : vector<8x1xf32> to vector<8x128xf32>
    %select_n3A_275 = arith.select %eq3A_272, %broadcast_in_dim3A_274, %select_n3A_263 : vector<8x128xi1>, vector<8x128xf32>
    %get3A_276 = arith.constant 0 : index
    %get3A_277 = arith.constant 23552 : index
    %get3A_278 = vector.load %arg1[%get3A_276, %get3A_277] : memref<8x100352xf32, #tpu.memory_space<vmem>>, vector<8x1024xf32>
    %reduce_max3A_279 = arith.constant dense<0xFF800000> : vector<8xf32>
    %reduce_max3A_280 = vector.multi_reduction <maximumf>, %get3A_278, %reduce_max3A_279 [1] : vector<8x1024xf32> to vector<8xf32>
    %broadcast_in_dim3A_281 = vector.shape_cast %reduce_max3A_280 : vector<8xf32> to vector<8x1xf32>
    %eq3A_282 = arith.constant 23 : i32
    %eq3A_283 = vector.broadcast %eq3A_282 : i32 to vector<8x128xi32>
    %eq3A_284 = arith.cmpi eq, %iota3A, %eq3A_283 : vector<8x128xi32>
    %broadcast_in_dim3A_285 = vector.shape_cast %broadcast_in_dim3A_281 : vector<8x1xf32> to vector<8x1xf32>
    %broadcast_in_dim3A_286 = vector.broadcast %broadcast_in_dim3A_285 : vector<8x1xf32> to vector<8x128xf32>
    %select_n3A_287 = arith.select %eq3A_284, %broadcast_in_dim3A_286, %select_n3A_275 : vector<8x128xi1>, vector<8x128xf32>
    %get3A_288 = arith.constant 0 : index
    %get3A_289 = arith.constant 24576 : index
    %get3A_290 = vector.load %arg1[%get3A_288, %get3A_289] : memref<8x100352xf32, #tpu.memory_space<vmem>>, vector<8x1024xf32>
    %reduce_max3A_291 = arith.constant dense<0xFF800000> : vector<8xf32>
    %reduce_max3A_292 = vector.multi_reduction <maximumf>, %get3A_290, %reduce_max3A_291 [1] : vector<8x1024xf32> to vector<8xf32>
    %broadcast_in_dim3A_293 = vector.shape_cast %reduce_max3A_292 : vector<8xf32> to vector<8x1xf32>
    %eq3A_294 = arith.constant 24 : i32
    %eq3A_295 = vector.broadcast %eq3A_294 : i32 to vector<8x128xi32>
    %eq3A_296 = arith.cmpi eq, %iota3A, %eq3A_295 : vector<8x128xi32>
    %broadcast_in_dim3A_297 = vector.shape_cast %broadcast_in_dim3A_293 : vector<8x1xf32> to vector<8x1xf32>
    %broadcast_in_dim3A_298 = vector.broadcast %broadcast_in_dim3A_297 : vector<8x1xf32> to vector<8x128xf32>
    %select_n3A_299 = arith.select %eq3A_296, %broadcast_in_dim3A_298, %select_n3A_287 : vector<8x128xi1>, vector<8x128xf32>
    %get3A_300 = arith.constant 0 : index
    %get3A_301 = arith.constant 25600 : index
    %get3A_302 = vector.load %arg1[%get3A_300, %get3A_301] : memref<8x100352xf32, #tpu.memory_space<vmem>>, vector<8x1024xf32>
    %reduce_max3A_303 = arith.constant dense<0xFF800000> : vector<8xf32>
    %reduce_max3A_304 = vector.multi_reduction <maximumf>, %get3A_302, %reduce_max3A_303 [1] : vector<8x1024xf32> to vector<8xf32>
    %broadcast_in_dim3A_305 = vector.shape_cast %reduce_max3A_304 : vector<8xf32> to vector<8x1xf32>
    %eq3A_306 = arith.constant 25 : i32
    %eq3A_307 = vector.broadcast %eq3A_306 : i32 to vector<8x128xi32>
    %eq3A_308 = arith.cmpi eq, %iota3A, %eq3A_307 : vector<8x128xi32>
    %broadcast_in_dim3A_309 = vector.shape_cast %broadcast_in_dim3A_305 : vector<8x1xf32> to vector<8x1xf32>
    %broadcast_in_dim3A_310 = vector.broadcast %broadcast_in_dim3A_309 : vector<8x1xf32> to vector<8x128xf32>
    %select_n3A_311 = arith.select %eq3A_308, %broadcast_in_dim3A_310, %select_n3A_299 : vector<8x128xi1>, vector<8x128xf32>
    %get3A_312 = arith.constant 0 : index
    %get3A_313 = arith.constant 26624 : index
    %get3A_314 = vector.load %arg1[%get3A_312, %get3A_313] : memref<8x100352xf32, #tpu.memory_space<vmem>>, vector<8x1024xf32>
    %reduce_max3A_315 = arith.constant dense<0xFF800000> : vector<8xf32>
    %reduce_max3A_316 = vector.multi_reduction <maximumf>, %get3A_314, %reduce_max3A_315 [1] : vector<8x1024xf32> to vector<8xf32>
    %broadcast_in_dim3A_317 = vector.shape_cast %reduce_max3A_316 : vector<8xf32> to vector<8x1xf32>
    %eq3A_318 = arith.constant 26 : i32
    %eq3A_319 = vector.broadcast %eq3A_318 : i32 to vector<8x128xi32>
    %eq3A_320 = arith.cmpi eq, %iota3A, %eq3A_319 : vector<8x128xi32>
    %broadcast_in_dim3A_321 = vector.shape_cast %broadcast_in_dim3A_317 : vector<8x1xf32> to vector<8x1xf32>
    %broadcast_in_dim3A_322 = vector.broadcast %broadcast_in_dim3A_321 : vector<8x1xf32> to vector<8x128xf32>
    %select_n3A_323 = arith.select %eq3A_320, %broadcast_in_dim3A_322, %select_n3A_311 : vector<8x128xi1>, vector<8x128xf32>
    %get3A_324 = arith.constant 0 : index
    %get3A_325 = arith.constant 27648 : index
    %get3A_326 = vector.load %arg1[%get3A_324, %get3A_325] : memref<8x100352xf32, #tpu.memory_space<vmem>>, vector<8x1024xf32>
    %reduce_max3A_327 = arith.constant dense<0xFF800000> : vector<8xf32>
    %reduce_max3A_328 = vector.multi_reduction <maximumf>, %get3A_326, %reduce_max3A_327 [1] : vector<8x1024xf32> to vector<8xf32>
    %broadcast_in_dim3A_329 = vector.shape_cast %reduce_max3A_328 : vector<8xf32> to vector<8x1xf32>
    %eq3A_330 = arith.constant 27 : i32
    %eq3A_331 = vector.broadcast %eq3A_330 : i32 to vector<8x128xi32>
    %eq3A_332 = arith.cmpi eq, %iota3A, %eq3A_331 : vector<8x128xi32>
    %broadcast_in_dim3A_333 = vector.shape_cast %broadcast_in_dim3A_329 : vector<8x1xf32> to vector<8x1xf32>
    %broadcast_in_dim3A_334 = vector.broadcast %broadcast_in_dim3A_333 : vector<8x1xf32> to vector<8x128xf32>
    %select_n3A_335 = arith.select %eq3A_332, %broadcast_in_dim3A_334, %select_n3A_323 : vector<8x128xi1>, vector<8x128xf32>
    %get3A_336 = arith.constant 0 : index
    %get3A_337 = arith.constant 28672 : index
    %get3A_338 = vector.load %arg1[%get3A_336, %get3A_337] : memref<8x100352xf32, #tpu.memory_space<vmem>>, vector<8x1024xf32>
    %reduce_max3A_339 = arith.constant dense<0xFF800000> : vector<8xf32>
    %reduce_max3A_340 = vector.multi_reduction <maximumf>, %get3A_338, %reduce_max3A_339 [1] : vector<8x1024xf32> to vector<8xf32>
    %broadcast_in_dim3A_341 = vector.shape_cast %reduce_max3A_340 : vector<8xf32> to vector<8x1xf32>
    %eq3A_342 = arith.constant 28 : i32
    %eq3A_343 = vector.broadcast %eq3A_342 : i32 to vector<8x128xi32>
    %eq3A_344 = arith.cmpi eq, %iota3A, %eq3A_343 : vector<8x128xi32>
    %broadcast_in_dim3A_345 = vector.shape_cast %broadcast_in_dim3A_341 : vector<8x1xf32> to vector<8x1xf32>
    %broadcast_in_dim3A_346 = vector.broadcast %broadcast_in_dim3A_345 : vector<8x1xf32> to vector<8x128xf32>
    %select_n3A_347 = arith.select %eq3A_344, %broadcast_in_dim3A_346, %select_n3A_335 : vector<8x128xi1>, vector<8x128xf32>
    %get3A_348 = arith.constant 0 : index
    %get3A_349 = arith.constant 29696 : index
    %get3A_350 = vector.load %arg1[%get3A_348, %get3A_349] : memref<8x100352xf32, #tpu.memory_space<vmem>>, vector<8x1024xf32>
    %reduce_max3A_351 = arith.constant dense<0xFF800000> : vector<8xf32>
    %reduce_max3A_352 = vector.multi_reduction <maximumf>, %get3A_350, %reduce_max3A_351 [1] : vector<8x1024xf32> to vector<8xf32>
    %broadcast_in_dim3A_353 = vector.shape_cast %reduce_max3A_352 : vector<8xf32> to vector<8x1xf32>
    %eq3A_354 = arith.constant 29 : i32
    %eq3A_355 = vector.broadcast %eq3A_354 : i32 to vector<8x128xi32>
    %eq3A_356 = arith.cmpi eq, %iota3A, %eq3A_355 : vector<8x128xi32>
    %broadcast_in_dim3A_357 = vector.shape_cast %broadcast_in_dim3A_353 : vector<8x1xf32> to vector<8x1xf32>
    %broadcast_in_dim3A_358 = vector.broadcast %broadcast_in_dim3A_357 : vector<8x1xf32> to vector<8x128xf32>
    %select_n3A_359 = arith.select %eq3A_356, %broadcast_in_dim3A_358, %select_n3A_347 : vector<8x128xi1>, vector<8x128xf32>
    %get3A_360 = arith.constant 0 : index
    %get3A_361 = arith.constant 30720 : index
    %get3A_362 = vector.load %arg1[%get3A_360, %get3A_361] : memref<8x100352xf32, #tpu.memory_space<vmem>>, vector<8x1024xf32>
    %reduce_max3A_363 = arith.constant dense<0xFF800000> : vector<8xf32>
    %reduce_max3A_364 = vector.multi_reduction <maximumf>, %get3A_362, %reduce_max3A_363 [1] : vector<8x1024xf32> to vector<8xf32>
    %broadcast_in_dim3A_365 = vector.shape_cast %reduce_max3A_364 : vector<8xf32> to vector<8x1xf32>
    %eq3A_366 = arith.constant 30 : i32
    %eq3A_367 = vector.broadcast %eq3A_366 : i32 to vector<8x128xi32>
    %eq3A_368 = arith.cmpi eq, %iota3A, %eq3A_367 : vector<8x128xi32>
    %broadcast_in_dim3A_369 = vector.shape_cast %broadcast_in_dim3A_365 : vector<8x1xf32> to vector<8x1xf32>
    %broadcast_in_dim3A_370 = vector.broadcast %broadcast_in_dim3A_369 : vector<8x1xf32> to vector<8x128xf32>
    %select_n3A_371 = arith.select %eq3A_368, %broadcast_in_dim3A_370, %select_n3A_359 : vector<8x128xi1>, vector<8x128xf32>
    %get3A_372 = arith.constant 0 : index
    %get3A_373 = arith.constant 31744 : index
    %get3A_374 = vector.load %arg1[%get3A_372, %get3A_373] : memref<8x100352xf32, #tpu.memory_space<vmem>>, vector<8x1024xf32>
    %reduce_max3A_375 = arith.constant dense<0xFF800000> : vector<8xf32>
    %reduce_max3A_376 = vector.multi_reduction <maximumf>, %get3A_374, %reduce_max3A_375 [1] : vector<8x1024xf32> to vector<8xf32>
    %broadcast_in_dim3A_377 = vector.shape_cast %reduce_max3A_376 : vector<8xf32> to vector<8x1xf32>
    %eq3A_378 = arith.constant 31 : i32
    %eq3A_379 = vector.broadcast %eq3A_378 : i32 to vector<8x128xi32>
    %eq3A_380 = arith.cmpi eq, %iota3A, %eq3A_379 : vector<8x128xi32>
    %broadcast_in_dim3A_381 = vector.shape_cast %broadcast_in_dim3A_377 : vector<8x1xf32> to vector<8x1xf32>
    %broadcast_in_dim3A_382 = vector.broadcast %broadcast_in_dim3A_381 : vector<8x1xf32> to vector<8x128xf32>
    %select_n3A_383 = arith.select %eq3A_380, %broadcast_in_dim3A_382, %select_n3A_371 : vector<8x128xi1>, vector<8x128xf32>
    %get3A_384 = arith.constant 0 : index
    %get3A_385 = arith.constant 32768 : index
    %get3A_386 = vector.load %arg1[%get3A_384, %get3A_385] : memref<8x100352xf32, #tpu.memory_space<vmem>>, vector<8x1024xf32>
    %reduce_max3A_387 = arith.constant dense<0xFF800000> : vector<8xf32>
    %reduce_max3A_388 = vector.multi_reduction <maximumf>, %get3A_386, %reduce_max3A_387 [1] : vector<8x1024xf32> to vector<8xf32>
    %broadcast_in_dim3A_389 = vector.shape_cast %reduce_max3A_388 : vector<8xf32> to vector<8x1xf32>
    %eq3A_390 = arith.constant 32 : i32
    %eq3A_391 = vector.broadcast %eq3A_390 : i32 to vector<8x128xi32>
    %eq3A_392 = arith.cmpi eq, %iota3A, %eq3A_391 : vector<8x128xi32>
    %broadcast_in_dim3A_393 = vector.shape_cast %broadcast_in_dim3A_389 : vector<8x1xf32> to vector<8x1xf32>
    %broadcast_in_dim3A_394 = vector.broadcast %broadcast_in_dim3A_393 : vector<8x1xf32> to vector<8x128xf32>
    %select_n3A_395 = arith.select %eq3A_392, %broadcast_in_dim3A_394, %select_n3A_383 : vector<8x128xi1>, vector<8x128xf32>
    %get3A_396 = arith.constant 0 : index
    %get3A_397 = arith.constant 33792 : index
    %get3A_398 = vector.load %arg1[%get3A_396, %get3A_397] : memref<8x100352xf32, #tpu.memory_space<vmem>>, vector<8x1024xf32>
    %reduce_max3A_399 = arith.constant dense<0xFF800000> : vector<8xf32>
    %reduce_max3A_400 = vector.multi_reduction <maximumf>, %get3A_398, %reduce_max3A_399 [1] : vector<8x1024xf32> to vector<8xf32>
    %broadcast_in_dim3A_401 = vector.shape_cast %reduce_max3A_400 : vector<8xf32> to vector<8x1xf32>
    %eq3A_402 = arith.constant 33 : i32
    %eq3A_403 = vector.broadcast %eq3A_402 : i32 to vector<8x128xi32>
    %eq3A_404 = arith.cmpi eq, %iota3A, %eq3A_403 : vector<8x128xi32>
    %broadcast_in_dim3A_405 = vector.shape_cast %broadcast_in_dim3A_401 : vector<8x1xf32> to vector<8x1xf32>
    %broadcast_in_dim3A_406 = vector.broadcast %broadcast_in_dim3A_405 : vector<8x1xf32> to vector<8x128xf32>
    %select_n3A_407 = arith.select %eq3A_404, %broadcast_in_dim3A_406, %select_n3A_395 : vector<8x128xi1>, vector<8x128xf32>
    %get3A_408 = arith.constant 0 : index
    %get3A_409 = arith.constant 34816 : index
    %get3A_410 = vector.load %arg1[%get3A_408, %get3A_409] : memref<8x100352xf32, #tpu.memory_space<vmem>>, vector<8x1024xf32>
    %reduce_max3A_411 = arith.constant dense<0xFF800000> : vector<8xf32>
    %reduce_max3A_412 = vector.multi_reduction <maximumf>, %get3A_410, %reduce_max3A_411 [1] : vector<8x1024xf32> to vector<8xf32>
    %broadcast_in_dim3A_413 = vector.shape_cast %reduce_max3A_412 : vector<8xf32> to vector<8x1xf32>
    %eq3A_414 = arith.constant 34 : i32
    %eq3A_415 = vector.broadcast %eq3A_414 : i32 to vector<8x128xi32>
    %eq3A_416 = arith.cmpi eq, %iota3A, %eq3A_415 : vector<8x128xi32>
    %broadcast_in_dim3A_417 = vector.shape_cast %broadcast_in_dim3A_413 : vector<8x1xf32> to vector<8x1xf32>
    %broadcast_in_dim3A_418 = vector.broadcast %broadcast_in_dim3A_417 : vector<8x1xf32> to vector<8x128xf32>
    %select_n3A_419 = arith.select %eq3A_416, %broadcast_in_dim3A_418, %select_n3A_407 : vector<8x128xi1>, vector<8x128xf32>
    %get3A_420 = arith.constant 0 : index
    %get3A_421 = arith.constant 35840 : index
    %get3A_422 = vector.load %arg1[%get3A_420, %get3A_421] : memref<8x100352xf32, #tpu.memory_space<vmem>>, vector<8x1024xf32>
    %reduce_max3A_423 = arith.constant dense<0xFF800000> : vector<8xf32>
    %reduce_max3A_424 = vector.multi_reduction <maximumf>, %get3A_422, %reduce_max3A_423 [1] : vector<8x1024xf32> to vector<8xf32>
    %broadcast_in_dim3A_425 = vector.shape_cast %reduce_max3A_424 : vector<8xf32> to vector<8x1xf32>
    %eq3A_426 = arith.constant 35 : i32
    %eq3A_427 = vector.broadcast %eq3A_426 : i32 to vector<8x128xi32>
    %eq3A_428 = arith.cmpi eq, %iota3A, %eq3A_427 : vector<8x128xi32>
    %broadcast_in_dim3A_429 = vector.shape_cast %broadcast_in_dim3A_425 : vector<8x1xf32> to vector<8x1xf32>
    %broadcast_in_dim3A_430 = vector.broadcast %broadcast_in_dim3A_429 : vector<8x1xf32> to vector<8x128xf32>
    %select_n3A_431 = arith.select %eq3A_428, %broadcast_in_dim3A_430, %select_n3A_419 : vector<8x128xi1>, vector<8x128xf32>
    %get3A_432 = arith.constant 0 : index
    %get3A_433 = arith.constant 36864 : index
    %get3A_434 = vector.load %arg1[%get3A_432, %get3A_433] : memref<8x100352xf32, #tpu.memory_space<vmem>>, vector<8x1024xf32>
    %reduce_max3A_435 = arith.constant dense<0xFF800000> : vector<8xf32>
    %reduce_max3A_436 = vector.multi_reduction <maximumf>, %get3A_434, %reduce_max3A_435 [1] : vector<8x1024xf32> to vector<8xf32>
    %broadcast_in_dim3A_437 = vector.shape_cast %reduce_max3A_436 : vector<8xf32> to vector<8x1xf32>
    %eq3A_438 = arith.constant 36 : i32
    %eq3A_439 = vector.broadcast %eq3A_438 : i32 to vector<8x128xi32>
    %eq3A_440 = arith.cmpi eq, %iota3A, %eq3A_439 : vector<8x128xi32>
    %broadcast_in_dim3A_441 = vector.shape_cast %broadcast_in_dim3A_437 : vector<8x1xf32> to vector<8x1xf32>
    %broadcast_in_dim3A_442 = vector.broadcast %broadcast_in_dim3A_441 : vector<8x1xf32> to vector<8x128xf32>
    %select_n3A_443 = arith.select %eq3A_440, %broadcast_in_dim3A_442, %select_n3A_431 : vector<8x128xi1>, vector<8x128xf32>
    %get3A_444 = arith.constant 0 : index
    %get3A_445 = arith.constant 37888 : index
    %get3A_446 = vector.load %arg1[%get3A_444, %get3A_445] : memref<8x100352xf32, #tpu.memory_space<vmem>>, vector<8x1024xf32>
    %reduce_max3A_447 = arith.constant dense<0xFF800000> : vector<8xf32>
    %reduce_max3A_448 = vector.multi_reduction <maximumf>, %get3A_446, %reduce_max3A_447 [1] : vector<8x1024xf32> to vector<8xf32>
    %broadcast_in_dim3A_449 = vector.shape_cast %reduce_max3A_448 : vector<8xf32> to vector<8x1xf32>
    %eq3A_450 = arith.constant 37 : i32
    %eq3A_451 = vector.broadcast %eq3A_450 : i32 to vector<8x128xi32>
    %eq3A_452 = arith.cmpi eq, %iota3A, %eq3A_451 : vector<8x128xi32>
    %broadcast_in_dim3A_453 = vector.shape_cast %broadcast_in_dim3A_449 : vector<8x1xf32> to vector<8x1xf32>
    %broadcast_in_dim3A_454 = vector.broadcast %broadcast_in_dim3A_453 : vector<8x1xf32> to vector<8x128xf32>
    %select_n3A_455 = arith.select %eq3A_452, %broadcast_in_dim3A_454, %select_n3A_443 : vector<8x128xi1>, vector<8x128xf32>
    %get3A_456 = arith.constant 0 : index
    %get3A_457 = arith.constant 38912 : index
    %get3A_458 = vector.load %arg1[%get3A_456, %get3A_457] : memref<8x100352xf32, #tpu.memory_space<vmem>>, vector<8x1024xf32>
    %reduce_max3A_459 = arith.constant dense<0xFF800000> : vector<8xf32>
    %reduce_max3A_460 = vector.multi_reduction <maximumf>, %get3A_458, %reduce_max3A_459 [1] : vector<8x1024xf32> to vector<8xf32>
    %broadcast_in_dim3A_461 = vector.shape_cast %reduce_max3A_460 : vector<8xf32> to vector<8x1xf32>
    %eq3A_462 = arith.constant 38 : i32
    %eq3A_463 = vector.broadcast %eq3A_462 : i32 to vector<8x128xi32>
    %eq3A_464 = arith.cmpi eq, %iota3A, %eq3A_463 : vector<8x128xi32>
    %broadcast_in_dim3A_465 = vector.shape_cast %broadcast_in_dim3A_461 : vector<8x1xf32> to vector<8x1xf32>
    %broadcast_in_dim3A_466 = vector.broadcast %broadcast_in_dim3A_465 : vector<8x1xf32> to vector<8x128xf32>
    %select_n3A_467 = arith.select %eq3A_464, %broadcast_in_dim3A_466, %select_n3A_455 : vector<8x128xi1>, vector<8x128xf32>
    %get3A_468 = arith.constant 0 : index
    %get3A_469 = arith.constant 39936 : index
    %get3A_470 = vector.load %arg1[%get3A_468, %get3A_469] : memref<8x100352xf32, #tpu.memory_space<vmem>>, vector<8x1024xf32>
    %reduce_max3A_471 = arith.constant dense<0xFF800000> : vector<8xf32>
    %reduce_max3A_472 = vector.multi_reduction <maximumf>, %get3A_470, %reduce_max3A_471 [1] : vector<8x1024xf32> to vector<8xf32>
    %broadcast_in_dim3A_473 = vector.shape_cast %reduce_max3A_472 : vector<8xf32> to vector<8x1xf32>
    %eq3A_474 = arith.constant 39 : i32
    %eq3A_475 = vector.broadcast %eq3A_474 : i32 to vector<8x128xi32>
    %eq3A_476 = arith.cmpi eq, %iota3A, %eq3A_475 : vector<8x128xi32>
    %broadcast_in_dim3A_477 = vector.shape_cast %broadcast_in_dim3A_473 : vector<8x1xf32> to vector<8x1xf32>
    %broadcast_in_dim3A_478 = vector.broadcast %broadcast_in_dim3A_477 : vector<8x1xf32> to vector<8x128xf32>
    %select_n3A_479 = arith.select %eq3A_476, %broadcast_in_dim3A_478, %select_n3A_467 : vector<8x128xi1>, vector<8x128xf32>
    %get3A_480 = arith.constant 0 : index
    %get3A_481 = arith.constant 40960 : index
    %get3A_482 = vector.load %arg1[%get3A_480, %get3A_481] : memref<8x100352xf32, #tpu.memory_space<vmem>>, vector<8x1024xf32>
    %reduce_max3A_483 = arith.constant dense<0xFF800000> : vector<8xf32>
    %reduce_max3A_484 = vector.multi_reduction <maximumf>, %get3A_482, %reduce_max3A_483 [1] : vector<8x1024xf32> to vector<8xf32>
    %broadcast_in_dim3A_485 = vector.shape_cast %reduce_max3A_484 : vector<8xf32> to vector<8x1xf32>
    %eq3A_486 = arith.constant 40 : i32
    %eq3A_487 = vector.broadcast %eq3A_486 : i32 to vector<8x128xi32>
    %eq3A_488 = arith.cmpi eq, %iota3A, %eq3A_487 : vector<8x128xi32>
    %broadcast_in_dim3A_489 = vector.shape_cast %broadcast_in_dim3A_485 : vector<8x1xf32> to vector<8x1xf32>
    %broadcast_in_dim3A_490 = vector.broadcast %broadcast_in_dim3A_489 : vector<8x1xf32> to vector<8x128xf32>
    %select_n3A_491 = arith.select %eq3A_488, %broadcast_in_dim3A_490, %select_n3A_479 : vector<8x128xi1>, vector<8x128xf32>
    %get3A_492 = arith.constant 0 : index
    %get3A_493 = arith.constant 41984 : index
    %get3A_494 = vector.load %arg1[%get3A_492, %get3A_493] : memref<8x100352xf32, #tpu.memory_space<vmem>>, vector<8x1024xf32>
    %reduce_max3A_495 = arith.constant dense<0xFF800000> : vector<8xf32>
    %reduce_max3A_496 = vector.multi_reduction <maximumf>, %get3A_494, %reduce_max3A_495 [1] : vector<8x1024xf32> to vector<8xf32>
    %broadcast_in_dim3A_497 = vector.shape_cast %reduce_max3A_496 : vector<8xf32> to vector<8x1xf32>
    %eq3A_498 = arith.constant 41 : i32
    %eq3A_499 = vector.broadcast %eq3A_498 : i32 to vector<8x128xi32>
    %eq3A_500 = arith.cmpi eq, %iota3A, %eq3A_499 : vector<8x128xi32>
    %broadcast_in_dim3A_501 = vector.shape_cast %broadcast_in_dim3A_497 : vector<8x1xf32> to vector<8x1xf32>
    %broadcast_in_dim3A_502 = vector.broadcast %broadcast_in_dim3A_501 : vector<8x1xf32> to vector<8x128xf32>
    %select_n3A_503 = arith.select %eq3A_500, %broadcast_in_dim3A_502, %select_n3A_491 : vector<8x128xi1>, vector<8x128xf32>
    %get3A_504 = arith.constant 0 : index
    %get3A_505 = arith.constant 43008 : index
    %get3A_506 = vector.load %arg1[%get3A_504, %get3A_505] : memref<8x100352xf32, #tpu.memory_space<vmem>>, vector<8x1024xf32>
    %reduce_max3A_507 = arith.constant dense<0xFF800000> : vector<8xf32>
    %reduce_max3A_508 = vector.multi_reduction <maximumf>, %get3A_506, %reduce_max3A_507 [1] : vector<8x1024xf32> to vector<8xf32>
    %broadcast_in_dim3A_509 = vector.shape_cast %reduce_max3A_508 : vector<8xf32> to vector<8x1xf32>
    %eq3A_510 = arith.constant 42 : i32
    %eq3A_511 = vector.broadcast %eq3A_510 : i32 to vector<8x128xi32>
    %eq3A_512 = arith.cmpi eq, %iota3A, %eq3A_511 : vector<8x128xi32>
    %broadcast_in_dim3A_513 = vector.shape_cast %broadcast_in_dim3A_509 : vector<8x1xf32> to vector<8x1xf32>
    %broadcast_in_dim3A_514 = vector.broadcast %broadcast_in_dim3A_513 : vector<8x1xf32> to vector<8x128xf32>
    %select_n3A_515 = arith.select %eq3A_512, %broadcast_in_dim3A_514, %select_n3A_503 : vector<8x128xi1>, vector<8x128xf32>
    %get3A_516 = arith.constant 0 : index
    %get3A_517 = arith.constant 44032 : index
    %get3A_518 = vector.load %arg1[%get3A_516, %get3A_517] : memref<8x100352xf32, #tpu.memory_space<vmem>>, vector<8x1024xf32>
    %reduce_max3A_519 = arith.constant dense<0xFF800000> : vector<8xf32>
    %reduce_max3A_520 = vector.multi_reduction <maximumf>, %get3A_518, %reduce_max3A_519 [1] : vector<8x1024xf32> to vector<8xf32>
    %broadcast_in_dim3A_521 = vector.shape_cast %reduce_max3A_520 : vector<8xf32> to vector<8x1xf32>
    %eq3A_522 = arith.constant 43 : i32
    %eq3A_523 = vector.broadcast %eq3A_522 : i32 to vector<8x128xi32>
    %eq3A_524 = arith.cmpi eq, %iota3A, %eq3A_523 : vector<8x128xi32>
    %broadcast_in_dim3A_525 = vector.shape_cast %broadcast_in_dim3A_521 : vector<8x1xf32> to vector<8x1xf32>
    %broadcast_in_dim3A_526 = vector.broadcast %broadcast_in_dim3A_525 : vector<8x1xf32> to vector<8x128xf32>
    %select_n3A_527 = arith.select %eq3A_524, %broadcast_in_dim3A_526, %select_n3A_515 : vector<8x128xi1>, vector<8x128xf32>
    %get3A_528 = arith.constant 0 : index
    %get3A_529 = arith.constant 45056 : index
    %get3A_530 = vector.load %arg1[%get3A_528, %get3A_529] : memref<8x100352xf32, #tpu.memory_space<vmem>>, vector<8x1024xf32>
    %reduce_max3A_531 = arith.constant dense<0xFF800000> : vector<8xf32>
    %reduce_max3A_532 = vector.multi_reduction <maximumf>, %get3A_530, %reduce_max3A_531 [1] : vector<8x1024xf32> to vector<8xf32>
    %broadcast_in_dim3A_533 = vector.shape_cast %reduce_max3A_532 : vector<8xf32> to vector<8x1xf32>
    %eq3A_534 = arith.constant 44 : i32
    %eq3A_535 = vector.broadcast %eq3A_534 : i32 to vector<8x128xi32>
    %eq3A_536 = arith.cmpi eq, %iota3A, %eq3A_535 : vector<8x128xi32>
    %broadcast_in_dim3A_537 = vector.shape_cast %broadcast_in_dim3A_533 : vector<8x1xf32> to vector<8x1xf32>
    %broadcast_in_dim3A_538 = vector.broadcast %broadcast_in_dim3A_537 : vector<8x1xf32> to vector<8x128xf32>
    %select_n3A_539 = arith.select %eq3A_536, %broadcast_in_dim3A_538, %select_n3A_527 : vector<8x128xi1>, vector<8x128xf32>
    %get3A_540 = arith.constant 0 : index
    %get3A_541 = arith.constant 46080 : index
    %get3A_542 = vector.load %arg1[%get3A_540, %get3A_541] : memref<8x100352xf32, #tpu.memory_space<vmem>>, vector<8x1024xf32>
    %reduce_max3A_543 = arith.constant dense<0xFF800000> : vector<8xf32>
    %reduce_max3A_544 = vector.multi_reduction <maximumf>, %get3A_542, %reduce_max3A_543 [1] : vector<8x1024xf32> to vector<8xf32>
    %broadcast_in_dim3A_545 = vector.shape_cast %reduce_max3A_544 : vector<8xf32> to vector<8x1xf32>
    %eq3A_546 = arith.constant 45 : i32
    %eq3A_547 = vector.broadcast %eq3A_546 : i32 to vector<8x128xi32>
    %eq3A_548 = arith.cmpi eq, %iota3A, %eq3A_547 : vector<8x128xi32>
    %broadcast_in_dim3A_549 = vector.shape_cast %broadcast_in_dim3A_545 : vector<8x1xf32> to vector<8x1xf32>
    %broadcast_in_dim3A_550 = vector.broadcast %broadcast_in_dim3A_549 : vector<8x1xf32> to vector<8x128xf32>
    %select_n3A_551 = arith.select %eq3A_548, %broadcast_in_dim3A_550, %select_n3A_539 : vector<8x128xi1>, vector<8x128xf32>
    %get3A_552 = arith.constant 0 : index
    %get3A_553 = arith.constant 47104 : index
    %get3A_554 = vector.load %arg1[%get3A_552, %get3A_553] : memref<8x100352xf32, #tpu.memory_space<vmem>>, vector<8x1024xf32>
    %reduce_max3A_555 = arith.constant dense<0xFF800000> : vector<8xf32>
    %reduce_max3A_556 = vector.multi_reduction <maximumf>, %get3A_554, %reduce_max3A_555 [1] : vector<8x1024xf32> to vector<8xf32>
    %broadcast_in_dim3A_557 = vector.shape_cast %reduce_max3A_556 : vector<8xf32> to vector<8x1xf32>
    %eq3A_558 = arith.constant 46 : i32
    %eq3A_559 = vector.broadcast %eq3A_558 : i32 to vector<8x128xi32>
    %eq3A_560 = arith.cmpi eq, %iota3A, %eq3A_559 : vector<8x128xi32>
    %broadcast_in_dim3A_561 = vector.shape_cast %broadcast_in_dim3A_557 : vector<8x1xf32> to vector<8x1xf32>
    %broadcast_in_dim3A_562 = vector.broadcast %broadcast_in_dim3A_561 : vector<8x1xf32> to vector<8x128xf32>
    %select_n3A_563 = arith.select %eq3A_560, %broadcast_in_dim3A_562, %select_n3A_551 : vector<8x128xi1>, vector<8x128xf32>
    %get3A_564 = arith.constant 0 : index
    %get3A_565 = arith.constant 48128 : index
    %get3A_566 = vector.load %arg1[%get3A_564, %get3A_565] : memref<8x100352xf32, #tpu.memory_space<vmem>>, vector<8x1024xf32>
    %reduce_max3A_567 = arith.constant dense<0xFF800000> : vector<8xf32>
    %reduce_max3A_568 = vector.multi_reduction <maximumf>, %get3A_566, %reduce_max3A_567 [1] : vector<8x1024xf32> to vector<8xf32>
    %broadcast_in_dim3A_569 = vector.shape_cast %reduce_max3A_568 : vector<8xf32> to vector<8x1xf32>
    %eq3A_570 = arith.constant 47 : i32
    %eq3A_571 = vector.broadcast %eq3A_570 : i32 to vector<8x128xi32>
    %eq3A_572 = arith.cmpi eq, %iota3A, %eq3A_571 : vector<8x128xi32>
    %broadcast_in_dim3A_573 = vector.shape_cast %broadcast_in_dim3A_569 : vector<8x1xf32> to vector<8x1xf32>
    %broadcast_in_dim3A_574 = vector.broadcast %broadcast_in_dim3A_573 : vector<8x1xf32> to vector<8x128xf32>
    %select_n3A_575 = arith.select %eq3A_572, %broadcast_in_dim3A_574, %select_n3A_563 : vector<8x128xi1>, vector<8x128xf32>
    %get3A_576 = arith.constant 0 : index
    %get3A_577 = arith.constant 49152 : index
    %get3A_578 = vector.load %arg1[%get3A_576, %get3A_577] : memref<8x100352xf32, #tpu.memory_space<vmem>>, vector<8x1024xf32>
    %reduce_max3A_579 = arith.constant dense<0xFF800000> : vector<8xf32>
    %reduce_max3A_580 = vector.multi_reduction <maximumf>, %get3A_578, %reduce_max3A_579 [1] : vector<8x1024xf32> to vector<8xf32>
    %broadcast_in_dim3A_581 = vector.shape_cast %reduce_max3A_580 : vector<8xf32> to vector<8x1xf32>
    %eq3A_582 = arith.constant 48 : i32
    %eq3A_583 = vector.broadcast %eq3A_582 : i32 to vector<8x128xi32>
    %eq3A_584 = arith.cmpi eq, %iota3A, %eq3A_583 : vector<8x128xi32>
    %broadcast_in_dim3A_585 = vector.shape_cast %broadcast_in_dim3A_581 : vector<8x1xf32> to vector<8x1xf32>
    %broadcast_in_dim3A_586 = vector.broadcast %broadcast_in_dim3A_585 : vector<8x1xf32> to vector<8x128xf32>
    %select_n3A_587 = arith.select %eq3A_584, %broadcast_in_dim3A_586, %select_n3A_575 : vector<8x128xi1>, vector<8x128xf32>
    %get3A_588 = arith.constant 0 : index
    %get3A_589 = arith.constant 50176 : index
    %get3A_590 = vector.load %arg1[%get3A_588, %get3A_589] : memref<8x100352xf32, #tpu.memory_space<vmem>>, vector<8x1024xf32>
    %reduce_max3A_591 = arith.constant dense<0xFF800000> : vector<8xf32>
    %reduce_max3A_592 = vector.multi_reduction <maximumf>, %get3A_590, %reduce_max3A_591 [1] : vector<8x1024xf32> to vector<8xf32>
    %broadcast_in_dim3A_593 = vector.shape_cast %reduce_max3A_592 : vector<8xf32> to vector<8x1xf32>
    %eq3A_594 = arith.constant 49 : i32
    %eq3A_595 = vector.broadcast %eq3A_594 : i32 to vector<8x128xi32>
    %eq3A_596 = arith.cmpi eq, %iota3A, %eq3A_595 : vector<8x128xi32>
    %broadcast_in_dim3A_597 = vector.shape_cast %broadcast_in_dim3A_593 : vector<8x1xf32> to vector<8x1xf32>
    %broadcast_in_dim3A_598 = vector.broadcast %broadcast_in_dim3A_597 : vector<8x1xf32> to vector<8x128xf32>
    %select_n3A_599 = arith.select %eq3A_596, %broadcast_in_dim3A_598, %select_n3A_587 : vector<8x128xi1>, vector<8x128xf32>
    %get3A_600 = arith.constant 0 : index
    %get3A_601 = arith.constant 51200 : index
    %get3A_602 = vector.load %arg1[%get3A_600, %get3A_601] : memref<8x100352xf32, #tpu.memory_space<vmem>>, vector<8x1024xf32>
    %reduce_max3A_603 = arith.constant dense<0xFF800000> : vector<8xf32>
    %reduce_max3A_604 = vector.multi_reduction <maximumf>, %get3A_602, %reduce_max3A_603 [1] : vector<8x1024xf32> to vector<8xf32>
    %broadcast_in_dim3A_605 = vector.shape_cast %reduce_max3A_604 : vector<8xf32> to vector<8x1xf32>
    %eq3A_606 = arith.constant 50 : i32
    %eq3A_607 = vector.broadcast %eq3A_606 : i32 to vector<8x128xi32>
    %eq3A_608 = arith.cmpi eq, %iota3A, %eq3A_607 : vector<8x128xi32>
    %broadcast_in_dim3A_609 = vector.shape_cast %broadcast_in_dim3A_605 : vector<8x1xf32> to vector<8x1xf32>
    %broadcast_in_dim3A_610 = vector.broadcast %broadcast_in_dim3A_609 : vector<8x1xf32> to vector<8x128xf32>
    %select_n3A_611 = arith.select %eq3A_608, %broadcast_in_dim3A_610, %select_n3A_599 : vector<8x128xi1>, vector<8x128xf32>
    %get3A_612 = arith.constant 0 : index
    %get3A_613 = arith.constant 52224 : index
    %get3A_614 = vector.load %arg1[%get3A_612, %get3A_613] : memref<8x100352xf32, #tpu.memory_space<vmem>>, vector<8x1024xf32>
    %reduce_max3A_615 = arith.constant dense<0xFF800000> : vector<8xf32>
    %reduce_max3A_616 = vector.multi_reduction <maximumf>, %get3A_614, %reduce_max3A_615 [1] : vector<8x1024xf32> to vector<8xf32>
    %broadcast_in_dim3A_617 = vector.shape_cast %reduce_max3A_616 : vector<8xf32> to vector<8x1xf32>
    %eq3A_618 = arith.constant 51 : i32
    %eq3A_619 = vector.broadcast %eq3A_618 : i32 to vector<8x128xi32>
    %eq3A_620 = arith.cmpi eq, %iota3A, %eq3A_619 : vector<8x128xi32>
    %broadcast_in_dim3A_621 = vector.shape_cast %broadcast_in_dim3A_617 : vector<8x1xf32> to vector<8x1xf32>
    %broadcast_in_dim3A_622 = vector.broadcast %broadcast_in_dim3A_621 : vector<8x1xf32> to vector<8x128xf32>
    %select_n3A_623 = arith.select %eq3A_620, %broadcast_in_dim3A_622, %select_n3A_611 : vector<8x128xi1>, vector<8x128xf32>
    %get3A_624 = arith.constant 0 : index
    %get3A_625 = arith.constant 53248 : index
    %get3A_626 = vector.load %arg1[%get3A_624, %get3A_625] : memref<8x100352xf32, #tpu.memory_space<vmem>>, vector<8x1024xf32>
    %reduce_max3A_627 = arith.constant dense<0xFF800000> : vector<8xf32>
    %reduce_max3A_628 = vector.multi_reduction <maximumf>, %get3A_626, %reduce_max3A_627 [1] : vector<8x1024xf32> to vector<8xf32>
    %broadcast_in_dim3A_629 = vector.shape_cast %reduce_max3A_628 : vector<8xf32> to vector<8x1xf32>
    %eq3A_630 = arith.constant 52 : i32
    %eq3A_631 = vector.broadcast %eq3A_630 : i32 to vector<8x128xi32>
    %eq3A_632 = arith.cmpi eq, %iota3A, %eq3A_631 : vector<8x128xi32>
    %broadcast_in_dim3A_633 = vector.shape_cast %broadcast_in_dim3A_629 : vector<8x1xf32> to vector<8x1xf32>
    %broadcast_in_dim3A_634 = vector.broadcast %broadcast_in_dim3A_633 : vector<8x1xf32> to vector<8x128xf32>
    %select_n3A_635 = arith.select %eq3A_632, %broadcast_in_dim3A_634, %select_n3A_623 : vector<8x128xi1>, vector<8x128xf32>
    %get3A_636 = arith.constant 0 : index
    %get3A_637 = arith.constant 54272 : index
    %get3A_638 = vector.load %arg1[%get3A_636, %get3A_637] : memref<8x100352xf32, #tpu.memory_space<vmem>>, vector<8x1024xf32>
    %reduce_max3A_639 = arith.constant dense<0xFF800000> : vector<8xf32>
    %reduce_max3A_640 = vector.multi_reduction <maximumf>, %get3A_638, %reduce_max3A_639 [1] : vector<8x1024xf32> to vector<8xf32>
    %broadcast_in_dim3A_641 = vector.shape_cast %reduce_max3A_640 : vector<8xf32> to vector<8x1xf32>
    %eq3A_642 = arith.constant 53 : i32
    %eq3A_643 = vector.broadcast %eq3A_642 : i32 to vector<8x128xi32>
    %eq3A_644 = arith.cmpi eq, %iota3A, %eq3A_643 : vector<8x128xi32>
    %broadcast_in_dim3A_645 = vector.shape_cast %broadcast_in_dim3A_641 : vector<8x1xf32> to vector<8x1xf32>
    %broadcast_in_dim3A_646 = vector.broadcast %broadcast_in_dim3A_645 : vector<8x1xf32> to vector<8x128xf32>
    %select_n3A_647 = arith.select %eq3A_644, %broadcast_in_dim3A_646, %select_n3A_635 : vector<8x128xi1>, vector<8x128xf32>
    %get3A_648 = arith.constant 0 : index
    %get3A_649 = arith.constant 55296 : index
    %get3A_650 = vector.load %arg1[%get3A_648, %get3A_649] : memref<8x100352xf32, #tpu.memory_space<vmem>>, vector<8x1024xf32>
    %reduce_max3A_651 = arith.constant dense<0xFF800000> : vector<8xf32>
    %reduce_max3A_652 = vector.multi_reduction <maximumf>, %get3A_650, %reduce_max3A_651 [1] : vector<8x1024xf32> to vector<8xf32>
    %broadcast_in_dim3A_653 = vector.shape_cast %reduce_max3A_652 : vector<8xf32> to vector<8x1xf32>
    %eq3A_654 = arith.constant 54 : i32
    %eq3A_655 = vector.broadcast %eq3A_654 : i32 to vector<8x128xi32>
    %eq3A_656 = arith.cmpi eq, %iota3A, %eq3A_655 : vector<8x128xi32>
    %broadcast_in_dim3A_657 = vector.shape_cast %broadcast_in_dim3A_653 : vector<8x1xf32> to vector<8x1xf32>
    %broadcast_in_dim3A_658 = vector.broadcast %broadcast_in_dim3A_657 : vector<8x1xf32> to vector<8x128xf32>
    %select_n3A_659 = arith.select %eq3A_656, %broadcast_in_dim3A_658, %select_n3A_647 : vector<8x128xi1>, vector<8x128xf32>
    %get3A_660 = arith.constant 0 : index
    %get3A_661 = arith.constant 56320 : index
    %get3A_662 = vector.load %arg1[%get3A_660, %get3A_661] : memref<8x100352xf32, #tpu.memory_space<vmem>>, vector<8x1024xf32>
    %reduce_max3A_663 = arith.constant dense<0xFF800000> : vector<8xf32>
    %reduce_max3A_664 = vector.multi_reduction <maximumf>, %get3A_662, %reduce_max3A_663 [1] : vector<8x1024xf32> to vector<8xf32>
    %broadcast_in_dim3A_665 = vector.shape_cast %reduce_max3A_664 : vector<8xf32> to vector<8x1xf32>
    %eq3A_666 = arith.constant 55 : i32
    %eq3A_667 = vector.broadcast %eq3A_666 : i32 to vector<8x128xi32>
    %eq3A_668 = arith.cmpi eq, %iota3A, %eq3A_667 : vector<8x128xi32>
    %broadcast_in_dim3A_669 = vector.shape_cast %broadcast_in_dim3A_665 : vector<8x1xf32> to vector<8x1xf32>
    %broadcast_in_dim3A_670 = vector.broadcast %broadcast_in_dim3A_669 : vector<8x1xf32> to vector<8x128xf32>
    %select_n3A_671 = arith.select %eq3A_668, %broadcast_in_dim3A_670, %select_n3A_659 : vector<8x128xi1>, vector<8x128xf32>
    %get3A_672 = arith.constant 0 : index
    %get3A_673 = arith.constant 57344 : index
    %get3A_674 = vector.load %arg1[%get3A_672, %get3A_673] : memref<8x100352xf32, #tpu.memory_space<vmem>>, vector<8x1024xf32>
    %reduce_max3A_675 = arith.constant dense<0xFF800000> : vector<8xf32>
    %reduce_max3A_676 = vector.multi_reduction <maximumf>, %get3A_674, %reduce_max3A_675 [1] : vector<8x1024xf32> to vector<8xf32>
    %broadcast_in_dim3A_677 = vector.shape_cast %reduce_max3A_676 : vector<8xf32> to vector<8x1xf32>
    %eq3A_678 = arith.constant 56 : i32
    %eq3A_679 = vector.broadcast %eq3A_678 : i32 to vector<8x128xi32>
    %eq3A_680 = arith.cmpi eq, %iota3A, %eq3A_679 : vector<8x128xi32>
    %broadcast_in_dim3A_681 = vector.shape_cast %broadcast_in_dim3A_677 : vector<8x1xf32> to vector<8x1xf32>
    %broadcast_in_dim3A_682 = vector.broadcast %broadcast_in_dim3A_681 : vector<8x1xf32> to vector<8x128xf32>
    %select_n3A_683 = arith.select %eq3A_680, %broadcast_in_dim3A_682, %select_n3A_671 : vector<8x128xi1>, vector<8x128xf32>
    %get3A_684 = arith.constant 0 : index
    %get3A_685 = arith.constant 58368 : index
    %get3A_686 = vector.load %arg1[%get3A_684, %get3A_685] : memref<8x100352xf32, #tpu.memory_space<vmem>>, vector<8x1024xf32>
    %reduce_max3A_687 = arith.constant dense<0xFF800000> : vector<8xf32>
    %reduce_max3A_688 = vector.multi_reduction <maximumf>, %get3A_686, %reduce_max3A_687 [1] : vector<8x1024xf32> to vector<8xf32>
    %broadcast_in_dim3A_689 = vector.shape_cast %reduce_max3A_688 : vector<8xf32> to vector<8x1xf32>
    %eq3A_690 = arith.constant 57 : i32
    %eq3A_691 = vector.broadcast %eq3A_690 : i32 to vector<8x128xi32>
    %eq3A_692 = arith.cmpi eq, %iota3A, %eq3A_691 : vector<8x128xi32>
    %broadcast_in_dim3A_693 = vector.shape_cast %broadcast_in_dim3A_689 : vector<8x1xf32> to vector<8x1xf32>
    %broadcast_in_dim3A_694 = vector.broadcast %broadcast_in_dim3A_693 : vector<8x1xf32> to vector<8x128xf32>
    %select_n3A_695 = arith.select %eq3A_692, %broadcast_in_dim3A_694, %select_n3A_683 : vector<8x128xi1>, vector<8x128xf32>
    %get3A_696 = arith.constant 0 : index
    %get3A_697 = arith.constant 59392 : index
    %get3A_698 = vector.load %arg1[%get3A_696, %get3A_697] : memref<8x100352xf32, #tpu.memory_space<vmem>>, vector<8x1024xf32>
    %reduce_max3A_699 = arith.constant dense<0xFF800000> : vector<8xf32>
    %reduce_max3A_700 = vector.multi_reduction <maximumf>, %get3A_698, %reduce_max3A_699 [1] : vector<8x1024xf32> to vector<8xf32>
    %broadcast_in_dim3A_701 = vector.shape_cast %reduce_max3A_700 : vector<8xf32> to vector<8x1xf32>
    %eq3A_702 = arith.constant 58 : i32
    %eq3A_703 = vector.broadcast %eq3A_702 : i32 to vector<8x128xi32>
    %eq3A_704 = arith.cmpi eq, %iota3A, %eq3A_703 : vector<8x128xi32>
    %broadcast_in_dim3A_705 = vector.shape_cast %broadcast_in_dim3A_701 : vector<8x1xf32> to vector<8x1xf32>
    %broadcast_in_dim3A_706 = vector.broadcast %broadcast_in_dim3A_705 : vector<8x1xf32> to vector<8x128xf32>
    %select_n3A_707 = arith.select %eq3A_704, %broadcast_in_dim3A_706, %select_n3A_695 : vector<8x128xi1>, vector<8x128xf32>
    %get3A_708 = arith.constant 0 : index
    %get3A_709 = arith.constant 60416 : index
    %get3A_710 = vector.load %arg1[%get3A_708, %get3A_709] : memref<8x100352xf32, #tpu.memory_space<vmem>>, vector<8x1024xf32>
    %reduce_max3A_711 = arith.constant dense<0xFF800000> : vector<8xf32>
    %reduce_max3A_712 = vector.multi_reduction <maximumf>, %get3A_710, %reduce_max3A_711 [1] : vector<8x1024xf32> to vector<8xf32>
    %broadcast_in_dim3A_713 = vector.shape_cast %reduce_max3A_712 : vector<8xf32> to vector<8x1xf32>
    %eq3A_714 = arith.constant 59 : i32
    %eq3A_715 = vector.broadcast %eq3A_714 : i32 to vector<8x128xi32>
    %eq3A_716 = arith.cmpi eq, %iota3A, %eq3A_715 : vector<8x128xi32>
    %broadcast_in_dim3A_717 = vector.shape_cast %broadcast_in_dim3A_713 : vector<8x1xf32> to vector<8x1xf32>
    %broadcast_in_dim3A_718 = vector.broadcast %broadcast_in_dim3A_717 : vector<8x1xf32> to vector<8x128xf32>
    %select_n3A_719 = arith.select %eq3A_716, %broadcast_in_dim3A_718, %select_n3A_707 : vector<8x128xi1>, vector<8x128xf32>
    %get3A_720 = arith.constant 0 : index
    %get3A_721 = arith.constant 61440 : index
    %get3A_722 = vector.load %arg1[%get3A_720, %get3A_721] : memref<8x100352xf32, #tpu.memory_space<vmem>>, vector<8x1024xf32>
    %reduce_max3A_723 = arith.constant dense<0xFF800000> : vector<8xf32>
    %reduce_max3A_724 = vector.multi_reduction <maximumf>, %get3A_722, %reduce_max3A_723 [1] : vector<8x1024xf32> to vector<8xf32>
    %broadcast_in_dim3A_725 = vector.shape_cast %reduce_max3A_724 : vector<8xf32> to vector<8x1xf32>
    %eq3A_726 = arith.constant 60 : i32
    %eq3A_727 = vector.broadcast %eq3A_726 : i32 to vector<8x128xi32>
    %eq3A_728 = arith.cmpi eq, %iota3A, %eq3A_727 : vector<8x128xi32>
    %broadcast_in_dim3A_729 = vector.shape_cast %broadcast_in_dim3A_725 : vector<8x1xf32> to vector<8x1xf32>
    %broadcast_in_dim3A_730 = vector.broadcast %broadcast_in_dim3A_729 : vector<8x1xf32> to vector<8x128xf32>
    %select_n3A_731 = arith.select %eq3A_728, %broadcast_in_dim3A_730, %select_n3A_719 : vector<8x128xi1>, vector<8x128xf32>
    %get3A_732 = arith.constant 0 : index
    %get3A_733 = arith.constant 62464 : index
    %get3A_734 = vector.load %arg1[%get3A_732, %get3A_733] : memref<8x100352xf32, #tpu.memory_space<vmem>>, vector<8x1024xf32>
    %reduce_max3A_735 = arith.constant dense<0xFF800000> : vector<8xf32>
    %reduce_max3A_736 = vector.multi_reduction <maximumf>, %get3A_734, %reduce_max3A_735 [1] : vector<8x1024xf32> to vector<8xf32>
    %broadcast_in_dim3A_737 = vector.shape_cast %reduce_max3A_736 : vector<8xf32> to vector<8x1xf32>
    %eq3A_738 = arith.constant 61 : i32
    %eq3A_739 = vector.broadcast %eq3A_738 : i32 to vector<8x128xi32>
    %eq3A_740 = arith.cmpi eq, %iota3A, %eq3A_739 : vector<8x128xi32>
    %broadcast_in_dim3A_741 = vector.shape_cast %broadcast_in_dim3A_737 : vector<8x1xf32> to vector<8x1xf32>
    %broadcast_in_dim3A_742 = vector.broadcast %broadcast_in_dim3A_741 : vector<8x1xf32> to vector<8x128xf32>
    %select_n3A_743 = arith.select %eq3A_740, %broadcast_in_dim3A_742, %select_n3A_731 : vector<8x128xi1>, vector<8x128xf32>
    %get3A_744 = arith.constant 0 : index
    %get3A_745 = arith.constant 63488 : index
    %get3A_746 = vector.load %arg1[%get3A_744, %get3A_745] : memref<8x100352xf32, #tpu.memory_space<vmem>>, vector<8x1024xf32>
    %reduce_max3A_747 = arith.constant dense<0xFF800000> : vector<8xf32>
    %reduce_max3A_748 = vector.multi_reduction <maximumf>, %get3A_746, %reduce_max3A_747 [1] : vector<8x1024xf32> to vector<8xf32>
    %broadcast_in_dim3A_749 = vector.shape_cast %reduce_max3A_748 : vector<8xf32> to vector<8x1xf32>
    %eq3A_750 = arith.constant 62 : i32
    %eq3A_751 = vector.broadcast %eq3A_750 : i32 to vector<8x128xi32>
    %eq3A_752 = arith.cmpi eq, %iota3A, %eq3A_751 : vector<8x128xi32>
    %broadcast_in_dim3A_753 = vector.shape_cast %broadcast_in_dim3A_749 : vector<8x1xf32> to vector<8x1xf32>
    %broadcast_in_dim3A_754 = vector.broadcast %broadcast_in_dim3A_753 : vector<8x1xf32> to vector<8x128xf32>
    %select_n3A_755 = arith.select %eq3A_752, %broadcast_in_dim3A_754, %select_n3A_743 : vector<8x128xi1>, vector<8x128xf32>
    %get3A_756 = arith.constant 0 : index
    %get3A_757 = arith.constant 64512 : index
    %get3A_758 = vector.load %arg1[%get3A_756, %get3A_757] : memref<8x100352xf32, #tpu.memory_space<vmem>>, vector<8x1024xf32>
    %reduce_max3A_759 = arith.constant dense<0xFF800000> : vector<8xf32>
    %reduce_max3A_760 = vector.multi_reduction <maximumf>, %get3A_758, %reduce_max3A_759 [1] : vector<8x1024xf32> to vector<8xf32>
    %broadcast_in_dim3A_761 = vector.shape_cast %reduce_max3A_760 : vector<8xf32> to vector<8x1xf32>
    %eq3A_762 = arith.constant 63 : i32
    %eq3A_763 = vector.broadcast %eq3A_762 : i32 to vector<8x128xi32>
    %eq3A_764 = arith.cmpi eq, %iota3A, %eq3A_763 : vector<8x128xi32>
    %broadcast_in_dim3A_765 = vector.shape_cast %broadcast_in_dim3A_761 : vector<8x1xf32> to vector<8x1xf32>
    %broadcast_in_dim3A_766 = vector.broadcast %broadcast_in_dim3A_765 : vector<8x1xf32> to vector<8x128xf32>
    %select_n3A_767 = arith.select %eq3A_764, %broadcast_in_dim3A_766, %select_n3A_755 : vector<8x128xi1>, vector<8x128xf32>
    %get3A_768 = arith.constant 0 : index
    %get3A_769 = arith.constant 65536 : index
    %get3A_770 = vector.load %arg1[%get3A_768, %get3A_769] : memref<8x100352xf32, #tpu.memory_space<vmem>>, vector<8x1024xf32>
    %reduce_max3A_771 = arith.constant dense<0xFF800000> : vector<8xf32>
    %reduce_max3A_772 = vector.multi_reduction <maximumf>, %get3A_770, %reduce_max3A_771 [1] : vector<8x1024xf32> to vector<8xf32>
    %broadcast_in_dim3A_773 = vector.shape_cast %reduce_max3A_772 : vector<8xf32> to vector<8x1xf32>
    %eq3A_774 = arith.constant 64 : i32
    %eq3A_775 = vector.broadcast %eq3A_774 : i32 to vector<8x128xi32>
    %eq3A_776 = arith.cmpi eq, %iota3A, %eq3A_775 : vector<8x128xi32>
    %broadcast_in_dim3A_777 = vector.shape_cast %broadcast_in_dim3A_773 : vector<8x1xf32> to vector<8x1xf32>
    %broadcast_in_dim3A_778 = vector.broadcast %broadcast_in_dim3A_777 : vector<8x1xf32> to vector<8x128xf32>
    %select_n3A_779 = arith.select %eq3A_776, %broadcast_in_dim3A_778, %select_n3A_767 : vector<8x128xi1>, vector<8x128xf32>
    %get3A_780 = arith.constant 0 : index
    %get3A_781 = arith.constant 66560 : index
    %get3A_782 = vector.load %arg1[%get3A_780, %get3A_781] : memref<8x100352xf32, #tpu.memory_space<vmem>>, vector<8x1024xf32>
    %reduce_max3A_783 = arith.constant dense<0xFF800000> : vector<8xf32>
    %reduce_max3A_784 = vector.multi_reduction <maximumf>, %get3A_782, %reduce_max3A_783 [1] : vector<8x1024xf32> to vector<8xf32>
    %broadcast_in_dim3A_785 = vector.shape_cast %reduce_max3A_784 : vector<8xf32> to vector<8x1xf32>
    %eq3A_786 = arith.constant 65 : i32
    %eq3A_787 = vector.broadcast %eq3A_786 : i32 to vector<8x128xi32>
    %eq3A_788 = arith.cmpi eq, %iota3A, %eq3A_787 : vector<8x128xi32>
    %broadcast_in_dim3A_789 = vector.shape_cast %broadcast_in_dim3A_785 : vector<8x1xf32> to vector<8x1xf32>
    %broadcast_in_dim3A_790 = vector.broadcast %broadcast_in_dim3A_789 : vector<8x1xf32> to vector<8x128xf32>
    %select_n3A_791 = arith.select %eq3A_788, %broadcast_in_dim3A_790, %select_n3A_779 : vector<8x128xi1>, vector<8x128xf32>
    %get3A_792 = arith.constant 0 : index
    %get3A_793 = arith.constant 67584 : index
    %get3A_794 = vector.load %arg1[%get3A_792, %get3A_793] : memref<8x100352xf32, #tpu.memory_space<vmem>>, vector<8x1024xf32>
    %reduce_max3A_795 = arith.constant dense<0xFF800000> : vector<8xf32>
    %reduce_max3A_796 = vector.multi_reduction <maximumf>, %get3A_794, %reduce_max3A_795 [1] : vector<8x1024xf32> to vector<8xf32>
    %broadcast_in_dim3A_797 = vector.shape_cast %reduce_max3A_796 : vector<8xf32> to vector<8x1xf32>
    %eq3A_798 = arith.constant 66 : i32
    %eq3A_799 = vector.broadcast %eq3A_798 : i32 to vector<8x128xi32>
    %eq3A_800 = arith.cmpi eq, %iota3A, %eq3A_799 : vector<8x128xi32>
    %broadcast_in_dim3A_801 = vector.shape_cast %broadcast_in_dim3A_797 : vector<8x1xf32> to vector<8x1xf32>
    %broadcast_in_dim3A_802 = vector.broadcast %broadcast_in_dim3A_801 : vector<8x1xf32> to vector<8x128xf32>
    %select_n3A_803 = arith.select %eq3A_800, %broadcast_in_dim3A_802, %select_n3A_791 : vector<8x128xi1>, vector<8x128xf32>
    %get3A_804 = arith.constant 0 : index
    %get3A_805 = arith.constant 68608 : index
    %get3A_806 = vector.load %arg1[%get3A_804, %get3A_805] : memref<8x100352xf32, #tpu.memory_space<vmem>>, vector<8x1024xf32>
    %reduce_max3A_807 = arith.constant dense<0xFF800000> : vector<8xf32>
    %reduce_max3A_808 = vector.multi_reduction <maximumf>, %get3A_806, %reduce_max3A_807 [1] : vector<8x1024xf32> to vector<8xf32>
    %broadcast_in_dim3A_809 = vector.shape_cast %reduce_max3A_808 : vector<8xf32> to vector<8x1xf32>
    %eq3A_810 = arith.constant 67 : i32
    %eq3A_811 = vector.broadcast %eq3A_810 : i32 to vector<8x128xi32>
    %eq3A_812 = arith.cmpi eq, %iota3A, %eq3A_811 : vector<8x128xi32>
    %broadcast_in_dim3A_813 = vector.shape_cast %broadcast_in_dim3A_809 : vector<8x1xf32> to vector<8x1xf32>
    %broadcast_in_dim3A_814 = vector.broadcast %broadcast_in_dim3A_813 : vector<8x1xf32> to vector<8x128xf32>
    %select_n3A_815 = arith.select %eq3A_812, %broadcast_in_dim3A_814, %select_n3A_803 : vector<8x128xi1>, vector<8x128xf32>
    %get3A_816 = arith.constant 0 : index
    %get3A_817 = arith.constant 69632 : index
    %get3A_818 = vector.load %arg1[%get3A_816, %get3A_817] : memref<8x100352xf32, #tpu.memory_space<vmem>>, vector<8x1024xf32>
    %reduce_max3A_819 = arith.constant dense<0xFF800000> : vector<8xf32>
    %reduce_max3A_820 = vector.multi_reduction <maximumf>, %get3A_818, %reduce_max3A_819 [1] : vector<8x1024xf32> to vector<8xf32>
    %broadcast_in_dim3A_821 = vector.shape_cast %reduce_max3A_820 : vector<8xf32> to vector<8x1xf32>
    %eq3A_822 = arith.constant 68 : i32
    %eq3A_823 = vector.broadcast %eq3A_822 : i32 to vector<8x128xi32>
    %eq3A_824 = arith.cmpi eq, %iota3A, %eq3A_823 : vector<8x128xi32>
    %broadcast_in_dim3A_825 = vector.shape_cast %broadcast_in_dim3A_821 : vector<8x1xf32> to vector<8x1xf32>
    %broadcast_in_dim3A_826 = vector.broadcast %broadcast_in_dim3A_825 : vector<8x1xf32> to vector<8x128xf32>
    %select_n3A_827 = arith.select %eq3A_824, %broadcast_in_dim3A_826, %select_n3A_815 : vector<8x128xi1>, vector<8x128xf32>
    %get3A_828 = arith.constant 0 : index
    %get3A_829 = arith.constant 70656 : index
    %get3A_830 = vector.load %arg1[%get3A_828, %get3A_829] : memref<8x100352xf32, #tpu.memory_space<vmem>>, vector<8x1024xf32>
    %reduce_max3A_831 = arith.constant dense<0xFF800000> : vector<8xf32>
    %reduce_max3A_832 = vector.multi_reduction <maximumf>, %get3A_830, %reduce_max3A_831 [1] : vector<8x1024xf32> to vector<8xf32>
    %broadcast_in_dim3A_833 = vector.shape_cast %reduce_max3A_832 : vector<8xf32> to vector<8x1xf32>
    %eq3A_834 = arith.constant 69 : i32
    %eq3A_835 = vector.broadcast %eq3A_834 : i32 to vector<8x128xi32>
    %eq3A_836 = arith.cmpi eq, %iota3A, %eq3A_835 : vector<8x128xi32>
    %broadcast_in_dim3A_837 = vector.shape_cast %broadcast_in_dim3A_833 : vector<8x1xf32> to vector<8x1xf32>
    %broadcast_in_dim3A_838 = vector.broadcast %broadcast_in_dim3A_837 : vector<8x1xf32> to vector<8x128xf32>
    %select_n3A_839 = arith.select %eq3A_836, %broadcast_in_dim3A_838, %select_n3A_827 : vector<8x128xi1>, vector<8x128xf32>
    %get3A_840 = arith.constant 0 : index
    %get3A_841 = arith.constant 71680 : index
    %get3A_842 = vector.load %arg1[%get3A_840, %get3A_841] : memref<8x100352xf32, #tpu.memory_space<vmem>>, vector<8x1024xf32>
    %reduce_max3A_843 = arith.constant dense<0xFF800000> : vector<8xf32>
    %reduce_max3A_844 = vector.multi_reduction <maximumf>, %get3A_842, %reduce_max3A_843 [1] : vector<8x1024xf32> to vector<8xf32>
    %broadcast_in_dim3A_845 = vector.shape_cast %reduce_max3A_844 : vector<8xf32> to vector<8x1xf32>
    %eq3A_846 = arith.constant 70 : i32
    %eq3A_847 = vector.broadcast %eq3A_846 : i32 to vector<8x128xi32>
    %eq3A_848 = arith.cmpi eq, %iota3A, %eq3A_847 : vector<8x128xi32>
    %broadcast_in_dim3A_849 = vector.shape_cast %broadcast_in_dim3A_845 : vector<8x1xf32> to vector<8x1xf32>
    %broadcast_in_dim3A_850 = vector.broadcast %broadcast_in_dim3A_849 : vector<8x1xf32> to vector<8x128xf32>
    %select_n3A_851 = arith.select %eq3A_848, %broadcast_in_dim3A_850, %select_n3A_839 : vector<8x128xi1>, vector<8x128xf32>
    %get3A_852 = arith.constant 0 : index
    %get3A_853 = arith.constant 72704 : index
    %get3A_854 = vector.load %arg1[%get3A_852, %get3A_853] : memref<8x100352xf32, #tpu.memory_space<vmem>>, vector<8x1024xf32>
    %reduce_max3A_855 = arith.constant dense<0xFF800000> : vector<8xf32>
    %reduce_max3A_856 = vector.multi_reduction <maximumf>, %get3A_854, %reduce_max3A_855 [1] : vector<8x1024xf32> to vector<8xf32>
    %broadcast_in_dim3A_857 = vector.shape_cast %reduce_max3A_856 : vector<8xf32> to vector<8x1xf32>
    %eq3A_858 = arith.constant 71 : i32
    %eq3A_859 = vector.broadcast %eq3A_858 : i32 to vector<8x128xi32>
    %eq3A_860 = arith.cmpi eq, %iota3A, %eq3A_859 : vector<8x128xi32>
    %broadcast_in_dim3A_861 = vector.shape_cast %broadcast_in_dim3A_857 : vector<8x1xf32> to vector<8x1xf32>
    %broadcast_in_dim3A_862 = vector.broadcast %broadcast_in_dim3A_861 : vector<8x1xf32> to vector<8x128xf32>
    %select_n3A_863 = arith.select %eq3A_860, %broadcast_in_dim3A_862, %select_n3A_851 : vector<8x128xi1>, vector<8x128xf32>
    %get3A_864 = arith.constant 0 : index
    %get3A_865 = arith.constant 73728 : index
    %get3A_866 = vector.load %arg1[%get3A_864, %get3A_865] : memref<8x100352xf32, #tpu.memory_space<vmem>>, vector<8x1024xf32>
    %reduce_max3A_867 = arith.constant dense<0xFF800000> : vector<8xf32>
    %reduce_max3A_868 = vector.multi_reduction <maximumf>, %get3A_866, %reduce_max3A_867 [1] : vector<8x1024xf32> to vector<8xf32>
    %broadcast_in_dim3A_869 = vector.shape_cast %reduce_max3A_868 : vector<8xf32> to vector<8x1xf32>
    %eq3A_870 = arith.constant 72 : i32
    %eq3A_871 = vector.broadcast %eq3A_870 : i32 to vector<8x128xi32>
    %eq3A_872 = arith.cmpi eq, %iota3A, %eq3A_871 : vector<8x128xi32>
    %broadcast_in_dim3A_873 = vector.shape_cast %broadcast_in_dim3A_869 : vector<8x1xf32> to vector<8x1xf32>
    %broadcast_in_dim3A_874 = vector.broadcast %broadcast_in_dim3A_873 : vector<8x1xf32> to vector<8x128xf32>
    %select_n3A_875 = arith.select %eq3A_872, %broadcast_in_dim3A_874, %select_n3A_863 : vector<8x128xi1>, vector<8x128xf32>
    %get3A_876 = arith.constant 0 : index
    %get3A_877 = arith.constant 74752 : index
    %get3A_878 = vector.load %arg1[%get3A_876, %get3A_877] : memref<8x100352xf32, #tpu.memory_space<vmem>>, vector<8x1024xf32>
    %reduce_max3A_879 = arith.constant dense<0xFF800000> : vector<8xf32>
    %reduce_max3A_880 = vector.multi_reduction <maximumf>, %get3A_878, %reduce_max3A_879 [1] : vector<8x1024xf32> to vector<8xf32>
    %broadcast_in_dim3A_881 = vector.shape_cast %reduce_max3A_880 : vector<8xf32> to vector<8x1xf32>
    %eq3A_882 = arith.constant 73 : i32
    %eq3A_883 = vector.broadcast %eq3A_882 : i32 to vector<8x128xi32>
    %eq3A_884 = arith.cmpi eq, %iota3A, %eq3A_883 : vector<8x128xi32>
    %broadcast_in_dim3A_885 = vector.shape_cast %broadcast_in_dim3A_881 : vector<8x1xf32> to vector<8x1xf32>
    %broadcast_in_dim3A_886 = vector.broadcast %broadcast_in_dim3A_885 : vector<8x1xf32> to vector<8x128xf32>
    %select_n3A_887 = arith.select %eq3A_884, %broadcast_in_dim3A_886, %select_n3A_875 : vector<8x128xi1>, vector<8x128xf32>
    %get3A_888 = arith.constant 0 : index
    %get3A_889 = arith.constant 75776 : index
    %get3A_890 = vector.load %arg1[%get3A_888, %get3A_889] : memref<8x100352xf32, #tpu.memory_space<vmem>>, vector<8x1024xf32>
    %reduce_max3A_891 = arith.constant dense<0xFF800000> : vector<8xf32>
    %reduce_max3A_892 = vector.multi_reduction <maximumf>, %get3A_890, %reduce_max3A_891 [1] : vector<8x1024xf32> to vector<8xf32>
    %broadcast_in_dim3A_893 = vector.shape_cast %reduce_max3A_892 : vector<8xf32> to vector<8x1xf32>
    %eq3A_894 = arith.constant 74 : i32
    %eq3A_895 = vector.broadcast %eq3A_894 : i32 to vector<8x128xi32>
    %eq3A_896 = arith.cmpi eq, %iota3A, %eq3A_895 : vector<8x128xi32>
    %broadcast_in_dim3A_897 = vector.shape_cast %broadcast_in_dim3A_893 : vector<8x1xf32> to vector<8x1xf32>
    %broadcast_in_dim3A_898 = vector.broadcast %broadcast_in_dim3A_897 : vector<8x1xf32> to vector<8x128xf32>
    %select_n3A_899 = arith.select %eq3A_896, %broadcast_in_dim3A_898, %select_n3A_887 : vector<8x128xi1>, vector<8x128xf32>
    %get3A_900 = arith.constant 0 : index
    %get3A_901 = arith.constant 76800 : index
    %get3A_902 = vector.load %arg1[%get3A_900, %get3A_901] : memref<8x100352xf32, #tpu.memory_space<vmem>>, vector<8x1024xf32>
    %reduce_max3A_903 = arith.constant dense<0xFF800000> : vector<8xf32>
    %reduce_max3A_904 = vector.multi_reduction <maximumf>, %get3A_902, %reduce_max3A_903 [1] : vector<8x1024xf32> to vector<8xf32>
    %broadcast_in_dim3A_905 = vector.shape_cast %reduce_max3A_904 : vector<8xf32> to vector<8x1xf32>
    %eq3A_906 = arith.constant 75 : i32
    %eq3A_907 = vector.broadcast %eq3A_906 : i32 to vector<8x128xi32>
    %eq3A_908 = arith.cmpi eq, %iota3A, %eq3A_907 : vector<8x128xi32>
    %broadcast_in_dim3A_909 = vector.shape_cast %broadcast_in_dim3A_905 : vector<8x1xf32> to vector<8x1xf32>
    %broadcast_in_dim3A_910 = vector.broadcast %broadcast_in_dim3A_909 : vector<8x1xf32> to vector<8x128xf32>
    %select_n3A_911 = arith.select %eq3A_908, %broadcast_in_dim3A_910, %select_n3A_899 : vector<8x128xi1>, vector<8x128xf32>
    %get3A_912 = arith.constant 0 : index
    %get3A_913 = arith.constant 77824 : index
    %get3A_914 = vector.load %arg1[%get3A_912, %get3A_913] : memref<8x100352xf32, #tpu.memory_space<vmem>>, vector<8x1024xf32>
    %reduce_max3A_915 = arith.constant dense<0xFF800000> : vector<8xf32>
    %reduce_max3A_916 = vector.multi_reduction <maximumf>, %get3A_914, %reduce_max3A_915 [1] : vector<8x1024xf32> to vector<8xf32>
    %broadcast_in_dim3A_917 = vector.shape_cast %reduce_max3A_916 : vector<8xf32> to vector<8x1xf32>
    %eq3A_918 = arith.constant 76 : i32
    %eq3A_919 = vector.broadcast %eq3A_918 : i32 to vector<8x128xi32>
    %eq3A_920 = arith.cmpi eq, %iota3A, %eq3A_919 : vector<8x128xi32>
    %broadcast_in_dim3A_921 = vector.shape_cast %broadcast_in_dim3A_917 : vector<8x1xf32> to vector<8x1xf32>
    %broadcast_in_dim3A_922 = vector.broadcast %broadcast_in_dim3A_921 : vector<8x1xf32> to vector<8x128xf32>
    %select_n3A_923 = arith.select %eq3A_920, %broadcast_in_dim3A_922, %select_n3A_911 : vector<8x128xi1>, vector<8x128xf32>
    %get3A_924 = arith.constant 0 : index
    %get3A_925 = arith.constant 78848 : index
    %get3A_926 = vector.load %arg1[%get3A_924, %get3A_925] : memref<8x100352xf32, #tpu.memory_space<vmem>>, vector<8x1024xf32>
    %reduce_max3A_927 = arith.constant dense<0xFF800000> : vector<8xf32>
    %reduce_max3A_928 = vector.multi_reduction <maximumf>, %get3A_926, %reduce_max3A_927 [1] : vector<8x1024xf32> to vector<8xf32>
    %broadcast_in_dim3A_929 = vector.shape_cast %reduce_max3A_928 : vector<8xf32> to vector<8x1xf32>
    %eq3A_930 = arith.constant 77 : i32
    %eq3A_931 = vector.broadcast %eq3A_930 : i32 to vector<8x128xi32>
    %eq3A_932 = arith.cmpi eq, %iota3A, %eq3A_931 : vector<8x128xi32>
    %broadcast_in_dim3A_933 = vector.shape_cast %broadcast_in_dim3A_929 : vector<8x1xf32> to vector<8x1xf32>
    %broadcast_in_dim3A_934 = vector.broadcast %broadcast_in_dim3A_933 : vector<8x1xf32> to vector<8x128xf32>
    %select_n3A_935 = arith.select %eq3A_932, %broadcast_in_dim3A_934, %select_n3A_923 : vector<8x128xi1>, vector<8x128xf32>
    %get3A_936 = arith.constant 0 : index
    %get3A_937 = arith.constant 79872 : index
    %get3A_938 = vector.load %arg1[%get3A_936, %get3A_937] : memref<8x100352xf32, #tpu.memory_space<vmem>>, vector<8x1024xf32>
    %reduce_max3A_939 = arith.constant dense<0xFF800000> : vector<8xf32>
    %reduce_max3A_940 = vector.multi_reduction <maximumf>, %get3A_938, %reduce_max3A_939 [1] : vector<8x1024xf32> to vector<8xf32>
    %broadcast_in_dim3A_941 = vector.shape_cast %reduce_max3A_940 : vector<8xf32> to vector<8x1xf32>
    %eq3A_942 = arith.constant 78 : i32
    %eq3A_943 = vector.broadcast %eq3A_942 : i32 to vector<8x128xi32>
    %eq3A_944 = arith.cmpi eq, %iota3A, %eq3A_943 : vector<8x128xi32>
    %broadcast_in_dim3A_945 = vector.shape_cast %broadcast_in_dim3A_941 : vector<8x1xf32> to vector<8x1xf32>
    %broadcast_in_dim3A_946 = vector.broadcast %broadcast_in_dim3A_945 : vector<8x1xf32> to vector<8x128xf32>
    %select_n3A_947 = arith.select %eq3A_944, %broadcast_in_dim3A_946, %select_n3A_935 : vector<8x128xi1>, vector<8x128xf32>
    %get3A_948 = arith.constant 0 : index
    %get3A_949 = arith.constant 80896 : index
    %get3A_950 = vector.load %arg1[%get3A_948, %get3A_949] : memref<8x100352xf32, #tpu.memory_space<vmem>>, vector<8x1024xf32>
    %reduce_max3A_951 = arith.constant dense<0xFF800000> : vector<8xf32>
    %reduce_max3A_952 = vector.multi_reduction <maximumf>, %get3A_950, %reduce_max3A_951 [1] : vector<8x1024xf32> to vector<8xf32>
    %broadcast_in_dim3A_953 = vector.shape_cast %reduce_max3A_952 : vector<8xf32> to vector<8x1xf32>
    %eq3A_954 = arith.constant 79 : i32
    %eq3A_955 = vector.broadcast %eq3A_954 : i32 to vector<8x128xi32>
    %eq3A_956 = arith.cmpi eq, %iota3A, %eq3A_955 : vector<8x128xi32>
    %broadcast_in_dim3A_957 = vector.shape_cast %broadcast_in_dim3A_953 : vector<8x1xf32> to vector<8x1xf32>
    %broadcast_in_dim3A_958 = vector.broadcast %broadcast_in_dim3A_957 : vector<8x1xf32> to vector<8x128xf32>
    %select_n3A_959 = arith.select %eq3A_956, %broadcast_in_dim3A_958, %select_n3A_947 : vector<8x128xi1>, vector<8x128xf32>
    %get3A_960 = arith.constant 0 : index
    %get3A_961 = arith.constant 81920 : index
    %get3A_962 = vector.load %arg1[%get3A_960, %get3A_961] : memref<8x100352xf32, #tpu.memory_space<vmem>>, vector<8x1024xf32>
    %reduce_max3A_963 = arith.constant dense<0xFF800000> : vector<8xf32>
    %reduce_max3A_964 = vector.multi_reduction <maximumf>, %get3A_962, %reduce_max3A_963 [1] : vector<8x1024xf32> to vector<8xf32>
    %broadcast_in_dim3A_965 = vector.shape_cast %reduce_max3A_964 : vector<8xf32> to vector<8x1xf32>
    %eq3A_966 = arith.constant 80 : i32
    %eq3A_967 = vector.broadcast %eq3A_966 : i32 to vector<8x128xi32>
    %eq3A_968 = arith.cmpi eq, %iota3A, %eq3A_967 : vector<8x128xi32>
    %broadcast_in_dim3A_969 = vector.shape_cast %broadcast_in_dim3A_965 : vector<8x1xf32> to vector<8x1xf32>
    %broadcast_in_dim3A_970 = vector.broadcast %broadcast_in_dim3A_969 : vector<8x1xf32> to vector<8x128xf32>
    %select_n3A_971 = arith.select %eq3A_968, %broadcast_in_dim3A_970, %select_n3A_959 : vector<8x128xi1>, vector<8x128xf32>
    %get3A_972 = arith.constant 0 : index
    %get3A_973 = arith.constant 82944 : index
    %get3A_974 = vector.load %arg1[%get3A_972, %get3A_973] : memref<8x100352xf32, #tpu.memory_space<vmem>>, vector<8x1024xf32>
    %reduce_max3A_975 = arith.constant dense<0xFF800000> : vector<8xf32>
    %reduce_max3A_976 = vector.multi_reduction <maximumf>, %get3A_974, %reduce_max3A_975 [1] : vector<8x1024xf32> to vector<8xf32>
    %broadcast_in_dim3A_977 = vector.shape_cast %reduce_max3A_976 : vector<8xf32> to vector<8x1xf32>
    %eq3A_978 = arith.constant 81 : i32
    %eq3A_979 = vector.broadcast %eq3A_978 : i32 to vector<8x128xi32>
    %eq3A_980 = arith.cmpi eq, %iota3A, %eq3A_979 : vector<8x128xi32>
    %broadcast_in_dim3A_981 = vector.shape_cast %broadcast_in_dim3A_977 : vector<8x1xf32> to vector<8x1xf32>
    %broadcast_in_dim3A_982 = vector.broadcast %broadcast_in_dim3A_981 : vector<8x1xf32> to vector<8x128xf32>
    %select_n3A_983 = arith.select %eq3A_980, %broadcast_in_dim3A_982, %select_n3A_971 : vector<8x128xi1>, vector<8x128xf32>
    %get3A_984 = arith.constant 0 : index
    %get3A_985 = arith.constant 83968 : index
    %get3A_986 = vector.load %arg1[%get3A_984, %get3A_985] : memref<8x100352xf32, #tpu.memory_space<vmem>>, vector<8x1024xf32>
    %reduce_max3A_987 = arith.constant dense<0xFF800000> : vector<8xf32>
    %reduce_max3A_988 = vector.multi_reduction <maximumf>, %get3A_986, %reduce_max3A_987 [1] : vector<8x1024xf32> to vector<8xf32>
    %broadcast_in_dim3A_989 = vector.shape_cast %reduce_max3A_988 : vector<8xf32> to vector<8x1xf32>
    %eq3A_990 = arith.constant 82 : i32
    %eq3A_991 = vector.broadcast %eq3A_990 : i32 to vector<8x128xi32>
    %eq3A_992 = arith.cmpi eq, %iota3A, %eq3A_991 : vector<8x128xi32>
    %broadcast_in_dim3A_993 = vector.shape_cast %broadcast_in_dim3A_989 : vector<8x1xf32> to vector<8x1xf32>
    %broadcast_in_dim3A_994 = vector.broadcast %broadcast_in_dim3A_993 : vector<8x1xf32> to vector<8x128xf32>
    %select_n3A_995 = arith.select %eq3A_992, %broadcast_in_dim3A_994, %select_n3A_983 : vector<8x128xi1>, vector<8x128xf32>
    %get3A_996 = arith.constant 0 : index
    %get3A_997 = arith.constant 84992 : index
    %get3A_998 = vector.load %arg1[%get3A_996, %get3A_997] : memref<8x100352xf32, #tpu.memory_space<vmem>>, vector<8x1024xf32>
    %reduce_max3A_999 = arith.constant dense<0xFF800000> : vector<8xf32>
    %reduce_max3A_1000 = vector.multi_reduction <maximumf>, %get3A_998, %reduce_max3A_999 [1] : vector<8x1024xf32> to vector<8xf32>
    %broadcast_in_dim3A_1001 = vector.shape_cast %reduce_max3A_1000 : vector<8xf32> to vector<8x1xf32>
    %eq3A_1002 = arith.constant 83 : i32
    %eq3A_1003 = vector.broadcast %eq3A_1002 : i32 to vector<8x128xi32>
    %eq3A_1004 = arith.cmpi eq, %iota3A, %eq3A_1003 : vector<8x128xi32>
    %broadcast_in_dim3A_1005 = vector.shape_cast %broadcast_in_dim3A_1001 : vector<8x1xf32> to vector<8x1xf32>
    %broadcast_in_dim3A_1006 = vector.broadcast %broadcast_in_dim3A_1005 : vector<8x1xf32> to vector<8x128xf32>
    %select_n3A_1007 = arith.select %eq3A_1004, %broadcast_in_dim3A_1006, %select_n3A_995 : vector<8x128xi1>, vector<8x128xf32>
    %get3A_1008 = arith.constant 0 : index
    %get3A_1009 = arith.constant 86016 : index
    %get3A_1010 = vector.load %arg1[%get3A_1008, %get3A_1009] : memref<8x100352xf32, #tpu.memory_space<vmem>>, vector<8x1024xf32>
    %reduce_max3A_1011 = arith.constant dense<0xFF800000> : vector<8xf32>
    %reduce_max3A_1012 = vector.multi_reduction <maximumf>, %get3A_1010, %reduce_max3A_1011 [1] : vector<8x1024xf32> to vector<8xf32>
    %broadcast_in_dim3A_1013 = vector.shape_cast %reduce_max3A_1012 : vector<8xf32> to vector<8x1xf32>
    %eq3A_1014 = arith.constant 84 : i32
    %eq3A_1015 = vector.broadcast %eq3A_1014 : i32 to vector<8x128xi32>
    %eq3A_1016 = arith.cmpi eq, %iota3A, %eq3A_1015 : vector<8x128xi32>
    %broadcast_in_dim3A_1017 = vector.shape_cast %broadcast_in_dim3A_1013 : vector<8x1xf32> to vector<8x1xf32>
    %broadcast_in_dim3A_1018 = vector.broadcast %broadcast_in_dim3A_1017 : vector<8x1xf32> to vector<8x128xf32>
    %select_n3A_1019 = arith.select %eq3A_1016, %broadcast_in_dim3A_1018, %select_n3A_1007 : vector<8x128xi1>, vector<8x128xf32>
    %get3A_1020 = arith.constant 0 : index
    %get3A_1021 = arith.constant 87040 : index
    %get3A_1022 = vector.load %arg1[%get3A_1020, %get3A_1021] : memref<8x100352xf32, #tpu.memory_space<vmem>>, vector<8x1024xf32>
    %reduce_max3A_1023 = arith.constant dense<0xFF800000> : vector<8xf32>
    %reduce_max3A_1024 = vector.multi_reduction <maximumf>, %get3A_1022, %reduce_max3A_1023 [1] : vector<8x1024xf32> to vector<8xf32>
    %broadcast_in_dim3A_1025 = vector.shape_cast %reduce_max3A_1024 : vector<8xf32> to vector<8x1xf32>
    %eq3A_1026 = arith.constant 85 : i32
    %eq3A_1027 = vector.broadcast %eq3A_1026 : i32 to vector<8x128xi32>
    %eq3A_1028 = arith.cmpi eq, %iota3A, %eq3A_1027 : vector<8x128xi32>
    %broadcast_in_dim3A_1029 = vector.shape_cast %broadcast_in_dim3A_1025 : vector<8x1xf32> to vector<8x1xf32>
    %broadcast_in_dim3A_1030 = vector.broadcast %broadcast_in_dim3A_1029 : vector<8x1xf32> to vector<8x128xf32>
    %select_n3A_1031 = arith.select %eq3A_1028, %broadcast_in_dim3A_1030, %select_n3A_1019 : vector<8x128xi1>, vector<8x128xf32>
    %get3A_1032 = arith.constant 0 : index
    %get3A_1033 = arith.constant 88064 : index
    %get3A_1034 = vector.load %arg1[%get3A_1032, %get3A_1033] : memref<8x100352xf32, #tpu.memory_space<vmem>>, vector<8x1024xf32>
    %reduce_max3A_1035 = arith.constant dense<0xFF800000> : vector<8xf32>
    %reduce_max3A_1036 = vector.multi_reduction <maximumf>, %get3A_1034, %reduce_max3A_1035 [1] : vector<8x1024xf32> to vector<8xf32>
    %broadcast_in_dim3A_1037 = vector.shape_cast %reduce_max3A_1036 : vector<8xf32> to vector<8x1xf32>
    %eq3A_1038 = arith.constant 86 : i32
    %eq3A_1039 = vector.broadcast %eq3A_1038 : i32 to vector<8x128xi32>
    %eq3A_1040 = arith.cmpi eq, %iota3A, %eq3A_1039 : vector<8x128xi32>
    %broadcast_in_dim3A_1041 = vector.shape_cast %broadcast_in_dim3A_1037 : vector<8x1xf32> to vector<8x1xf32>
    %broadcast_in_dim3A_1042 = vector.broadcast %broadcast_in_dim3A_1041 : vector<8x1xf32> to vector<8x128xf32>
    %select_n3A_1043 = arith.select %eq3A_1040, %broadcast_in_dim3A_1042, %select_n3A_1031 : vector<8x128xi1>, vector<8x128xf32>
    %get3A_1044 = arith.constant 0 : index
    %get3A_1045 = arith.constant 89088 : index
    %get3A_1046 = vector.load %arg1[%get3A_1044, %get3A_1045] : memref<8x100352xf32, #tpu.memory_space<vmem>>, vector<8x1024xf32>
    %reduce_max3A_1047 = arith.constant dense<0xFF800000> : vector<8xf32>
    %reduce_max3A_1048 = vector.multi_reduction <maximumf>, %get3A_1046, %reduce_max3A_1047 [1] : vector<8x1024xf32> to vector<8xf32>
    %broadcast_in_dim3A_1049 = vector.shape_cast %reduce_max3A_1048 : vector<8xf32> to vector<8x1xf32>
    %eq3A_1050 = arith.constant 87 : i32
    %eq3A_1051 = vector.broadcast %eq3A_1050 : i32 to vector<8x128xi32>
    %eq3A_1052 = arith.cmpi eq, %iota3A, %eq3A_1051 : vector<8x128xi32>
    %broadcast_in_dim3A_1053 = vector.shape_cast %broadcast_in_dim3A_1049 : vector<8x1xf32> to vector<8x1xf32>
    %broadcast_in_dim3A_1054 = vector.broadcast %broadcast_in_dim3A_1053 : vector<8x1xf32> to vector<8x128xf32>
    %select_n3A_1055 = arith.select %eq3A_1052, %broadcast_in_dim3A_1054, %select_n3A_1043 : vector<8x128xi1>, vector<8x128xf32>
    %get3A_1056 = arith.constant 0 : index
    %get3A_1057 = arith.constant 90112 : index
    %get3A_1058 = vector.load %arg1[%get3A_1056, %get3A_1057] : memref<8x100352xf32, #tpu.memory_space<vmem>>, vector<8x1024xf32>
    %reduce_max3A_1059 = arith.constant dense<0xFF800000> : vector<8xf32>
    %reduce_max3A_1060 = vector.multi_reduction <maximumf>, %get3A_1058, %reduce_max3A_1059 [1] : vector<8x1024xf32> to vector<8xf32>
    %broadcast_in_dim3A_1061 = vector.shape_cast %reduce_max3A_1060 : vector<8xf32> to vector<8x1xf32>
    %eq3A_1062 = arith.constant 88 : i32
    %eq3A_1063 = vector.broadcast %eq3A_1062 : i32 to vector<8x128xi32>
    %eq3A_1064 = arith.cmpi eq, %iota3A, %eq3A_1063 : vector<8x128xi32>
    %broadcast_in_dim3A_1065 = vector.shape_cast %broadcast_in_dim3A_1061 : vector<8x1xf32> to vector<8x1xf32>
    %broadcast_in_dim3A_1066 = vector.broadcast %broadcast_in_dim3A_1065 : vector<8x1xf32> to vector<8x128xf32>
    %select_n3A_1067 = arith.select %eq3A_1064, %broadcast_in_dim3A_1066, %select_n3A_1055 : vector<8x128xi1>, vector<8x128xf32>
    %get3A_1068 = arith.constant 0 : index
    %get3A_1069 = arith.constant 91136 : index
    %get3A_1070 = vector.load %arg1[%get3A_1068, %get3A_1069] : memref<8x100352xf32, #tpu.memory_space<vmem>>, vector<8x1024xf32>
    %reduce_max3A_1071 = arith.constant dense<0xFF800000> : vector<8xf32>
    %reduce_max3A_1072 = vector.multi_reduction <maximumf>, %get3A_1070, %reduce_max3A_1071 [1] : vector<8x1024xf32> to vector<8xf32>
    %broadcast_in_dim3A_1073 = vector.shape_cast %reduce_max3A_1072 : vector<8xf32> to vector<8x1xf32>
    %eq3A_1074 = arith.constant 89 : i32
    %eq3A_1075 = vector.broadcast %eq3A_1074 : i32 to vector<8x128xi32>
    %eq3A_1076 = arith.cmpi eq, %iota3A, %eq3A_1075 : vector<8x128xi32>
    %broadcast_in_dim3A_1077 = vector.shape_cast %broadcast_in_dim3A_1073 : vector<8x1xf32> to vector<8x1xf32>
    %broadcast_in_dim3A_1078 = vector.broadcast %broadcast_in_dim3A_1077 : vector<8x1xf32> to vector<8x128xf32>
    %select_n3A_1079 = arith.select %eq3A_1076, %broadcast_in_dim3A_1078, %select_n3A_1067 : vector<8x128xi1>, vector<8x128xf32>
    %get3A_1080 = arith.constant 0 : index
    %get3A_1081 = arith.constant 92160 : index
    %get3A_1082 = vector.load %arg1[%get3A_1080, %get3A_1081] : memref<8x100352xf32, #tpu.memory_space<vmem>>, vector<8x1024xf32>
    %reduce_max3A_1083 = arith.constant dense<0xFF800000> : vector<8xf32>
    %reduce_max3A_1084 = vector.multi_reduction <maximumf>, %get3A_1082, %reduce_max3A_1083 [1] : vector<8x1024xf32> to vector<8xf32>
    %broadcast_in_dim3A_1085 = vector.shape_cast %reduce_max3A_1084 : vector<8xf32> to vector<8x1xf32>
    %eq3A_1086 = arith.constant 90 : i32
    %eq3A_1087 = vector.broadcast %eq3A_1086 : i32 to vector<8x128xi32>
    %eq3A_1088 = arith.cmpi eq, %iota3A, %eq3A_1087 : vector<8x128xi32>
    %broadcast_in_dim3A_1089 = vector.shape_cast %broadcast_in_dim3A_1085 : vector<8x1xf32> to vector<8x1xf32>
    %broadcast_in_dim3A_1090 = vector.broadcast %broadcast_in_dim3A_1089 : vector<8x1xf32> to vector<8x128xf32>
    %select_n3A_1091 = arith.select %eq3A_1088, %broadcast_in_dim3A_1090, %select_n3A_1079 : vector<8x128xi1>, vector<8x128xf32>
    %get3A_1092 = arith.constant 0 : index
    %get3A_1093 = arith.constant 93184 : index
    %get3A_1094 = vector.load %arg1[%get3A_1092, %get3A_1093] : memref<8x100352xf32, #tpu.memory_space<vmem>>, vector<8x1024xf32>
    %reduce_max3A_1095 = arith.constant dense<0xFF800000> : vector<8xf32>
    %reduce_max3A_1096 = vector.multi_reduction <maximumf>, %get3A_1094, %reduce_max3A_1095 [1] : vector<8x1024xf32> to vector<8xf32>
    %broadcast_in_dim3A_1097 = vector.shape_cast %reduce_max3A_1096 : vector<8xf32> to vector<8x1xf32>
    %eq3A_1098 = arith.constant 91 : i32
    %eq3A_1099 = vector.broadcast %eq3A_1098 : i32 to vector<8x128xi32>
    %eq3A_1100 = arith.cmpi eq, %iota3A, %eq3A_1099 : vector<8x128xi32>
    %broadcast_in_dim3A_1101 = vector.shape_cast %broadcast_in_dim3A_1097 : vector<8x1xf32> to vector<8x1xf32>
    %broadcast_in_dim3A_1102 = vector.broadcast %broadcast_in_dim3A_1101 : vector<8x1xf32> to vector<8x128xf32>
    %select_n3A_1103 = arith.select %eq3A_1100, %broadcast_in_dim3A_1102, %select_n3A_1091 : vector<8x128xi1>, vector<8x128xf32>
    %get3A_1104 = arith.constant 0 : index
    %get3A_1105 = arith.constant 94208 : index
    %get3A_1106 = vector.load %arg1[%get3A_1104, %get3A_1105] : memref<8x100352xf32, #tpu.memory_space<vmem>>, vector<8x1024xf32>
    %reduce_max3A_1107 = arith.constant dense<0xFF800000> : vector<8xf32>
    %reduce_max3A_1108 = vector.multi_reduction <maximumf>, %get3A_1106, %reduce_max3A_1107 [1] : vector<8x1024xf32> to vector<8xf32>
    %broadcast_in_dim3A_1109 = vector.shape_cast %reduce_max3A_1108 : vector<8xf32> to vector<8x1xf32>
    %eq3A_1110 = arith.constant 92 : i32
    %eq3A_1111 = vector.broadcast %eq3A_1110 : i32 to vector<8x128xi32>
    %eq3A_1112 = arith.cmpi eq, %iota3A, %eq3A_1111 : vector<8x128xi32>
    %broadcast_in_dim3A_1113 = vector.shape_cast %broadcast_in_dim3A_1109 : vector<8x1xf32> to vector<8x1xf32>
    %broadcast_in_dim3A_1114 = vector.broadcast %broadcast_in_dim3A_1113 : vector<8x1xf32> to vector<8x128xf32>
    %select_n3A_1115 = arith.select %eq3A_1112, %broadcast_in_dim3A_1114, %select_n3A_1103 : vector<8x128xi1>, vector<8x128xf32>
    %get3A_1116 = arith.constant 0 : index
    %get3A_1117 = arith.constant 95232 : index
    %get3A_1118 = vector.load %arg1[%get3A_1116, %get3A_1117] : memref<8x100352xf32, #tpu.memory_space<vmem>>, vector<8x1024xf32>
    %reduce_max3A_1119 = arith.constant dense<0xFF800000> : vector<8xf32>
    %reduce_max3A_1120 = vector.multi_reduction <maximumf>, %get3A_1118, %reduce_max3A_1119 [1] : vector<8x1024xf32> to vector<8xf32>
    %broadcast_in_dim3A_1121 = vector.shape_cast %reduce_max3A_1120 : vector<8xf32> to vector<8x1xf32>
    %eq3A_1122 = arith.constant 93 : i32
    %eq3A_1123 = vector.broadcast %eq3A_1122 : i32 to vector<8x128xi32>
    %eq3A_1124 = arith.cmpi eq, %iota3A, %eq3A_1123 : vector<8x128xi32>
    %broadcast_in_dim3A_1125 = vector.shape_cast %broadcast_in_dim3A_1121 : vector<8x1xf32> to vector<8x1xf32>
    %broadcast_in_dim3A_1126 = vector.broadcast %broadcast_in_dim3A_1125 : vector<8x1xf32> to vector<8x128xf32>
    %select_n3A_1127 = arith.select %eq3A_1124, %broadcast_in_dim3A_1126, %select_n3A_1115 : vector<8x128xi1>, vector<8x128xf32>
    %get3A_1128 = arith.constant 0 : index
    %get3A_1129 = arith.constant 96256 : index
    %get3A_1130 = vector.load %arg1[%get3A_1128, %get3A_1129] : memref<8x100352xf32, #tpu.memory_space<vmem>>, vector<8x1024xf32>
    %reduce_max3A_1131 = arith.constant dense<0xFF800000> : vector<8xf32>
    %reduce_max3A_1132 = vector.multi_reduction <maximumf>, %get3A_1130, %reduce_max3A_1131 [1] : vector<8x1024xf32> to vector<8xf32>
    %broadcast_in_dim3A_1133 = vector.shape_cast %reduce_max3A_1132 : vector<8xf32> to vector<8x1xf32>
    %eq3A_1134 = arith.constant 94 : i32
    %eq3A_1135 = vector.broadcast %eq3A_1134 : i32 to vector<8x128xi32>
    %eq3A_1136 = arith.cmpi eq, %iota3A, %eq3A_1135 : vector<8x128xi32>
    %broadcast_in_dim3A_1137 = vector.shape_cast %broadcast_in_dim3A_1133 : vector<8x1xf32> to vector<8x1xf32>
    %broadcast_in_dim3A_1138 = vector.broadcast %broadcast_in_dim3A_1137 : vector<8x1xf32> to vector<8x128xf32>
    %select_n3A_1139 = arith.select %eq3A_1136, %broadcast_in_dim3A_1138, %select_n3A_1127 : vector<8x128xi1>, vector<8x128xf32>
    %get3A_1140 = arith.constant 0 : index
    %get3A_1141 = arith.constant 97280 : index
    %get3A_1142 = vector.load %arg1[%get3A_1140, %get3A_1141] : memref<8x100352xf32, #tpu.memory_space<vmem>>, vector<8x1024xf32>
    %reduce_max3A_1143 = arith.constant dense<0xFF800000> : vector<8xf32>
    %reduce_max3A_1144 = vector.multi_reduction <maximumf>, %get3A_1142, %reduce_max3A_1143 [1] : vector<8x1024xf32> to vector<8xf32>
    %broadcast_in_dim3A_1145 = vector.shape_cast %reduce_max3A_1144 : vector<8xf32> to vector<8x1xf32>
    %eq3A_1146 = arith.constant 95 : i32
    %eq3A_1147 = vector.broadcast %eq3A_1146 : i32 to vector<8x128xi32>
    %eq3A_1148 = arith.cmpi eq, %iota3A, %eq3A_1147 : vector<8x128xi32>
    %broadcast_in_dim3A_1149 = vector.shape_cast %broadcast_in_dim3A_1145 : vector<8x1xf32> to vector<8x1xf32>
    %broadcast_in_dim3A_1150 = vector.broadcast %broadcast_in_dim3A_1149 : vector<8x1xf32> to vector<8x128xf32>
    %select_n3A_1151 = arith.select %eq3A_1148, %broadcast_in_dim3A_1150, %select_n3A_1139 : vector<8x128xi1>, vector<8x128xf32>
    %get3A_1152 = arith.constant 0 : index
    %get3A_1153 = arith.constant 98304 : index
    %get3A_1154 = vector.load %arg1[%get3A_1152, %get3A_1153] : memref<8x100352xf32, #tpu.memory_space<vmem>>, vector<8x1024xf32>
    %reduce_max3A_1155 = arith.constant dense<0xFF800000> : vector<8xf32>
    %reduce_max3A_1156 = vector.multi_reduction <maximumf>, %get3A_1154, %reduce_max3A_1155 [1] : vector<8x1024xf32> to vector<8xf32>
    %broadcast_in_dim3A_1157 = vector.shape_cast %reduce_max3A_1156 : vector<8xf32> to vector<8x1xf32>
    %eq3A_1158 = arith.constant 96 : i32
    %eq3A_1159 = vector.broadcast %eq3A_1158 : i32 to vector<8x128xi32>
    %eq3A_1160 = arith.cmpi eq, %iota3A, %eq3A_1159 : vector<8x128xi32>
    %broadcast_in_dim3A_1161 = vector.shape_cast %broadcast_in_dim3A_1157 : vector<8x1xf32> to vector<8x1xf32>
    %broadcast_in_dim3A_1162 = vector.broadcast %broadcast_in_dim3A_1161 : vector<8x1xf32> to vector<8x128xf32>
    %select_n3A_1163 = arith.select %eq3A_1160, %broadcast_in_dim3A_1162, %select_n3A_1151 : vector<8x128xi1>, vector<8x128xf32>
    %get3A_1164 = arith.constant 0 : index
    %get3A_1165 = arith.constant 99328 : index
    %get3A_1166 = vector.load %arg1[%get3A_1164, %get3A_1165] : memref<8x100352xf32, #tpu.memory_space<vmem>>, vector<8x1024xf32>
    %reduce_max3A_1167 = arith.constant dense<0xFF800000> : vector<8xf32>
    %reduce_max3A_1168 = vector.multi_reduction <maximumf>, %get3A_1166, %reduce_max3A_1167 [1] : vector<8x1024xf32> to vector<8xf32>
    %broadcast_in_dim3A_1169 = vector.shape_cast %reduce_max3A_1168 : vector<8xf32> to vector<8x1xf32>
    %eq3A_1170 = arith.constant 97 : i32
    %eq3A_1171 = vector.broadcast %eq3A_1170 : i32 to vector<8x128xi32>
    %eq3A_1172 = arith.cmpi eq, %iota3A, %eq3A_1171 : vector<8x128xi32>
    %broadcast_in_dim3A_1173 = vector.shape_cast %broadcast_in_dim3A_1169 : vector<8x1xf32> to vector<8x1xf32>
    %broadcast_in_dim3A_1174 = vector.broadcast %broadcast_in_dim3A_1173 : vector<8x1xf32> to vector<8x128xf32>
    %select_n3A_1175 = arith.select %eq3A_1172, %broadcast_in_dim3A_1174, %select_n3A_1163 : vector<8x128xi1>, vector<8x128xf32>
    %broadcast_in_dim3A_1176 = arith.constant -3.000000e+38 : f32
    %broadcast_in_dim3A_1177 = vector.broadcast %broadcast_in_dim3A_1176 : f32 to vector<1x64xf32>
    %broadcast_in_dim3A_1178 = arith.constant -3.000000e+38 : f32
    %broadcast_in_dim3A_1179 = vector.broadcast %broadcast_in_dim3A_1178 : f32 to vector<1x64xf32>
    %broadcast_in_dim3A_1180 = arith.constant -3.000000e+38 : f32
    %broadcast_in_dim3A_1181 = vector.broadcast %broadcast_in_dim3A_1180 : f32 to vector<1x64xf32>
    %broadcast_in_dim3A_1182 = arith.constant -3.000000e+38 : f32
    %broadcast_in_dim3A_1183 = vector.broadcast %broadcast_in_dim3A_1182 : f32 to vector<1x64xf32>
    %broadcast_in_dim3A_1184 = arith.constant -3.000000e+38 : f32
    %broadcast_in_dim3A_1185 = vector.broadcast %broadcast_in_dim3A_1184 : f32 to vector<1x64xf32>
    %broadcast_in_dim3A_1186 = arith.constant -3.000000e+38 : f32
    %broadcast_in_dim3A_1187 = vector.broadcast %broadcast_in_dim3A_1186 : f32 to vector<1x64xf32>
    %broadcast_in_dim3A_1188 = arith.constant -3.000000e+38 : f32
    %broadcast_in_dim3A_1189 = vector.broadcast %broadcast_in_dim3A_1188 : f32 to vector<1x64xf32>
    %broadcast_in_dim3A_1190 = arith.constant -3.000000e+38 : f32
    %broadcast_in_dim3A_1191 = vector.broadcast %broadcast_in_dim3A_1190 : f32 to vector<1x64xf32>
    %broadcast_in_dim3A_1192 = arith.constant 0 : i32
    %broadcast_in_dim3A_1193 = vector.broadcast %broadcast_in_dim3A_1192 : i32 to vector<1x64xi32>
    %broadcast_in_dim3A_1194 = arith.constant 0 : i32
    %broadcast_in_dim3A_1195 = vector.broadcast %broadcast_in_dim3A_1194 : i32 to vector<1x64xi32>
    %broadcast_in_dim3A_1196 = arith.constant 0 : i32
    %broadcast_in_dim3A_1197 = vector.broadcast %broadcast_in_dim3A_1196 : i32 to vector<1x64xi32>
    %broadcast_in_dim3A_1198 = arith.constant 0 : i32
    %broadcast_in_dim3A_1199 = vector.broadcast %broadcast_in_dim3A_1198 : i32 to vector<1x64xi32>
    %broadcast_in_dim3A_1200 = arith.constant 0 : i32
    %broadcast_in_dim3A_1201 = vector.broadcast %broadcast_in_dim3A_1200 : i32 to vector<1x64xi32>
    %broadcast_in_dim3A_1202 = arith.constant 0 : i32
    %broadcast_in_dim3A_1203 = vector.broadcast %broadcast_in_dim3A_1202 : i32 to vector<1x64xi32>
    %broadcast_in_dim3A_1204 = arith.constant 0 : i32
    %broadcast_in_dim3A_1205 = vector.broadcast %broadcast_in_dim3A_1204 : i32 to vector<1x64xi32>
    %broadcast_in_dim3A_1206 = arith.constant 0 : i32
    %broadcast_in_dim3A_1207 = vector.broadcast %broadcast_in_dim3A_1206 : i32 to vector<1x64xi32>
    %slice3A = vector.extract_strided_slice %select_n3A_1175 {offsets = [0, 0], sizes = [1, 128], strides = [1, 1]} : vector<8x128xf32> to vector<1x128xf32>
    %squeeze3A = vector.shape_cast %slice3A : vector<1x128xf32> to vector<128xf32>
    %broadcast_in_dim3A_1208 = vector.shape_cast %squeeze3A : vector<128xf32> to vector<1x128xf32>
    %slice3A_1209 = vector.extract_strided_slice %select_n3A_1175 {offsets = [1, 0], sizes = [1, 128], strides = [1, 1]} : vector<8x128xf32> to vector<1x128xf32>
    %squeeze3A_1210 = vector.shape_cast %slice3A_1209 : vector<1x128xf32> to vector<128xf32>
    %broadcast_in_dim3A_1211 = vector.shape_cast %squeeze3A_1210 : vector<128xf32> to vector<1x128xf32>
    %slice3A_1212 = vector.extract_strided_slice %select_n3A_1175 {offsets = [2, 0], sizes = [1, 128], strides = [1, 1]} : vector<8x128xf32> to vector<1x128xf32>
    %squeeze3A_1213 = vector.shape_cast %slice3A_1212 : vector<1x128xf32> to vector<128xf32>
    %broadcast_in_dim3A_1214 = vector.shape_cast %squeeze3A_1213 : vector<128xf32> to vector<1x128xf32>
    %slice3A_1215 = vector.extract_strided_slice %select_n3A_1175 {offsets = [3, 0], sizes = [1, 128], strides = [1, 1]} : vector<8x128xf32> to vector<1x128xf32>
    %squeeze3A_1216 = vector.shape_cast %slice3A_1215 : vector<1x128xf32> to vector<128xf32>
    %broadcast_in_dim3A_1217 = vector.shape_cast %squeeze3A_1216 : vector<128xf32> to vector<1x128xf32>
    %slice3A_1218 = vector.extract_strided_slice %select_n3A_1175 {offsets = [4, 0], sizes = [1, 128], strides = [1, 1]} : vector<8x128xf32> to vector<1x128xf32>
    %squeeze3A_1219 = vector.shape_cast %slice3A_1218 : vector<1x128xf32> to vector<128xf32>
    %broadcast_in_dim3A_1220 = vector.shape_cast %squeeze3A_1219 : vector<128xf32> to vector<1x128xf32>
    %slice3A_1221 = vector.extract_strided_slice %select_n3A_1175 {offsets = [5, 0], sizes = [1, 128], strides = [1, 1]} : vector<8x128xf32> to vector<1x128xf32>
    %squeeze3A_1222 = vector.shape_cast %slice3A_1221 : vector<1x128xf32> to vector<128xf32>
    %broadcast_in_dim3A_1223 = vector.shape_cast %squeeze3A_1222 : vector<128xf32> to vector<1x128xf32>
    %slice3A_1224 = vector.extract_strided_slice %select_n3A_1175 {offsets = [6, 0], sizes = [1, 128], strides = [1, 1]} : vector<8x128xf32> to vector<1x128xf32>
    %squeeze3A_1225 = vector.shape_cast %slice3A_1224 : vector<1x128xf32> to vector<128xf32>
    %broadcast_in_dim3A_1226 = vector.shape_cast %squeeze3A_1225 : vector<128xf32> to vector<1x128xf32>
    %slice3A_1227 = vector.extract_strided_slice %select_n3A_1175 {offsets = [7, 0], sizes = [1, 128], strides = [1, 1]} : vector<8x128xf32> to vector<1x128xf32>
    %squeeze3A_1228 = vector.shape_cast %slice3A_1227 : vector<1x128xf32> to vector<128xf32>
    %broadcast_in_dim3A_1229 = vector.shape_cast %squeeze3A_1228 : vector<128xf32> to vector<1x128xf32>
    %broadcast_in_dim3A_1230 = arith.constant 3.000000e+38 : f32
    %broadcast_in_dim3A_1231 = vector.broadcast %broadcast_in_dim3A_1230 : f32 to vector<1x1xf32>
    %broadcast_in_dim3A_1232 = arith.constant 3.000000e+38 : f32
    %broadcast_in_dim3A_1233 = vector.broadcast %broadcast_in_dim3A_1232 : f32 to vector<1x1xf32>
    %broadcast_in_dim3A_1234 = arith.constant 3.000000e+38 : f32
    %broadcast_in_dim3A_1235 = vector.broadcast %broadcast_in_dim3A_1234 : f32 to vector<1x1xf32>
    %broadcast_in_dim3A_1236 = arith.constant 3.000000e+38 : f32
    %broadcast_in_dim3A_1237 = vector.broadcast %broadcast_in_dim3A_1236 : f32 to vector<1x1xf32>
    %broadcast_in_dim3A_1238 = arith.constant 3.000000e+38 : f32
    %broadcast_in_dim3A_1239 = vector.broadcast %broadcast_in_dim3A_1238 : f32 to vector<1x1xf32>
    %broadcast_in_dim3A_1240 = arith.constant 3.000000e+38 : f32
    %broadcast_in_dim3A_1241 = vector.broadcast %broadcast_in_dim3A_1240 : f32 to vector<1x1xf32>
    %broadcast_in_dim3A_1242 = arith.constant 3.000000e+38 : f32
    %broadcast_in_dim3A_1243 = vector.broadcast %broadcast_in_dim3A_1242 : f32 to vector<1x1xf32>
    %broadcast_in_dim3A_1244 = arith.constant 3.000000e+38 : f32
    %broadcast_in_dim3A_1245 = vector.broadcast %broadcast_in_dim3A_1244 : f32 to vector<1x1xf32>
    %broadcast_in_dim3A_1246 = arith.constant -1 : i32
    %broadcast_in_dim3A_1247 = vector.broadcast %broadcast_in_dim3A_1246 : i32 to vector<1x1xi32>
    %broadcast_in_dim3A_1248 = arith.constant -1 : i32
    %broadcast_in_dim3A_1249 = vector.broadcast %broadcast_in_dim3A_1248 : i32 to vector<1x1xi32>
    %broadcast_in_dim3A_1250 = arith.constant -1 : i32
    %broadcast_in_dim3A_1251 = vector.broadcast %broadcast_in_dim3A_1250 : i32 to vector<1x1xi32>
    %broadcast_in_dim3A_1252 = arith.constant -1 : i32
    %broadcast_in_dim3A_1253 = vector.broadcast %broadcast_in_dim3A_1252 : i32 to vector<1x1xi32>
    %broadcast_in_dim3A_1254 = arith.constant -1 : i32
    %broadcast_in_dim3A_1255 = vector.broadcast %broadcast_in_dim3A_1254 : i32 to vector<1x1xi32>
    %broadcast_in_dim3A_1256 = arith.constant -1 : i32
    %broadcast_in_dim3A_1257 = vector.broadcast %broadcast_in_dim3A_1256 : i32 to vector<1x1xi32>
    %broadcast_in_dim3A_1258 = arith.constant -1 : i32
    %broadcast_in_dim3A_1259 = vector.broadcast %broadcast_in_dim3A_1258 : i32 to vector<1x1xi32>
    %broadcast_in_dim3A_1260 = arith.constant -1 : i32
    %broadcast_in_dim3A_1261 = vector.broadcast %broadcast_in_dim3A_1260 : i32 to vector<1x1xi32>
    %scan3A = arith.constant 0 : i32
    %scan3A_1262 = arith.constant 50 : i32
    %scan3A_1263 = arith.addi %scan3A, %scan3A_1262 : i32
    %scan3A_1264 = arith.constant 1 : i32
    %scan3A_1265:40 = scf.for %scan3A_1275 = %scan3A to %scan3A_1263 step %scan3A_1264 iter_args(%scan3A_1276 = %broadcast_in_dim3A_1177, %scan3A_1277 = %broadcast_in_dim3A_1179, %scan3A_1278 = %broadcast_in_dim3A_1181, %scan3A_1279 = %broadcast_in_dim3A_1183, %scan3A_1280 = %broadcast_in_dim3A_1185, %scan3A_1281 = %broadcast_in_dim3A_1187, %scan3A_1282 = %broadcast_in_dim3A_1189, %scan3A_1283 = %broadcast_in_dim3A_1191, %scan3A_1284 = %broadcast_in_dim3A_1193, %scan3A_1285 = %broadcast_in_dim3A_1195, %scan3A_1286 = %broadcast_in_dim3A_1197, %scan3A_1287 = %broadcast_in_dim3A_1199, %scan3A_1288 = %broadcast_in_dim3A_1201, %scan3A_1289 = %broadcast_in_dim3A_1203, %scan3A_1290 = %broadcast_in_dim3A_1205, %scan3A_1291 = %broadcast_in_dim3A_1207, %scan3A_1292 = %broadcast_in_dim3A_1208, %scan3A_1293 = %broadcast_in_dim3A_1211, %scan3A_1294 = %broadcast_in_dim3A_1214, %scan3A_1295 = %broadcast_in_dim3A_1217, %scan3A_1296 = %broadcast_in_dim3A_1220, %scan3A_1297 = %broadcast_in_dim3A_1223, %scan3A_1298 = %broadcast_in_dim3A_1226, %scan3A_1299 = %broadcast_in_dim3A_1229, %scan3A_1300 = %broadcast_in_dim3A_1231, %scan3A_1301 = %broadcast_in_dim3A_1233, %scan3A_1302 = %broadcast_in_dim3A_1235, %scan3A_1303 = %broadcast_in_dim3A_1237, %scan3A_1304 = %broadcast_in_dim3A_1239, %scan3A_1305 = %broadcast_in_dim3A_1241, %scan3A_1306 = %broadcast_in_dim3A_1243, %scan3A_1307 = %broadcast_in_dim3A_1245, %scan3A_1308 = %broadcast_in_dim3A_1247, %scan3A_1309 = %broadcast_in_dim3A_1249, %scan3A_1310 = %broadcast_in_dim3A_1251, %scan3A_1311 = %broadcast_in_dim3A_1253, %scan3A_1312 = %broadcast_in_dim3A_1255, %scan3A_1313 = %broadcast_in_dim3A_1257, %scan3A_1314 = %broadcast_in_dim3A_1259, %scan3A_1315 = %broadcast_in_dim3A_1261) -> (vector<1x64xf32>, vector<1x64xf32>, vector<1x64xf32>, vector<1x64xf32>, vector<1x64xf32>, vector<1x64xf32>, vector<1x64xf32>, vector<1x64xf32>, vector<1x64xi32>, vector<1x64xi32>, vector<1x64xi32>, vector<1x64xi32>, vector<1x64xi32>, vector<1x64xi32>, vector<1x64xi32>, vector<1x64xi32>, vector<1x128xf32>, vector<1x128xf32>, vector<1x128xf32>, vector<1x128xf32>, vector<1x128xf32>, vector<1x128xf32>, vector<1x128xf32>, vector<1x128xf32>, vector<1x1xf32>, vector<1x1xf32>, vector<1x1xf32>, vector<1x1xf32>, vector<1x1xf32>, vector<1x1xf32>, vector<1x1xf32>, vector<1x1xf32>, vector<1x1xi32>, vector<1x1xi32>, vector<1x1xi32>, vector<1x1xi32>, vector<1x1xi32>, vector<1x1xi32>, vector<1x1xi32>, vector<1x1xi32>)  : i32 {
      %reduce_max3A_1316 = arith.constant dense<0xFF800000> : vector<1xf32>
      %reduce_max3A_1317 = vector.multi_reduction <maximumf>, %scan3A_1292, %reduce_max3A_1316 [1] : vector<1x128xf32> to vector<1xf32>
      %broadcast_in_dim3A_1318 = vector.shape_cast %reduce_max3A_1317 : vector<1xf32> to vector<1x1xf32>
      %eq3A_1319 = vector.broadcast %broadcast_in_dim3A_1318 : vector<1x1xf32> to vector<1x128xf32>
      %eq3A_1320 = arith.cmpf oeq, %scan3A_1292, %eq3A_1319 : vector<1x128xf32>
      %jit3A = arith.constant 98 : i32
      %broadcast_in_dim3A_1321 = vector.broadcast %jit3A : i32 to vector<1x128xi32>
      %select_n3A_1322 = arith.select %eq3A_1320, %iota3A_0, %broadcast_in_dim3A_1321 : vector<1x128xi1>, vector<1x128xi32>
      %reduce_min3A = vector.shape_cast %select_n3A_1322 : vector<1x128xi32> to vector<1x1x128xi32>
      %reduce_min3A_1323 = arith.constant dense<2147483647> : vector<1xi32>
      %reduce_min3A_1324 = vector.multi_reduction <minsi>, %reduce_min3A, %reduce_min3A_1323 [1, 2] : vector<1x1x128xi32> to vector<1xi32>
      %reduce_min3A_1325 = vector.shape_cast %reduce_min3A_1324 : vector<1xi32> to vector<1x1x1xi32>
      %reduce_min3A_1326 = vector.extract %reduce_min3A_1325[0, 0, 0] : i32 from vector<1x1x1xi32>
      %mul3A = arith.constant 1024 : i32
      %mul3A_1327 = arith.muli %reduce_min3A_1326, %mul3A : i32
      %multiple_of3A = tpu.assume_multiple %mul3A_1327, 1024 : i32
      %get3A_1328 = arith.constant 0 : index
      %get3A_1329 = arith.index_cast %multiple_of3A : i32 to index
      %get3A_1330 = vector.load %arg1[%get3A_1328, %get3A_1329] : memref<8x100352xf32, #tpu.memory_space<vmem>>, vector<1x1024xf32>
      %add3A = vector.broadcast %multiple_of3A : i32 to vector<1x1024xi32>
      %add3A_1331 = arith.addi %iota3A_2, %add3A : vector<1x1024xi32>
      %eq3A_1332 = vector.broadcast %broadcast_in_dim3A_1318 : vector<1x1xf32> to vector<1x1024xf32>
      %eq3A_1333 = arith.cmpf oeq, %get3A_1330, %eq3A_1332 : vector<1x1024xf32>
      %lt3A = arith.cmpf olt, %broadcast_in_dim3A_1318, %scan3A_1300 : vector<1x1xf32>
      %gt3A = vector.broadcast %scan3A_1308 : vector<1x1xi32> to vector<1x1024xi32>
      %gt3A_1334 = arith.cmpi sgt, %add3A_1331, %gt3A : vector<1x1024xi32>
      %or3A = vector.broadcast %lt3A : vector<1x1xi1> to vector<1x1024xi1>
      %or3A_1335 = arith.ori %or3A, %gt3A_1334 : vector<1x1024xi1>
      %and3A = arith.andi %eq3A_1333, %or3A_1335 : vector<1x1024xi1>
      %jit3A_1336 = arith.constant 2147483647 : i32
      %broadcast_in_dim3A_1337 = vector.broadcast %jit3A_1336 : i32 to vector<1x1024xi32>
      %select_n3A_1338 = arith.select %and3A, %add3A_1331, %broadcast_in_dim3A_1337 : vector<1x1024xi1>, vector<1x1024xi32>
      %reduce_min3A_1339 = arith.constant dense<2147483647> : vector<1xi32>
      %reduce_min3A_1340 = vector.multi_reduction <minsi>, %select_n3A_1338, %reduce_min3A_1339 [1] : vector<1x1024xi32> to vector<1xi32>
      %broadcast_in_dim3A_1341 = vector.shape_cast %reduce_min3A_1340 : vector<1xi32> to vector<1x1xi32>
      %lt3A_1342 = vector.broadcast %broadcast_in_dim3A_1318 : vector<1x1xf32> to vector<1x1024xf32>
      %lt3A_1343 = arith.cmpf olt, %get3A_1330, %lt3A_1342 : vector<1x1024xf32>
      %eq3A_1344 = vector.broadcast %broadcast_in_dim3A_1318 : vector<1x1xf32> to vector<1x1024xf32>
      %eq3A_1345 = arith.cmpf oeq, %get3A_1330, %eq3A_1344 : vector<1x1024xf32>
      %gt3A_1346 = vector.broadcast %broadcast_in_dim3A_1341 : vector<1x1xi32> to vector<1x1024xi32>
      %gt3A_1347 = arith.cmpi sgt, %add3A_1331, %gt3A_1346 : vector<1x1024xi32>
      %and3A_1348 = arith.andi %eq3A_1345, %gt3A_1347 : vector<1x1024xi1>
      %or3A_1349 = arith.ori %lt3A_1343, %and3A_1348 : vector<1x1024xi1>
      %jit3A_1350 = arith.constant -3.000000e+38 : f32
      %broadcast_in_dim3A_1351 = vector.broadcast %jit3A_1350 : f32 to vector<1x1024xf32>
      %select_n3A_1352 = arith.select %or3A_1349, %get3A_1330, %broadcast_in_dim3A_1351 : vector<1x1024xi1>, vector<1x1024xf32>
      %reduce_max3A_1353 = arith.constant dense<0xFF800000> : vector<1xf32>
      %reduce_max3A_1354 = vector.multi_reduction <maximumf>, %select_n3A_1352, %reduce_max3A_1353 [1] : vector<1x1024xf32> to vector<1xf32>
      %broadcast_in_dim3A_1355 = vector.shape_cast %reduce_max3A_1354 : vector<1xf32> to vector<1x1xf32>
      %eq3A_1356 = vector.broadcast %scan3A_1275 : i32 to vector<1x64xi32>
      %eq3A_1357 = arith.cmpi eq, %iota3A_1, %eq3A_1356 : vector<1x64xi32>
      %broadcast_in_dim3A_1358 = vector.shape_cast %broadcast_in_dim3A_1318 : vector<1x1xf32> to vector<1x1xf32>
      %broadcast_in_dim3A_1359 = vector.broadcast %broadcast_in_dim3A_1358 : vector<1x1xf32> to vector<1x64xf32>
      %select_n3A_1360 = arith.select %eq3A_1357, %broadcast_in_dim3A_1359, %scan3A_1276 : vector<1x64xi1>, vector<1x64xf32>
      %eq3A_1361 = vector.broadcast %scan3A_1275 : i32 to vector<1x64xi32>
      %eq3A_1362 = arith.cmpi eq, %iota3A_1, %eq3A_1361 : vector<1x64xi32>
      %broadcast_in_dim3A_1363 = vector.shape_cast %broadcast_in_dim3A_1341 : vector<1x1xi32> to vector<1x1xi32>
      %broadcast_in_dim3A_1364 = vector.broadcast %broadcast_in_dim3A_1363 : vector<1x1xi32> to vector<1x64xi32>
      %select_n3A_1365 = arith.select %eq3A_1362, %broadcast_in_dim3A_1364, %scan3A_1284 : vector<1x64xi1>, vector<1x64xi32>
      %eq3A_1366 = vector.broadcast %reduce_min3A_1326 : i32 to vector<1x128xi32>
      %eq3A_1367 = arith.cmpi eq, %iota3A_0, %eq3A_1366 : vector<1x128xi32>
      %broadcast_in_dim3A_1368 = vector.shape_cast %broadcast_in_dim3A_1355 : vector<1x1xf32> to vector<1x1xf32>
      %broadcast_in_dim3A_1369 = vector.broadcast %broadcast_in_dim3A_1368 : vector<1x1xf32> to vector<1x128xf32>
      %select_n3A_1370 = arith.select %eq3A_1367, %broadcast_in_dim3A_1369, %scan3A_1292 : vector<1x128xi1>, vector<1x128xf32>
      %reduce_max3A_1371 = arith.constant dense<0xFF800000> : vector<1xf32>
      %reduce_max3A_1372 = vector.multi_reduction <maximumf>, %scan3A_1293, %reduce_max3A_1371 [1] : vector<1x128xf32> to vector<1xf32>
      %broadcast_in_dim3A_1373 = vector.shape_cast %reduce_max3A_1372 : vector<1xf32> to vector<1x1xf32>
      %eq3A_1374 = vector.broadcast %broadcast_in_dim3A_1373 : vector<1x1xf32> to vector<1x128xf32>
      %eq3A_1375 = arith.cmpf oeq, %scan3A_1293, %eq3A_1374 : vector<1x128xf32>
      %jit3A_1376 = arith.constant 98 : i32
      %broadcast_in_dim3A_1377 = vector.broadcast %jit3A_1376 : i32 to vector<1x128xi32>
      %select_n3A_1378 = arith.select %eq3A_1375, %iota3A_0, %broadcast_in_dim3A_1377 : vector<1x128xi1>, vector<1x128xi32>
      %reduce_min3A_1379 = vector.shape_cast %select_n3A_1378 : vector<1x128xi32> to vector<1x1x128xi32>
      %reduce_min3A_1380 = arith.constant dense<2147483647> : vector<1xi32>
      %reduce_min3A_1381 = vector.multi_reduction <minsi>, %reduce_min3A_1379, %reduce_min3A_1380 [1, 2] : vector<1x1x128xi32> to vector<1xi32>
      %reduce_min3A_1382 = vector.shape_cast %reduce_min3A_1381 : vector<1xi32> to vector<1x1x1xi32>
      %reduce_min3A_1383 = vector.extract %reduce_min3A_1382[0, 0, 0] : i32 from vector<1x1x1xi32>
      %mul3A_1384 = arith.constant 1024 : i32
      %mul3A_1385 = arith.muli %reduce_min3A_1383, %mul3A_1384 : i32
      %multiple_of3A_1386 = tpu.assume_multiple %mul3A_1385, 1024 : i32
      %get3A_1387 = arith.constant 1 : index
      %get3A_1388 = arith.index_cast %multiple_of3A_1386 : i32 to index
      %get3A_1389 = vector.load %arg1[%get3A_1387, %get3A_1388] : memref<8x100352xf32, #tpu.memory_space<vmem>>, vector<1x1024xf32>
      %add3A_1390 = vector.broadcast %multiple_of3A_1386 : i32 to vector<1x1024xi32>
      %add3A_1391 = arith.addi %iota3A_2, %add3A_1390 : vector<1x1024xi32>
      %eq3A_1392 = vector.broadcast %broadcast_in_dim3A_1373 : vector<1x1xf32> to vector<1x1024xf32>
      %eq3A_1393 = arith.cmpf oeq, %get3A_1389, %eq3A_1392 : vector<1x1024xf32>
      %lt3A_1394 = arith.cmpf olt, %broadcast_in_dim3A_1373, %scan3A_1301 : vector<1x1xf32>
      %gt3A_1395 = vector.broadcast %scan3A_1309 : vector<1x1xi32> to vector<1x1024xi32>
      %gt3A_1396 = arith.cmpi sgt, %add3A_1391, %gt3A_1395 : vector<1x1024xi32>
      %or3A_1397 = vector.broadcast %lt3A_1394 : vector<1x1xi1> to vector<1x1024xi1>
      %or3A_1398 = arith.ori %or3A_1397, %gt3A_1396 : vector<1x1024xi1>
      %and3A_1399 = arith.andi %eq3A_1393, %or3A_1398 : vector<1x1024xi1>
      %jit3A_1400 = arith.constant 2147483647 : i32
      %broadcast_in_dim3A_1401 = vector.broadcast %jit3A_1400 : i32 to vector<1x1024xi32>
      %select_n3A_1402 = arith.select %and3A_1399, %add3A_1391, %broadcast_in_dim3A_1401 : vector<1x1024xi1>, vector<1x1024xi32>
      %reduce_min3A_1403 = arith.constant dense<2147483647> : vector<1xi32>
      %reduce_min3A_1404 = vector.multi_reduction <minsi>, %select_n3A_1402, %reduce_min3A_1403 [1] : vector<1x1024xi32> to vector<1xi32>
      %broadcast_in_dim3A_1405 = vector.shape_cast %reduce_min3A_1404 : vector<1xi32> to vector<1x1xi32>
      %lt3A_1406 = vector.broadcast %broadcast_in_dim3A_1373 : vector<1x1xf32> to vector<1x1024xf32>
      %lt3A_1407 = arith.cmpf olt, %get3A_1389, %lt3A_1406 : vector<1x1024xf32>
      %eq3A_1408 = vector.broadcast %broadcast_in_dim3A_1373 : vector<1x1xf32> to vector<1x1024xf32>
      %eq3A_1409 = arith.cmpf oeq, %get3A_1389, %eq3A_1408 : vector<1x1024xf32>
      %gt3A_1410 = vector.broadcast %broadcast_in_dim3A_1405 : vector<1x1xi32> to vector<1x1024xi32>
      %gt3A_1411 = arith.cmpi sgt, %add3A_1391, %gt3A_1410 : vector<1x1024xi32>
      %and3A_1412 = arith.andi %eq3A_1409, %gt3A_1411 : vector<1x1024xi1>
      %or3A_1413 = arith.ori %lt3A_1407, %and3A_1412 : vector<1x1024xi1>
      %jit3A_1414 = arith.constant -3.000000e+38 : f32
      %broadcast_in_dim3A_1415 = vector.broadcast %jit3A_1414 : f32 to vector<1x1024xf32>
      %select_n3A_1416 = arith.select %or3A_1413, %get3A_1389, %broadcast_in_dim3A_1415 : vector<1x1024xi1>, vector<1x1024xf32>
      %reduce_max3A_1417 = arith.constant dense<0xFF800000> : vector<1xf32>
      %reduce_max3A_1418 = vector.multi_reduction <maximumf>, %select_n3A_1416, %reduce_max3A_1417 [1] : vector<1x1024xf32> to vector<1xf32>
      %broadcast_in_dim3A_1419 = vector.shape_cast %reduce_max3A_1418 : vector<1xf32> to vector<1x1xf32>
      %eq3A_1420 = vector.broadcast %scan3A_1275 : i32 to vector<1x64xi32>
      %eq3A_1421 = arith.cmpi eq, %iota3A_1, %eq3A_1420 : vector<1x64xi32>
      %broadcast_in_dim3A_1422 = vector.shape_cast %broadcast_in_dim3A_1373 : vector<1x1xf32> to vector<1x1xf32>
      %broadcast_in_dim3A_1423 = vector.broadcast %broadcast_in_dim3A_1422 : vector<1x1xf32> to vector<1x64xf32>
      %select_n3A_1424 = arith.select %eq3A_1421, %broadcast_in_dim3A_1423, %scan3A_1277 : vector<1x64xi1>, vector<1x64xf32>
      %eq3A_1425 = vector.broadcast %scan3A_1275 : i32 to vector<1x64xi32>
      %eq3A_1426 = arith.cmpi eq, %iota3A_1, %eq3A_1425 : vector<1x64xi32>
      %broadcast_in_dim3A_1427 = vector.shape_cast %broadcast_in_dim3A_1405 : vector<1x1xi32> to vector<1x1xi32>
      %broadcast_in_dim3A_1428 = vector.broadcast %broadcast_in_dim3A_1427 : vector<1x1xi32> to vector<1x64xi32>
      %select_n3A_1429 = arith.select %eq3A_1426, %broadcast_in_dim3A_1428, %scan3A_1285 : vector<1x64xi1>, vector<1x64xi32>
      %eq3A_1430 = vector.broadcast %reduce_min3A_1383 : i32 to vector<1x128xi32>
      %eq3A_1431 = arith.cmpi eq, %iota3A_0, %eq3A_1430 : vector<1x128xi32>
      %broadcast_in_dim3A_1432 = vector.shape_cast %broadcast_in_dim3A_1419 : vector<1x1xf32> to vector<1x1xf32>
      %broadcast_in_dim3A_1433 = vector.broadcast %broadcast_in_dim3A_1432 : vector<1x1xf32> to vector<1x128xf32>
      %select_n3A_1434 = arith.select %eq3A_1431, %broadcast_in_dim3A_1433, %scan3A_1293 : vector<1x128xi1>, vector<1x128xf32>
      %reduce_max3A_1435 = arith.constant dense<0xFF800000> : vector<1xf32>
      %reduce_max3A_1436 = vector.multi_reduction <maximumf>, %scan3A_1294, %reduce_max3A_1435 [1] : vector<1x128xf32> to vector<1xf32>
      %broadcast_in_dim3A_1437 = vector.shape_cast %reduce_max3A_1436 : vector<1xf32> to vector<1x1xf32>
      %eq3A_1438 = vector.broadcast %broadcast_in_dim3A_1437 : vector<1x1xf32> to vector<1x128xf32>
      %eq3A_1439 = arith.cmpf oeq, %scan3A_1294, %eq3A_1438 : vector<1x128xf32>
      %jit3A_1440 = arith.constant 98 : i32
      %broadcast_in_dim3A_1441 = vector.broadcast %jit3A_1440 : i32 to vector<1x128xi32>
      %select_n3A_1442 = arith.select %eq3A_1439, %iota3A_0, %broadcast_in_dim3A_1441 : vector<1x128xi1>, vector<1x128xi32>
      %reduce_min3A_1443 = vector.shape_cast %select_n3A_1442 : vector<1x128xi32> to vector<1x1x128xi32>
      %reduce_min3A_1444 = arith.constant dense<2147483647> : vector<1xi32>
      %reduce_min3A_1445 = vector.multi_reduction <minsi>, %reduce_min3A_1443, %reduce_min3A_1444 [1, 2] : vector<1x1x128xi32> to vector<1xi32>
      %reduce_min3A_1446 = vector.shape_cast %reduce_min3A_1445 : vector<1xi32> to vector<1x1x1xi32>
      %reduce_min3A_1447 = vector.extract %reduce_min3A_1446[0, 0, 0] : i32 from vector<1x1x1xi32>
      %mul3A_1448 = arith.constant 1024 : i32
      %mul3A_1449 = arith.muli %reduce_min3A_1447, %mul3A_1448 : i32
      %multiple_of3A_1450 = tpu.assume_multiple %mul3A_1449, 1024 : i32
      %get3A_1451 = arith.constant 2 : index
      %get3A_1452 = arith.index_cast %multiple_of3A_1450 : i32 to index
      %get3A_1453 = vector.load %arg1[%get3A_1451, %get3A_1452] : memref<8x100352xf32, #tpu.memory_space<vmem>>, vector<1x1024xf32>
      %add3A_1454 = vector.broadcast %multiple_of3A_1450 : i32 to vector<1x1024xi32>
      %add3A_1455 = arith.addi %iota3A_2, %add3A_1454 : vector<1x1024xi32>
      %eq3A_1456 = vector.broadcast %broadcast_in_dim3A_1437 : vector<1x1xf32> to vector<1x1024xf32>
      %eq3A_1457 = arith.cmpf oeq, %get3A_1453, %eq3A_1456 : vector<1x1024xf32>
      %lt3A_1458 = arith.cmpf olt, %broadcast_in_dim3A_1437, %scan3A_1302 : vector<1x1xf32>
      %gt3A_1459 = vector.broadcast %scan3A_1310 : vector<1x1xi32> to vector<1x1024xi32>
      %gt3A_1460 = arith.cmpi sgt, %add3A_1455, %gt3A_1459 : vector<1x1024xi32>
      %or3A_1461 = vector.broadcast %lt3A_1458 : vector<1x1xi1> to vector<1x1024xi1>
      %or3A_1462 = arith.ori %or3A_1461, %gt3A_1460 : vector<1x1024xi1>
      %and3A_1463 = arith.andi %eq3A_1457, %or3A_1462 : vector<1x1024xi1>
      %jit3A_1464 = arith.constant 2147483647 : i32
      %broadcast_in_dim3A_1465 = vector.broadcast %jit3A_1464 : i32 to vector<1x1024xi32>
      %select_n3A_1466 = arith.select %and3A_1463, %add3A_1455, %broadcast_in_dim3A_1465 : vector<1x1024xi1>, vector<1x1024xi32>
      %reduce_min3A_1467 = arith.constant dense<2147483647> : vector<1xi32>
      %reduce_min3A_1468 = vector.multi_reduction <minsi>, %select_n3A_1466, %reduce_min3A_1467 [1] : vector<1x1024xi32> to vector<1xi32>
      %broadcast_in_dim3A_1469 = vector.shape_cast %reduce_min3A_1468 : vector<1xi32> to vector<1x1xi32>
      %lt3A_1470 = vector.broadcast %broadcast_in_dim3A_1437 : vector<1x1xf32> to vector<1x1024xf32>
      %lt3A_1471 = arith.cmpf olt, %get3A_1453, %lt3A_1470 : vector<1x1024xf32>
      %eq3A_1472 = vector.broadcast %broadcast_in_dim3A_1437 : vector<1x1xf32> to vector<1x1024xf32>
      %eq3A_1473 = arith.cmpf oeq, %get3A_1453, %eq3A_1472 : vector<1x1024xf32>
      %gt3A_1474 = vector.broadcast %broadcast_in_dim3A_1469 : vector<1x1xi32> to vector<1x1024xi32>
      %gt3A_1475 = arith.cmpi sgt, %add3A_1455, %gt3A_1474 : vector<1x1024xi32>
      %and3A_1476 = arith.andi %eq3A_1473, %gt3A_1475 : vector<1x1024xi1>
      %or3A_1477 = arith.ori %lt3A_1471, %and3A_1476 : vector<1x1024xi1>
      %jit3A_1478 = arith.constant -3.000000e+38 : f32
      %broadcast_in_dim3A_1479 = vector.broadcast %jit3A_1478 : f32 to vector<1x1024xf32>
      %select_n3A_1480 = arith.select %or3A_1477, %get3A_1453, %broadcast_in_dim3A_1479 : vector<1x1024xi1>, vector<1x1024xf32>
      %reduce_max3A_1481 = arith.constant dense<0xFF800000> : vector<1xf32>
      %reduce_max3A_1482 = vector.multi_reduction <maximumf>, %select_n3A_1480, %reduce_max3A_1481 [1] : vector<1x1024xf32> to vector<1xf32>
      %broadcast_in_dim3A_1483 = vector.shape_cast %reduce_max3A_1482 : vector<1xf32> to vector<1x1xf32>
      %eq3A_1484 = vector.broadcast %scan3A_1275 : i32 to vector<1x64xi32>
      %eq3A_1485 = arith.cmpi eq, %iota3A_1, %eq3A_1484 : vector<1x64xi32>
      %broadcast_in_dim3A_1486 = vector.shape_cast %broadcast_in_dim3A_1437 : vector<1x1xf32> to vector<1x1xf32>
      %broadcast_in_dim3A_1487 = vector.broadcast %broadcast_in_dim3A_1486 : vector<1x1xf32> to vector<1x64xf32>
      %select_n3A_1488 = arith.select %eq3A_1485, %broadcast_in_dim3A_1487, %scan3A_1278 : vector<1x64xi1>, vector<1x64xf32>
      %eq3A_1489 = vector.broadcast %scan3A_1275 : i32 to vector<1x64xi32>
      %eq3A_1490 = arith.cmpi eq, %iota3A_1, %eq3A_1489 : vector<1x64xi32>
      %broadcast_in_dim3A_1491 = vector.shape_cast %broadcast_in_dim3A_1469 : vector<1x1xi32> to vector<1x1xi32>
      %broadcast_in_dim3A_1492 = vector.broadcast %broadcast_in_dim3A_1491 : vector<1x1xi32> to vector<1x64xi32>
      %select_n3A_1493 = arith.select %eq3A_1490, %broadcast_in_dim3A_1492, %scan3A_1286 : vector<1x64xi1>, vector<1x64xi32>
      %eq3A_1494 = vector.broadcast %reduce_min3A_1447 : i32 to vector<1x128xi32>
      %eq3A_1495 = arith.cmpi eq, %iota3A_0, %eq3A_1494 : vector<1x128xi32>
      %broadcast_in_dim3A_1496 = vector.shape_cast %broadcast_in_dim3A_1483 : vector<1x1xf32> to vector<1x1xf32>
      %broadcast_in_dim3A_1497 = vector.broadcast %broadcast_in_dim3A_1496 : vector<1x1xf32> to vector<1x128xf32>
      %select_n3A_1498 = arith.select %eq3A_1495, %broadcast_in_dim3A_1497, %scan3A_1294 : vector<1x128xi1>, vector<1x128xf32>
      %reduce_max3A_1499 = arith.constant dense<0xFF800000> : vector<1xf32>
      %reduce_max3A_1500 = vector.multi_reduction <maximumf>, %scan3A_1295, %reduce_max3A_1499 [1] : vector<1x128xf32> to vector<1xf32>
      %broadcast_in_dim3A_1501 = vector.shape_cast %reduce_max3A_1500 : vector<1xf32> to vector<1x1xf32>
      %eq3A_1502 = vector.broadcast %broadcast_in_dim3A_1501 : vector<1x1xf32> to vector<1x128xf32>
      %eq3A_1503 = arith.cmpf oeq, %scan3A_1295, %eq3A_1502 : vector<1x128xf32>
      %jit3A_1504 = arith.constant 98 : i32
      %broadcast_in_dim3A_1505 = vector.broadcast %jit3A_1504 : i32 to vector<1x128xi32>
      %select_n3A_1506 = arith.select %eq3A_1503, %iota3A_0, %broadcast_in_dim3A_1505 : vector<1x128xi1>, vector<1x128xi32>
      %reduce_min3A_1507 = vector.shape_cast %select_n3A_1506 : vector<1x128xi32> to vector<1x1x128xi32>
      %reduce_min3A_1508 = arith.constant dense<2147483647> : vector<1xi32>
      %reduce_min3A_1509 = vector.multi_reduction <minsi>, %reduce_min3A_1507, %reduce_min3A_1508 [1, 2] : vector<1x1x128xi32> to vector<1xi32>
      %reduce_min3A_1510 = vector.shape_cast %reduce_min3A_1509 : vector<1xi32> to vector<1x1x1xi32>
      %reduce_min3A_1511 = vector.extract %reduce_min3A_1510[0, 0, 0] : i32 from vector<1x1x1xi32>
      %mul3A_1512 = arith.constant 1024 : i32
      %mul3A_1513 = arith.muli %reduce_min3A_1511, %mul3A_1512 : i32
      %multiple_of3A_1514 = tpu.assume_multiple %mul3A_1513, 1024 : i32
      %get3A_1515 = arith.constant 3 : index
      %get3A_1516 = arith.index_cast %multiple_of3A_1514 : i32 to index
      %get3A_1517 = vector.load %arg1[%get3A_1515, %get3A_1516] : memref<8x100352xf32, #tpu.memory_space<vmem>>, vector<1x1024xf32>
      %add3A_1518 = vector.broadcast %multiple_of3A_1514 : i32 to vector<1x1024xi32>
      %add3A_1519 = arith.addi %iota3A_2, %add3A_1518 : vector<1x1024xi32>
      %eq3A_1520 = vector.broadcast %broadcast_in_dim3A_1501 : vector<1x1xf32> to vector<1x1024xf32>
      %eq3A_1521 = arith.cmpf oeq, %get3A_1517, %eq3A_1520 : vector<1x1024xf32>
      %lt3A_1522 = arith.cmpf olt, %broadcast_in_dim3A_1501, %scan3A_1303 : vector<1x1xf32>
      %gt3A_1523 = vector.broadcast %scan3A_1311 : vector<1x1xi32> to vector<1x1024xi32>
      %gt3A_1524 = arith.cmpi sgt, %add3A_1519, %gt3A_1523 : vector<1x1024xi32>
      %or3A_1525 = vector.broadcast %lt3A_1522 : vector<1x1xi1> to vector<1x1024xi1>
      %or3A_1526 = arith.ori %or3A_1525, %gt3A_1524 : vector<1x1024xi1>
      %and3A_1527 = arith.andi %eq3A_1521, %or3A_1526 : vector<1x1024xi1>
      %jit3A_1528 = arith.constant 2147483647 : i32
      %broadcast_in_dim3A_1529 = vector.broadcast %jit3A_1528 : i32 to vector<1x1024xi32>
      %select_n3A_1530 = arith.select %and3A_1527, %add3A_1519, %broadcast_in_dim3A_1529 : vector<1x1024xi1>, vector<1x1024xi32>
      %reduce_min3A_1531 = arith.constant dense<2147483647> : vector<1xi32>
      %reduce_min3A_1532 = vector.multi_reduction <minsi>, %select_n3A_1530, %reduce_min3A_1531 [1] : vector<1x1024xi32> to vector<1xi32>
      %broadcast_in_dim3A_1533 = vector.shape_cast %reduce_min3A_1532 : vector<1xi32> to vector<1x1xi32>
      %lt3A_1534 = vector.broadcast %broadcast_in_dim3A_1501 : vector<1x1xf32> to vector<1x1024xf32>
      %lt3A_1535 = arith.cmpf olt, %get3A_1517, %lt3A_1534 : vector<1x1024xf32>
      %eq3A_1536 = vector.broadcast %broadcast_in_dim3A_1501 : vector<1x1xf32> to vector<1x1024xf32>
      %eq3A_1537 = arith.cmpf oeq, %get3A_1517, %eq3A_1536 : vector<1x1024xf32>
      %gt3A_1538 = vector.broadcast %broadcast_in_dim3A_1533 : vector<1x1xi32> to vector<1x1024xi32>
      %gt3A_1539 = arith.cmpi sgt, %add3A_1519, %gt3A_1538 : vector<1x1024xi32>
      %and3A_1540 = arith.andi %eq3A_1537, %gt3A_1539 : vector<1x1024xi1>
      %or3A_1541 = arith.ori %lt3A_1535, %and3A_1540 : vector<1x1024xi1>
      %jit3A_1542 = arith.constant -3.000000e+38 : f32
      %broadcast_in_dim3A_1543 = vector.broadcast %jit3A_1542 : f32 to vector<1x1024xf32>
      %select_n3A_1544 = arith.select %or3A_1541, %get3A_1517, %broadcast_in_dim3A_1543 : vector<1x1024xi1>, vector<1x1024xf32>
      %reduce_max3A_1545 = arith.constant dense<0xFF800000> : vector<1xf32>
      %reduce_max3A_1546 = vector.multi_reduction <maximumf>, %select_n3A_1544, %reduce_max3A_1545 [1] : vector<1x1024xf32> to vector<1xf32>
      %broadcast_in_dim3A_1547 = vector.shape_cast %reduce_max3A_1546 : vector<1xf32> to vector<1x1xf32>
      %eq3A_1548 = vector.broadcast %scan3A_1275 : i32 to vector<1x64xi32>
      %eq3A_1549 = arith.cmpi eq, %iota3A_1, %eq3A_1548 : vector<1x64xi32>
      %broadcast_in_dim3A_1550 = vector.shape_cast %broadcast_in_dim3A_1501 : vector<1x1xf32> to vector<1x1xf32>
      %broadcast_in_dim3A_1551 = vector.broadcast %broadcast_in_dim3A_1550 : vector<1x1xf32> to vector<1x64xf32>
      %select_n3A_1552 = arith.select %eq3A_1549, %broadcast_in_dim3A_1551, %scan3A_1279 : vector<1x64xi1>, vector<1x64xf32>
      %eq3A_1553 = vector.broadcast %scan3A_1275 : i32 to vector<1x64xi32>
      %eq3A_1554 = arith.cmpi eq, %iota3A_1, %eq3A_1553 : vector<1x64xi32>
      %broadcast_in_dim3A_1555 = vector.shape_cast %broadcast_in_dim3A_1533 : vector<1x1xi32> to vector<1x1xi32>
      %broadcast_in_dim3A_1556 = vector.broadcast %broadcast_in_dim3A_1555 : vector<1x1xi32> to vector<1x64xi32>
      %select_n3A_1557 = arith.select %eq3A_1554, %broadcast_in_dim3A_1556, %scan3A_1287 : vector<1x64xi1>, vector<1x64xi32>
      %eq3A_1558 = vector.broadcast %reduce_min3A_1511 : i32 to vector<1x128xi32>
      %eq3A_1559 = arith.cmpi eq, %iota3A_0, %eq3A_1558 : vector<1x128xi32>
      %broadcast_in_dim3A_1560 = vector.shape_cast %broadcast_in_dim3A_1547 : vector<1x1xf32> to vector<1x1xf32>
      %broadcast_in_dim3A_1561 = vector.broadcast %broadcast_in_dim3A_1560 : vector<1x1xf32> to vector<1x128xf32>
      %select_n3A_1562 = arith.select %eq3A_1559, %broadcast_in_dim3A_1561, %scan3A_1295 : vector<1x128xi1>, vector<1x128xf32>
      %reduce_max3A_1563 = arith.constant dense<0xFF800000> : vector<1xf32>
      %reduce_max3A_1564 = vector.multi_reduction <maximumf>, %scan3A_1296, %reduce_max3A_1563 [1] : vector<1x128xf32> to vector<1xf32>
      %broadcast_in_dim3A_1565 = vector.shape_cast %reduce_max3A_1564 : vector<1xf32> to vector<1x1xf32>
      %eq3A_1566 = vector.broadcast %broadcast_in_dim3A_1565 : vector<1x1xf32> to vector<1x128xf32>
      %eq3A_1567 = arith.cmpf oeq, %scan3A_1296, %eq3A_1566 : vector<1x128xf32>
      %jit3A_1568 = arith.constant 98 : i32
      %broadcast_in_dim3A_1569 = vector.broadcast %jit3A_1568 : i32 to vector<1x128xi32>
      %select_n3A_1570 = arith.select %eq3A_1567, %iota3A_0, %broadcast_in_dim3A_1569 : vector<1x128xi1>, vector<1x128xi32>
      %reduce_min3A_1571 = vector.shape_cast %select_n3A_1570 : vector<1x128xi32> to vector<1x1x128xi32>
      %reduce_min3A_1572 = arith.constant dense<2147483647> : vector<1xi32>
      %reduce_min3A_1573 = vector.multi_reduction <minsi>, %reduce_min3A_1571, %reduce_min3A_1572 [1, 2] : vector<1x1x128xi32> to vector<1xi32>
      %reduce_min3A_1574 = vector.shape_cast %reduce_min3A_1573 : vector<1xi32> to vector<1x1x1xi32>
      %reduce_min3A_1575 = vector.extract %reduce_min3A_1574[0, 0, 0] : i32 from vector<1x1x1xi32>
      %mul3A_1576 = arith.constant 1024 : i32
      %mul3A_1577 = arith.muli %reduce_min3A_1575, %mul3A_1576 : i32
      %multiple_of3A_1578 = tpu.assume_multiple %mul3A_1577, 1024 : i32
      %get3A_1579 = arith.constant 4 : index
      %get3A_1580 = arith.index_cast %multiple_of3A_1578 : i32 to index
      %get3A_1581 = vector.load %arg1[%get3A_1579, %get3A_1580] : memref<8x100352xf32, #tpu.memory_space<vmem>>, vector<1x1024xf32>
      %add3A_1582 = vector.broadcast %multiple_of3A_1578 : i32 to vector<1x1024xi32>
      %add3A_1583 = arith.addi %iota3A_2, %add3A_1582 : vector<1x1024xi32>
      %eq3A_1584 = vector.broadcast %broadcast_in_dim3A_1565 : vector<1x1xf32> to vector<1x1024xf32>
      %eq3A_1585 = arith.cmpf oeq, %get3A_1581, %eq3A_1584 : vector<1x1024xf32>
      %lt3A_1586 = arith.cmpf olt, %broadcast_in_dim3A_1565, %scan3A_1304 : vector<1x1xf32>
      %gt3A_1587 = vector.broadcast %scan3A_1312 : vector<1x1xi32> to vector<1x1024xi32>
      %gt3A_1588 = arith.cmpi sgt, %add3A_1583, %gt3A_1587 : vector<1x1024xi32>
      %or3A_1589 = vector.broadcast %lt3A_1586 : vector<1x1xi1> to vector<1x1024xi1>
      %or3A_1590 = arith.ori %or3A_1589, %gt3A_1588 : vector<1x1024xi1>
      %and3A_1591 = arith.andi %eq3A_1585, %or3A_1590 : vector<1x1024xi1>
      %jit3A_1592 = arith.constant 2147483647 : i32
      %broadcast_in_dim3A_1593 = vector.broadcast %jit3A_1592 : i32 to vector<1x1024xi32>
      %select_n3A_1594 = arith.select %and3A_1591, %add3A_1583, %broadcast_in_dim3A_1593 : vector<1x1024xi1>, vector<1x1024xi32>
      %reduce_min3A_1595 = arith.constant dense<2147483647> : vector<1xi32>
      %reduce_min3A_1596 = vector.multi_reduction <minsi>, %select_n3A_1594, %reduce_min3A_1595 [1] : vector<1x1024xi32> to vector<1xi32>
      %broadcast_in_dim3A_1597 = vector.shape_cast %reduce_min3A_1596 : vector<1xi32> to vector<1x1xi32>
      %lt3A_1598 = vector.broadcast %broadcast_in_dim3A_1565 : vector<1x1xf32> to vector<1x1024xf32>
      %lt3A_1599 = arith.cmpf olt, %get3A_1581, %lt3A_1598 : vector<1x1024xf32>
      %eq3A_1600 = vector.broadcast %broadcast_in_dim3A_1565 : vector<1x1xf32> to vector<1x1024xf32>
      %eq3A_1601 = arith.cmpf oeq, %get3A_1581, %eq3A_1600 : vector<1x1024xf32>
      %gt3A_1602 = vector.broadcast %broadcast_in_dim3A_1597 : vector<1x1xi32> to vector<1x1024xi32>
      %gt3A_1603 = arith.cmpi sgt, %add3A_1583, %gt3A_1602 : vector<1x1024xi32>
      %and3A_1604 = arith.andi %eq3A_1601, %gt3A_1603 : vector<1x1024xi1>
      %or3A_1605 = arith.ori %lt3A_1599, %and3A_1604 : vector<1x1024xi1>
      %jit3A_1606 = arith.constant -3.000000e+38 : f32
      %broadcast_in_dim3A_1607 = vector.broadcast %jit3A_1606 : f32 to vector<1x1024xf32>
      %select_n3A_1608 = arith.select %or3A_1605, %get3A_1581, %broadcast_in_dim3A_1607 : vector<1x1024xi1>, vector<1x1024xf32>
      %reduce_max3A_1609 = arith.constant dense<0xFF800000> : vector<1xf32>
      %reduce_max3A_1610 = vector.multi_reduction <maximumf>, %select_n3A_1608, %reduce_max3A_1609 [1] : vector<1x1024xf32> to vector<1xf32>
      %broadcast_in_dim3A_1611 = vector.shape_cast %reduce_max3A_1610 : vector<1xf32> to vector<1x1xf32>
      %eq3A_1612 = vector.broadcast %scan3A_1275 : i32 to vector<1x64xi32>
      %eq3A_1613 = arith.cmpi eq, %iota3A_1, %eq3A_1612 : vector<1x64xi32>
      %broadcast_in_dim3A_1614 = vector.shape_cast %broadcast_in_dim3A_1565 : vector<1x1xf32> to vector<1x1xf32>
      %broadcast_in_dim3A_1615 = vector.broadcast %broadcast_in_dim3A_1614 : vector<1x1xf32> to vector<1x64xf32>
      %select_n3A_1616 = arith.select %eq3A_1613, %broadcast_in_dim3A_1615, %scan3A_1280 : vector<1x64xi1>, vector<1x64xf32>
      %eq3A_1617 = vector.broadcast %scan3A_1275 : i32 to vector<1x64xi32>
      %eq3A_1618 = arith.cmpi eq, %iota3A_1, %eq3A_1617 : vector<1x64xi32>
      %broadcast_in_dim3A_1619 = vector.shape_cast %broadcast_in_dim3A_1597 : vector<1x1xi32> to vector<1x1xi32>
      %broadcast_in_dim3A_1620 = vector.broadcast %broadcast_in_dim3A_1619 : vector<1x1xi32> to vector<1x64xi32>
      %select_n3A_1621 = arith.select %eq3A_1618, %broadcast_in_dim3A_1620, %scan3A_1288 : vector<1x64xi1>, vector<1x64xi32>
      %eq3A_1622 = vector.broadcast %reduce_min3A_1575 : i32 to vector<1x128xi32>
      %eq3A_1623 = arith.cmpi eq, %iota3A_0, %eq3A_1622 : vector<1x128xi32>
      %broadcast_in_dim3A_1624 = vector.shape_cast %broadcast_in_dim3A_1611 : vector<1x1xf32> to vector<1x1xf32>
      %broadcast_in_dim3A_1625 = vector.broadcast %broadcast_in_dim3A_1624 : vector<1x1xf32> to vector<1x128xf32>
      %select_n3A_1626 = arith.select %eq3A_1623, %broadcast_in_dim3A_1625, %scan3A_1296 : vector<1x128xi1>, vector<1x128xf32>
      %reduce_max3A_1627 = arith.constant dense<0xFF800000> : vector<1xf32>
      %reduce_max3A_1628 = vector.multi_reduction <maximumf>, %scan3A_1297, %reduce_max3A_1627 [1] : vector<1x128xf32> to vector<1xf32>
      %broadcast_in_dim3A_1629 = vector.shape_cast %reduce_max3A_1628 : vector<1xf32> to vector<1x1xf32>
      %eq3A_1630 = vector.broadcast %broadcast_in_dim3A_1629 : vector<1x1xf32> to vector<1x128xf32>
      %eq3A_1631 = arith.cmpf oeq, %scan3A_1297, %eq3A_1630 : vector<1x128xf32>
      %jit3A_1632 = arith.constant 98 : i32
      %broadcast_in_dim3A_1633 = vector.broadcast %jit3A_1632 : i32 to vector<1x128xi32>
      %select_n3A_1634 = arith.select %eq3A_1631, %iota3A_0, %broadcast_in_dim3A_1633 : vector<1x128xi1>, vector<1x128xi32>
      %reduce_min3A_1635 = vector.shape_cast %select_n3A_1634 : vector<1x128xi32> to vector<1x1x128xi32>
      %reduce_min3A_1636 = arith.constant dense<2147483647> : vector<1xi32>
      %reduce_min3A_1637 = vector.multi_reduction <minsi>, %reduce_min3A_1635, %reduce_min3A_1636 [1, 2] : vector<1x1x128xi32> to vector<1xi32>
      %reduce_min3A_1638 = vector.shape_cast %reduce_min3A_1637 : vector<1xi32> to vector<1x1x1xi32>
      %reduce_min3A_1639 = vector.extract %reduce_min3A_1638[0, 0, 0] : i32 from vector<1x1x1xi32>
      %mul3A_1640 = arith.constant 1024 : i32
      %mul3A_1641 = arith.muli %reduce_min3A_1639, %mul3A_1640 : i32
      %multiple_of3A_1642 = tpu.assume_multiple %mul3A_1641, 1024 : i32
      %get3A_1643 = arith.constant 5 : index
      %get3A_1644 = arith.index_cast %multiple_of3A_1642 : i32 to index
      %get3A_1645 = vector.load %arg1[%get3A_1643, %get3A_1644] : memref<8x100352xf32, #tpu.memory_space<vmem>>, vector<1x1024xf32>
      %add3A_1646 = vector.broadcast %multiple_of3A_1642 : i32 to vector<1x1024xi32>
      %add3A_1647 = arith.addi %iota3A_2, %add3A_1646 : vector<1x1024xi32>
      %eq3A_1648 = vector.broadcast %broadcast_in_dim3A_1629 : vector<1x1xf32> to vector<1x1024xf32>
      %eq3A_1649 = arith.cmpf oeq, %get3A_1645, %eq3A_1648 : vector<1x1024xf32>
      %lt3A_1650 = arith.cmpf olt, %broadcast_in_dim3A_1629, %scan3A_1305 : vector<1x1xf32>
      %gt3A_1651 = vector.broadcast %scan3A_1313 : vector<1x1xi32> to vector<1x1024xi32>
      %gt3A_1652 = arith.cmpi sgt, %add3A_1647, %gt3A_1651 : vector<1x1024xi32>
      %or3A_1653 = vector.broadcast %lt3A_1650 : vector<1x1xi1> to vector<1x1024xi1>
      %or3A_1654 = arith.ori %or3A_1653, %gt3A_1652 : vector<1x1024xi1>
      %and3A_1655 = arith.andi %eq3A_1649, %or3A_1654 : vector<1x1024xi1>
      %jit3A_1656 = arith.constant 2147483647 : i32
      %broadcast_in_dim3A_1657 = vector.broadcast %jit3A_1656 : i32 to vector<1x1024xi32>
      %select_n3A_1658 = arith.select %and3A_1655, %add3A_1647, %broadcast_in_dim3A_1657 : vector<1x1024xi1>, vector<1x1024xi32>
      %reduce_min3A_1659 = arith.constant dense<2147483647> : vector<1xi32>
      %reduce_min3A_1660 = vector.multi_reduction <minsi>, %select_n3A_1658, %reduce_min3A_1659 [1] : vector<1x1024xi32> to vector<1xi32>
      %broadcast_in_dim3A_1661 = vector.shape_cast %reduce_min3A_1660 : vector<1xi32> to vector<1x1xi32>
      %lt3A_1662 = vector.broadcast %broadcast_in_dim3A_1629 : vector<1x1xf32> to vector<1x1024xf32>
      %lt3A_1663 = arith.cmpf olt, %get3A_1645, %lt3A_1662 : vector<1x1024xf32>
      %eq3A_1664 = vector.broadcast %broadcast_in_dim3A_1629 : vector<1x1xf32> to vector<1x1024xf32>
      %eq3A_1665 = arith.cmpf oeq, %get3A_1645, %eq3A_1664 : vector<1x1024xf32>
      %gt3A_1666 = vector.broadcast %broadcast_in_dim3A_1661 : vector<1x1xi32> to vector<1x1024xi32>
      %gt3A_1667 = arith.cmpi sgt, %add3A_1647, %gt3A_1666 : vector<1x1024xi32>
      %and3A_1668 = arith.andi %eq3A_1665, %gt3A_1667 : vector<1x1024xi1>
      %or3A_1669 = arith.ori %lt3A_1663, %and3A_1668 : vector<1x1024xi1>
      %jit3A_1670 = arith.constant -3.000000e+38 : f32
      %broadcast_in_dim3A_1671 = vector.broadcast %jit3A_1670 : f32 to vector<1x1024xf32>
      %select_n3A_1672 = arith.select %or3A_1669, %get3A_1645, %broadcast_in_dim3A_1671 : vector<1x1024xi1>, vector<1x1024xf32>
      %reduce_max3A_1673 = arith.constant dense<0xFF800000> : vector<1xf32>
      %reduce_max3A_1674 = vector.multi_reduction <maximumf>, %select_n3A_1672, %reduce_max3A_1673 [1] : vector<1x1024xf32> to vector<1xf32>
      %broadcast_in_dim3A_1675 = vector.shape_cast %reduce_max3A_1674 : vector<1xf32> to vector<1x1xf32>
      %eq3A_1676 = vector.broadcast %scan3A_1275 : i32 to vector<1x64xi32>
      %eq3A_1677 = arith.cmpi eq, %iota3A_1, %eq3A_1676 : vector<1x64xi32>
      %broadcast_in_dim3A_1678 = vector.shape_cast %broadcast_in_dim3A_1629 : vector<1x1xf32> to vector<1x1xf32>
      %broadcast_in_dim3A_1679 = vector.broadcast %broadcast_in_dim3A_1678 : vector<1x1xf32> to vector<1x64xf32>
      %select_n3A_1680 = arith.select %eq3A_1677, %broadcast_in_dim3A_1679, %scan3A_1281 : vector<1x64xi1>, vector<1x64xf32>
      %eq3A_1681 = vector.broadcast %scan3A_1275 : i32 to vector<1x64xi32>
      %eq3A_1682 = arith.cmpi eq, %iota3A_1, %eq3A_1681 : vector<1x64xi32>
      %broadcast_in_dim3A_1683 = vector.shape_cast %broadcast_in_dim3A_1661 : vector<1x1xi32> to vector<1x1xi32>
      %broadcast_in_dim3A_1684 = vector.broadcast %broadcast_in_dim3A_1683 : vector<1x1xi32> to vector<1x64xi32>
      %select_n3A_1685 = arith.select %eq3A_1682, %broadcast_in_dim3A_1684, %scan3A_1289 : vector<1x64xi1>, vector<1x64xi32>
      %eq3A_1686 = vector.broadcast %reduce_min3A_1639 : i32 to vector<1x128xi32>
      %eq3A_1687 = arith.cmpi eq, %iota3A_0, %eq3A_1686 : vector<1x128xi32>
      %broadcast_in_dim3A_1688 = vector.shape_cast %broadcast_in_dim3A_1675 : vector<1x1xf32> to vector<1x1xf32>
      %broadcast_in_dim3A_1689 = vector.broadcast %broadcast_in_dim3A_1688 : vector<1x1xf32> to vector<1x128xf32>
      %select_n3A_1690 = arith.select %eq3A_1687, %broadcast_in_dim3A_1689, %scan3A_1297 : vector<1x128xi1>, vector<1x128xf32>
      %reduce_max3A_1691 = arith.constant dense<0xFF800000> : vector<1xf32>
      %reduce_max3A_1692 = vector.multi_reduction <maximumf>, %scan3A_1298, %reduce_max3A_1691 [1] : vector<1x128xf32> to vector<1xf32>
      %broadcast_in_dim3A_1693 = vector.shape_cast %reduce_max3A_1692 : vector<1xf32> to vector<1x1xf32>
      %eq3A_1694 = vector.broadcast %broadcast_in_dim3A_1693 : vector<1x1xf32> to vector<1x128xf32>
      %eq3A_1695 = arith.cmpf oeq, %scan3A_1298, %eq3A_1694 : vector<1x128xf32>
      %jit3A_1696 = arith.constant 98 : i32
      %broadcast_in_dim3A_1697 = vector.broadcast %jit3A_1696 : i32 to vector<1x128xi32>
      %select_n3A_1698 = arith.select %eq3A_1695, %iota3A_0, %broadcast_in_dim3A_1697 : vector<1x128xi1>, vector<1x128xi32>
      %reduce_min3A_1699 = vector.shape_cast %select_n3A_1698 : vector<1x128xi32> to vector<1x1x128xi32>
      %reduce_min3A_1700 = arith.constant dense<2147483647> : vector<1xi32>
      %reduce_min3A_1701 = vector.multi_reduction <minsi>, %reduce_min3A_1699, %reduce_min3A_1700 [1, 2] : vector<1x1x128xi32> to vector<1xi32>
      %reduce_min3A_1702 = vector.shape_cast %reduce_min3A_1701 : vector<1xi32> to vector<1x1x1xi32>
      %reduce_min3A_1703 = vector.extract %reduce_min3A_1702[0, 0, 0] : i32 from vector<1x1x1xi32>
      %mul3A_1704 = arith.constant 1024 : i32
      %mul3A_1705 = arith.muli %reduce_min3A_1703, %mul3A_1704 : i32
      %multiple_of3A_1706 = tpu.assume_multiple %mul3A_1705, 1024 : i32
      %get3A_1707 = arith.constant 6 : index
      %get3A_1708 = arith.index_cast %multiple_of3A_1706 : i32 to index
      %get3A_1709 = vector.load %arg1[%get3A_1707, %get3A_1708] : memref<8x100352xf32, #tpu.memory_space<vmem>>, vector<1x1024xf32>
      %add3A_1710 = vector.broadcast %multiple_of3A_1706 : i32 to vector<1x1024xi32>
      %add3A_1711 = arith.addi %iota3A_2, %add3A_1710 : vector<1x1024xi32>
      %eq3A_1712 = vector.broadcast %broadcast_in_dim3A_1693 : vector<1x1xf32> to vector<1x1024xf32>
      %eq3A_1713 = arith.cmpf oeq, %get3A_1709, %eq3A_1712 : vector<1x1024xf32>
      %lt3A_1714 = arith.cmpf olt, %broadcast_in_dim3A_1693, %scan3A_1306 : vector<1x1xf32>
      %gt3A_1715 = vector.broadcast %scan3A_1314 : vector<1x1xi32> to vector<1x1024xi32>
      %gt3A_1716 = arith.cmpi sgt, %add3A_1711, %gt3A_1715 : vector<1x1024xi32>
      %or3A_1717 = vector.broadcast %lt3A_1714 : vector<1x1xi1> to vector<1x1024xi1>
      %or3A_1718 = arith.ori %or3A_1717, %gt3A_1716 : vector<1x1024xi1>
      %and3A_1719 = arith.andi %eq3A_1713, %or3A_1718 : vector<1x1024xi1>
      %jit3A_1720 = arith.constant 2147483647 : i32
      %broadcast_in_dim3A_1721 = vector.broadcast %jit3A_1720 : i32 to vector<1x1024xi32>
      %select_n3A_1722 = arith.select %and3A_1719, %add3A_1711, %broadcast_in_dim3A_1721 : vector<1x1024xi1>, vector<1x1024xi32>
      %reduce_min3A_1723 = arith.constant dense<2147483647> : vector<1xi32>
      %reduce_min3A_1724 = vector.multi_reduction <minsi>, %select_n3A_1722, %reduce_min3A_1723 [1] : vector<1x1024xi32> to vector<1xi32>
      %broadcast_in_dim3A_1725 = vector.shape_cast %reduce_min3A_1724 : vector<1xi32> to vector<1x1xi32>
      %lt3A_1726 = vector.broadcast %broadcast_in_dim3A_1693 : vector<1x1xf32> to vector<1x1024xf32>
      %lt3A_1727 = arith.cmpf olt, %get3A_1709, %lt3A_1726 : vector<1x1024xf32>
      %eq3A_1728 = vector.broadcast %broadcast_in_dim3A_1693 : vector<1x1xf32> to vector<1x1024xf32>
      %eq3A_1729 = arith.cmpf oeq, %get3A_1709, %eq3A_1728 : vector<1x1024xf32>
      %gt3A_1730 = vector.broadcast %broadcast_in_dim3A_1725 : vector<1x1xi32> to vector<1x1024xi32>
      %gt3A_1731 = arith.cmpi sgt, %add3A_1711, %gt3A_1730 : vector<1x1024xi32>
      %and3A_1732 = arith.andi %eq3A_1729, %gt3A_1731 : vector<1x1024xi1>
      %or3A_1733 = arith.ori %lt3A_1727, %and3A_1732 : vector<1x1024xi1>
      %jit3A_1734 = arith.constant -3.000000e+38 : f32
      %broadcast_in_dim3A_1735 = vector.broadcast %jit3A_1734 : f32 to vector<1x1024xf32>
      %select_n3A_1736 = arith.select %or3A_1733, %get3A_1709, %broadcast_in_dim3A_1735 : vector<1x1024xi1>, vector<1x1024xf32>
      %reduce_max3A_1737 = arith.constant dense<0xFF800000> : vector<1xf32>
      %reduce_max3A_1738 = vector.multi_reduction <maximumf>, %select_n3A_1736, %reduce_max3A_1737 [1] : vector<1x1024xf32> to vector<1xf32>
      %broadcast_in_dim3A_1739 = vector.shape_cast %reduce_max3A_1738 : vector<1xf32> to vector<1x1xf32>
      %eq3A_1740 = vector.broadcast %scan3A_1275 : i32 to vector<1x64xi32>
      %eq3A_1741 = arith.cmpi eq, %iota3A_1, %eq3A_1740 : vector<1x64xi32>
      %broadcast_in_dim3A_1742 = vector.shape_cast %broadcast_in_dim3A_1693 : vector<1x1xf32> to vector<1x1xf32>
      %broadcast_in_dim3A_1743 = vector.broadcast %broadcast_in_dim3A_1742 : vector<1x1xf32> to vector<1x64xf32>
      %select_n3A_1744 = arith.select %eq3A_1741, %broadcast_in_dim3A_1743, %scan3A_1282 : vector<1x64xi1>, vector<1x64xf32>
      %eq3A_1745 = vector.broadcast %scan3A_1275 : i32 to vector<1x64xi32>
      %eq3A_1746 = arith.cmpi eq, %iota3A_1, %eq3A_1745 : vector<1x64xi32>
      %broadcast_in_dim3A_1747 = vector.shape_cast %broadcast_in_dim3A_1725 : vector<1x1xi32> to vector<1x1xi32>
      %broadcast_in_dim3A_1748 = vector.broadcast %broadcast_in_dim3A_1747 : vector<1x1xi32> to vector<1x64xi32>
      %select_n3A_1749 = arith.select %eq3A_1746, %broadcast_in_dim3A_1748, %scan3A_1290 : vector<1x64xi1>, vector<1x64xi32>
      %eq3A_1750 = vector.broadcast %reduce_min3A_1703 : i32 to vector<1x128xi32>
      %eq3A_1751 = arith.cmpi eq, %iota3A_0, %eq3A_1750 : vector<1x128xi32>
      %broadcast_in_dim3A_1752 = vector.shape_cast %broadcast_in_dim3A_1739 : vector<1x1xf32> to vector<1x1xf32>
      %broadcast_in_dim3A_1753 = vector.broadcast %broadcast_in_dim3A_1752 : vector<1x1xf32> to vector<1x128xf32>
      %select_n3A_1754 = arith.select %eq3A_1751, %broadcast_in_dim3A_1753, %scan3A_1298 : vector<1x128xi1>, vector<1x128xf32>
      %reduce_max3A_1755 = arith.constant dense<0xFF800000> : vector<1xf32>
      %reduce_max3A_1756 = vector.multi_reduction <maximumf>, %scan3A_1299, %reduce_max3A_1755 [1] : vector<1x128xf32> to vector<1xf32>
      %broadcast_in_dim3A_1757 = vector.shape_cast %reduce_max3A_1756 : vector<1xf32> to vector<1x1xf32>
      %eq3A_1758 = vector.broadcast %broadcast_in_dim3A_1757 : vector<1x1xf32> to vector<1x128xf32>
      %eq3A_1759 = arith.cmpf oeq, %scan3A_1299, %eq3A_1758 : vector<1x128xf32>
      %jit3A_1760 = arith.constant 98 : i32
      %broadcast_in_dim3A_1761 = vector.broadcast %jit3A_1760 : i32 to vector<1x128xi32>
      %select_n3A_1762 = arith.select %eq3A_1759, %iota3A_0, %broadcast_in_dim3A_1761 : vector<1x128xi1>, vector<1x128xi32>
      %reduce_min3A_1763 = vector.shape_cast %select_n3A_1762 : vector<1x128xi32> to vector<1x1x128xi32>
      %reduce_min3A_1764 = arith.constant dense<2147483647> : vector<1xi32>
      %reduce_min3A_1765 = vector.multi_reduction <minsi>, %reduce_min3A_1763, %reduce_min3A_1764 [1, 2] : vector<1x1x128xi32> to vector<1xi32>
      %reduce_min3A_1766 = vector.shape_cast %reduce_min3A_1765 : vector<1xi32> to vector<1x1x1xi32>
      %reduce_min3A_1767 = vector.extract %reduce_min3A_1766[0, 0, 0] : i32 from vector<1x1x1xi32>
      %mul3A_1768 = arith.constant 1024 : i32
      %mul3A_1769 = arith.muli %reduce_min3A_1767, %mul3A_1768 : i32
      %multiple_of3A_1770 = tpu.assume_multiple %mul3A_1769, 1024 : i32
      %get3A_1771 = arith.constant 7 : index
      %get3A_1772 = arith.index_cast %multiple_of3A_1770 : i32 to index
      %get3A_1773 = vector.load %arg1[%get3A_1771, %get3A_1772] : memref<8x100352xf32, #tpu.memory_space<vmem>>, vector<1x1024xf32>
      %add3A_1774 = vector.broadcast %multiple_of3A_1770 : i32 to vector<1x1024xi32>
      %add3A_1775 = arith.addi %iota3A_2, %add3A_1774 : vector<1x1024xi32>
      %eq3A_1776 = vector.broadcast %broadcast_in_dim3A_1757 : vector<1x1xf32> to vector<1x1024xf32>
      %eq3A_1777 = arith.cmpf oeq, %get3A_1773, %eq3A_1776 : vector<1x1024xf32>
      %lt3A_1778 = arith.cmpf olt, %broadcast_in_dim3A_1757, %scan3A_1307 : vector<1x1xf32>
      %gt3A_1779 = vector.broadcast %scan3A_1315 : vector<1x1xi32> to vector<1x1024xi32>
      %gt3A_1780 = arith.cmpi sgt, %add3A_1775, %gt3A_1779 : vector<1x1024xi32>
      %or3A_1781 = vector.broadcast %lt3A_1778 : vector<1x1xi1> to vector<1x1024xi1>
      %or3A_1782 = arith.ori %or3A_1781, %gt3A_1780 : vector<1x1024xi1>
      %and3A_1783 = arith.andi %eq3A_1777, %or3A_1782 : vector<1x1024xi1>
      %jit3A_1784 = arith.constant 2147483647 : i32
      %broadcast_in_dim3A_1785 = vector.broadcast %jit3A_1784 : i32 to vector<1x1024xi32>
      %select_n3A_1786 = arith.select %and3A_1783, %add3A_1775, %broadcast_in_dim3A_1785 : vector<1x1024xi1>, vector<1x1024xi32>
      %reduce_min3A_1787 = arith.constant dense<2147483647> : vector<1xi32>
      %reduce_min3A_1788 = vector.multi_reduction <minsi>, %select_n3A_1786, %reduce_min3A_1787 [1] : vector<1x1024xi32> to vector<1xi32>
      %broadcast_in_dim3A_1789 = vector.shape_cast %reduce_min3A_1788 : vector<1xi32> to vector<1x1xi32>
      %lt3A_1790 = vector.broadcast %broadcast_in_dim3A_1757 : vector<1x1xf32> to vector<1x1024xf32>
      %lt3A_1791 = arith.cmpf olt, %get3A_1773, %lt3A_1790 : vector<1x1024xf32>
      %eq3A_1792 = vector.broadcast %broadcast_in_dim3A_1757 : vector<1x1xf32> to vector<1x1024xf32>
      %eq3A_1793 = arith.cmpf oeq, %get3A_1773, %eq3A_1792 : vector<1x1024xf32>
      %gt3A_1794 = vector.broadcast %broadcast_in_dim3A_1789 : vector<1x1xi32> to vector<1x1024xi32>
      %gt3A_1795 = arith.cmpi sgt, %add3A_1775, %gt3A_1794 : vector<1x1024xi32>
      %and3A_1796 = arith.andi %eq3A_1793, %gt3A_1795 : vector<1x1024xi1>
      %or3A_1797 = arith.ori %lt3A_1791, %and3A_1796 : vector<1x1024xi1>
      %jit3A_1798 = arith.constant -3.000000e+38 : f32
      %broadcast_in_dim3A_1799 = vector.broadcast %jit3A_1798 : f32 to vector<1x1024xf32>
      %select_n3A_1800 = arith.select %or3A_1797, %get3A_1773, %broadcast_in_dim3A_1799 : vector<1x1024xi1>, vector<1x1024xf32>
      %reduce_max3A_1801 = arith.constant dense<0xFF800000> : vector<1xf32>
      %reduce_max3A_1802 = vector.multi_reduction <maximumf>, %select_n3A_1800, %reduce_max3A_1801 [1] : vector<1x1024xf32> to vector<1xf32>
      %broadcast_in_dim3A_1803 = vector.shape_cast %reduce_max3A_1802 : vector<1xf32> to vector<1x1xf32>
      %eq3A_1804 = vector.broadcast %scan3A_1275 : i32 to vector<1x64xi32>
      %eq3A_1805 = arith.cmpi eq, %iota3A_1, %eq3A_1804 : vector<1x64xi32>
      %broadcast_in_dim3A_1806 = vector.shape_cast %broadcast_in_dim3A_1757 : vector<1x1xf32> to vector<1x1xf32>
      %broadcast_in_dim3A_1807 = vector.broadcast %broadcast_in_dim3A_1806 : vector<1x1xf32> to vector<1x64xf32>
      %select_n3A_1808 = arith.select %eq3A_1805, %broadcast_in_dim3A_1807, %scan3A_1283 : vector<1x64xi1>, vector<1x64xf32>
      %eq3A_1809 = vector.broadcast %scan3A_1275 : i32 to vector<1x64xi32>
      %eq3A_1810 = arith.cmpi eq, %iota3A_1, %eq3A_1809 : vector<1x64xi32>
      %broadcast_in_dim3A_1811 = vector.shape_cast %broadcast_in_dim3A_1789 : vector<1x1xi32> to vector<1x1xi32>
      %broadcast_in_dim3A_1812 = vector.broadcast %broadcast_in_dim3A_1811 : vector<1x1xi32> to vector<1x64xi32>
      %select_n3A_1813 = arith.select %eq3A_1810, %broadcast_in_dim3A_1812, %scan3A_1291 : vector<1x64xi1>, vector<1x64xi32>
      %eq3A_1814 = vector.broadcast %reduce_min3A_1767 : i32 to vector<1x128xi32>
      %eq3A_1815 = arith.cmpi eq, %iota3A_0, %eq3A_1814 : vector<1x128xi32>
      %broadcast_in_dim3A_1816 = vector.shape_cast %broadcast_in_dim3A_1803 : vector<1x1xf32> to vector<1x1xf32>
      %broadcast_in_dim3A_1817 = vector.broadcast %broadcast_in_dim3A_1816 : vector<1x1xf32> to vector<1x128xf32>
      %select_n3A_1818 = arith.select %eq3A_1815, %broadcast_in_dim3A_1817, %scan3A_1299 : vector<1x128xi1>, vector<1x128xf32>
      scf.yield %select_n3A_1360, %select_n3A_1424, %select_n3A_1488, %select_n3A_1552, %select_n3A_1616, %select_n3A_1680, %select_n3A_1744, %select_n3A_1808, %select_n3A_1365, %select_n3A_1429, %select_n3A_1493, %select_n3A_1557, %select_n3A_1621, %select_n3A_1685, %select_n3A_1749, %select_n3A_1813, %select_n3A_1370, %select_n3A_1434, %select_n3A_1498, %select_n3A_1562, %select_n3A_1626, %select_n3A_1690, %select_n3A_1754, %select_n3A_1818, %broadcast_in_dim3A_1318, %broadcast_in_dim3A_1373, %broadcast_in_dim3A_1437, %broadcast_in_dim3A_1501, %broadcast_in_dim3A_1565, %broadcast_in_dim3A_1629, %broadcast_in_dim3A_1693, %broadcast_in_dim3A_1757, %broadcast_in_dim3A_1341, %broadcast_in_dim3A_1405, %broadcast_in_dim3A_1469, %broadcast_in_dim3A_1533, %broadcast_in_dim3A_1597, %broadcast_in_dim3A_1661, %broadcast_in_dim3A_1725, %broadcast_in_dim3A_1789 : vector<1x64xf32>, vector<1x64xf32>, vector<1x64xf32>, vector<1x64xf32>, vector<1x64xf32>, vector<1x64xf32>, vector<1x64xf32>, vector<1x64xf32>, vector<1x64xi32>, vector<1x64xi32>, vector<1x64xi32>, vector<1x64xi32>, vector<1x64xi32>, vector<1x64xi32>, vector<1x64xi32>, vector<1x64xi32>, vector<1x128xf32>, vector<1x128xf32>, vector<1x128xf32>, vector<1x128xf32>, vector<1x128xf32>, vector<1x128xf32>, vector<1x128xf32>, vector<1x128xf32>, vector<1x1xf32>, vector<1x1xf32>, vector<1x1xf32>, vector<1x1xf32>, vector<1x1xf32>, vector<1x1xf32>, vector<1x1xf32>, vector<1x1xf32>, vector<1x1xi32>, vector<1x1xi32>, vector<1x1xi32>, vector<1x1xi32>, vector<1x1xi32>, vector<1x1xi32>, vector<1x1xi32>, vector<1x1xi32>
    }
    %scan3A_1266 = arith.constant 50 : i32
    %concatenate3A = tpu.concatenate %scan3A_1265#0, %scan3A_1265#1, %scan3A_1265#2, %scan3A_1265#3, %scan3A_1265#4, %scan3A_1265#5, %scan3A_1265#6, %scan3A_1265#7 in 0 : vector<1x64xf32>, vector<1x64xf32>, vector<1x64xf32>, vector<1x64xf32>, vector<1x64xf32>, vector<1x64xf32>, vector<1x64xf32>, vector<1x64xf32> -> vector<8x64xf32>
    %concatenate3A_1267 = tpu.concatenate %scan3A_1265#8, %scan3A_1265#9, %scan3A_1265#10, %scan3A_1265#11, %scan3A_1265#12, %scan3A_1265#13, %scan3A_1265#14, %scan3A_1265#15 in 0 : vector<1x64xi32>, vector<1x64xi32>, vector<1x64xi32>, vector<1x64xi32>, vector<1x64xi32>, vector<1x64xi32>, vector<1x64xi32>, vector<1x64xi32> -> vector<8x64xi32>
    %slice3A_1268 = vector.extract_strided_slice %concatenate3A {offsets = [0, 0], sizes = [8, 50], strides = [1, 1]} : vector<8x64xf32> to vector<8x50xf32>
    %swap3A = arith.constant 0 : index
    %swap3A_1269 = arith.constant 0 : index
    %swap3A_1270 = vector.load %arg2[%swap3A, %swap3A_1269] : memref<8x50xf32, #tpu.memory_space<vmem>>, vector<8x50xf32>
    tpu.vector_store %arg2[%swap3A, %swap3A_1269], %slice3A_1268 {strides = array<i32>} : memref<8x50xf32, #tpu.memory_space<vmem>>, vector<8x50xf32>,
    %slice3A_1271 = vector.extract_strided_slice %concatenate3A_1267 {offsets = [0, 0], sizes = [8, 50], strides = [1, 1]} : vector<8x64xi32> to vector<8x50xi32>
    %swap3A_1272 = arith.constant 0 : index
    %swap3A_1273 = arith.constant 0 : index
    %swap3A_1274 = vector.load %arg3[%swap3A_1272, %swap3A_1273] : memref<8x50xi32, #tpu.memory_space<vmem>>, vector<8x50xi32>
    tpu.vector_store %arg3[%swap3A_1272, %swap3A_1273], %slice3A_1271 {strides = array<i32>} : memref<8x50xi32, #tpu.memory_space<vmem>>, vector<8x50xi32>,
    return
  }
  func.func @transform_0(%arg0: i32) -> (i32, i32) {
    %c0_i32 = arith.constant 0 : i32
    %c0_i32_0 = arith.constant 0 : i32
    return %arg0, %c0_i32 : i32, i32
  }
  func.func @transform_1(%arg0: i32) -> (i32, i32) {
    %c0_i32 = arith.constant 0 : i32
    %c0_i32_0 = arith.constant 0 : i32
    return %arg0, %c0_i32 : i32, i32
  }
  func.func @transform_2(%arg0: i32) -> (i32, i32) {
    %c0_i32 = arith.constant 0 : i32
    %c0_i32_0 = arith.constant 0 : i32
    return %arg0, %c0_i32 : i32, i32
  }
}

</mosaic_0001>

<sc_bundles>
// kernel: kernel.4.cloned.1.call-start
scs
__scs_entry_jumppad:
0x0: {  	(pc) =	sbr.rel $0x88, $3  }
0x1: {  	(tag) =	ssettag $0x0;
	lr =	simm.s32 $0x1  }
0x2: {  	[smem:$0x3F9C] =	sst lr;
	_ =	strace $0xD0000000  }
0x3: {  	_ = 	snop  }
0x4: {  	_ = 	snop  }
0x5: {  	_ = 	snop  }
0x6: {  	_ = 	snop  }
0x7: {  	_ = 	snop  }
__scs_overlays_trampoline_lowered:
0x8: {  	[smem:$0x3FAB] =	sst s0  }
0x9: {  	[smem:$0x3FAC] =	sst s1  }
0xa: {  	[smem:$0x3FAD] =	sst s2  }
0xb: {  	[smem:$0x3FAE] =	sst s3  }
0xc: {  	[smem:$0x3FAF] =	sst s4  }
0xd: {  	[smem:$0x3FB0] =	sst s5  }
0xe: {  	[smem:$0x3FB1] =	sst s6  }
0xf: {  	[smem:$0x3FB2] =	sst s7  }
0x10: {  	[smem:$0x3FB3] =	sst s8  }
0x11: {  	[smem:$0x3FB4] =	sst s9;
	s0 =	simm.s32 @!p0 $0x0  }
0x12: {  	s1 =	sld [smem:$0x3F9A];
	s0 =	simm.s32 @p0 $0x1  }
0x13: {  	[smem:$0x3FB5] =	sst s0;
	s0 =	simm.s32 @!p1 $0x0  }
0x14: {  	s2 =	sld [smem:$0x3F99];
	s0 =	simm.s32 @p1 $0x1  }
0x15: {  	[smem:$0x3FB6] =	sst s0;
	s0 =	simm.s32 @!p2 $0x0  }
0x16: {  	s3 =	sld [smem:$0x3FDB];
	s0 =	simm.s32 @p2 $0x1  }
0x17: {  	s4 =	simm.s32 $0x1BF5;
	[smem:$0x3FB8] =	sst s0  }
0x18: {  	s0 =	sld [smem:$0x3F9B];
	_ =	swait.ge [sflag:s4], $0x0  }
0x19: {  	s7 =	sld [smem:$0x3F9C]  }
0x1a: {  	s8 =	sadd.s32 $0xFFFFE003, lr  }
0x1b: {  	s9 =	sadd.s32 $0xFFFFFEF7, lr;
	s5 =	simm.s32 $0xFFFFFFFF;
	p2 =	slt.u32 s8, $0xFFFFF086  }
0x1c: {  	p1 =	slt.u32 s9, $0xF7A;
	s5 =	simm.s32 @!p2 $0x0  }
0x1d: {  	s5 =	simm.s32 @p1 $0x1;
	p0 =	seq.s32 s7, s2  }
0x1e: {  	s7 =	smul.u32 @!p0 $0xF7A, s2;
	p2 =	seq.s32 @!p0 s5, $0x0  }
0x1f: {  	s9 =	smul.u32 $0xF7A, s1;
	s8 =	simm.s32 @!p0 $0x1BF5;
	p2 =	por !p2, p0  }
0x20: {  	[sflag:s8] =	ssyncset.s32 @!p0 $0xFFFFF086;
	s6 =	sadd.s32 @!p0 s3, s7;
	s7 =	simm.s32 @!p0 $0x108  }
0x21: {  	s3 =	sadd.s32 s3, s9;
	s6 =	sadd.s32 @!p0 $0x88, s6;
	s7 =	simm.s32 @p2 $0x1082  }
0x22: {  	[simem:s7], [sflag:s8] =	dma.local @!p0 [hbm:s6], $0xF7A  }
0x23: {  	s9 =	sor.u32 $0xD0000000, s2;
	s6 =	simm.s32 $0x108;
	_ =	swait.ge @!p0 [sflag:s8], $0x0  }
0x24: {  	s3 =	sadd.s32 $0x88, s3;
	s6 =	simm.s32 @!p1 $0x1082;
	[sflag:s4] =	ssyncset.s32 $0xFFFFF086  }
0x25: {  	[simem:s6], [sflag:s4] =	dma.local [hbm:s3], $0xF7A  }
0x26: {  	[smem:$0x3F9C] =	sst s1;
	(tag) =	ssettag s2;
	_ =	strace s9  }
0x27: {  	s1 =	sld [smem:$0x3FAC]  }
0x28: {  	s2 =	sld [smem:$0x3FAD]  }
0x29: {  	s4 =	sld [smem:$0x3FAF]  }
0x2a: {  	p0 =	seq.s32 s5, $0x0;
	s5 =	sld [smem:$0x3FB0]  }
0x2b: {  	s6 =	sld [smem:$0x3FB1]  }
0x2c: {  	s7 =	sld [smem:$0x3FB2]  }
0x2d: {  	s3 =	simm.s32 $0x108;
	s8 =	sld [smem:$0x3FB3]  }
0x2e: {  	s3 =	simm.s32 @!p0 $0x1082;
	s9 =	sld [smem:$0x3FB4]  }
0x2f: {  	lr =	sadd.s32 s0, s3;
	s0 =	sld [smem:$0x3FAB]  }
0x30: {  	s3 =	sld [smem:$0x3FAE]  }
0x31: {  	[smem:$0x3FB7] =	sst s10  }
0x32: {  	s10 =	sld [smem:$0x3FB5];
	_ =	sdelay $0x3  }
0x33: {  	p0 =	seq.s32 s10, $0x1;
	s10 =	sld [smem:$0x3FB7];
	_ =	sdelay $0x3  }
0x34: {  	[smem:$0x3FB7] =	sst s10  }
0x35: {  	s10 =	sld [smem:$0x3FB6];
	_ =	sdelay $0x3  }
0x36: {  	p1 =	seq.s32 s10, $0x1;
	s10 =	sld [smem:$0x3FB7];
	_ =	sdelay $0x3  }
0x37: {  	[smem:$0x3FB7] =	sst s10  }
0x38: {  	s10 =	sld [smem:$0x3FB8]  }
0x39: {  	_ = 	snop;
	(pc) =	sbr.ind lr, $3  }
0x3a: {  	_ = 	snop  }
0x3b: {  	_ = 	snop  }
0x3c: {  	p2 =	seq.s32 s10, $0x1;
	s10 =	sld [smem:$0x3FB7]  }
0x3d: {  	_ =	shalt  }
0x3e: {  	_ =	shalt  }
0x3f: {  	_ =	shalt  }
0x40: {  	_ =	shalt  }
0x41: {  	_ =	shalt  }
0x42: {  	_ =	shalt  }
0x43: {  	_ =	shalt  }
0x44: {  	_ =	shalt  }
0x45: {  	_ =	shalt  }
0x46: {  	_ =	shalt  }
0x47: {  	_ =	shalt  }
0x48: {  	_ =	shalt  }
0x49: {  	_ =	shalt  }
0x4a: {  	_ =	shalt  }
0x4b: {  	_ =	shalt  }
0x4c: {  	_ =	shalt  }
0x4d: {  	_ =	shalt  }
0x4e: {  	_ =	shalt  }
0x4f: {  	_ =	shalt  }
0x50: {  	_ =	shalt  }
0x51: {  	_ =	shalt  }
0x52: {  	_ =	shalt  }
0x53: {  	_ =	shalt  }
0x54: {  	_ =	shalt  }
0x55: {  	_ =	shalt  }
0x56: {  	_ =	shalt  }
0x57: {  	_ =	shalt  }
0x58: {  	_ =	shalt  }
0x59: {  	_ =	shalt  }
0x5a: {  	_ =	shalt  }
0x5b: {  	_ =	shalt  }
0x5c: {  	_ =	shalt  }
0x5d: {  	_ =	shalt  }
0x5e: {  	_ =	shalt  }
0x5f: {  	_ =	shalt  }
0x60: {  	_ =	shalt  }
0x61: {  	_ =	shalt  }
0x62: {  	_ =	shalt  }
0x63: {  	_ =	shalt  }
0x64: {  	_ =	shalt  }
0x65: {  	_ =	shalt  }
0x66: {  	_ =	shalt  }
0x67: {  	_ =	shalt  }
0x68: {  	_ =	shalt  }
0x69: {  	_ =	shalt  }
0x6a: {  	_ =	shalt  }
0x6b: {  	_ =	shalt  }
0x6c: {  	_ =	shalt  }
0x6d: {  	_ =	shalt  }
0x6e: {  	_ =	shalt  }
0x6f: {  	_ =	shalt  }
0x70: {  	_ =	shalt  }
0x71: {  	_ =	shalt  }
0x72: {  	_ =	shalt  }
0x73: {  	_ =	shalt  }
0x74: {  	_ =	shalt  }
0x75: {  	_ =	shalt  }
0x76: {  	_ =	shalt  }
0x77: {  	_ =	shalt  }
0x78: {  	_ =	shalt  }
0x79: {  	_ =	shalt  }
0x7a: {  	_ =	shalt  }
0x7b: {  	_ =	shalt  }
0x7c: {  	_ =	shalt  }
0x7d: {  	_ =	shalt  }
0x7e: {  	_ =	shalt  }
0x7f: {  	_ =	shalt  }
0x80: {  	_ =	shalt  }
0x81: {  	_ =	shalt  }
0x82: {  	_ =	shalt  }
0x83: {  	_ =	shalt  }
0x84: {  	_ =	shalt  }
0x85: {  	_ =	shalt  }
0x86: {  	_ =	shalt  }
0x87: {  	_ =	shalt  }
.Lfunc_end0:
.L_simem_size_0:
called_computation_lowered:
.L_overlay_start_0:
0x88: {  	s2 =	sld [smem:$0x3FD9]  }
0x89: {  	s3 =	sld [smem:$0x3FFE];
	_ =	sdelay $0x1  }
0x8a: {  	s1 =	srdreg.scid  }
0x8b: {  	s0 =	sand.u32 $0x1, s1  }
0x8c: {  	s14 =	sshll.u32 s0, $0xA;
	s2 =	sadd.s32 s3, s2  }
0x8d: {  	s2 =	sadd.s32 s2, s14  }
0x8e: {  	[smem:$0x3FC3] =	sst s2  }
0x8f: {  	_ = 	snop  }
0x90: {  	s2 =	sld [smem:$0x3FD0];
	_ =	sdelay $0x2  }
0x91: {  	s15 =	simm.s32 $0xA;
	s4 =	simm.s32 $0x10  }
0x92: {  	[smem:s4], [sflag:s15] =	dma.local [hbm:s2], $0x1  }
0x93: {  	_ =	swait.eq [sflag:s15], $0x1  }
0x94: {  	[sflag:s15] =	ssyncset.done $0x0  }
0x95: {  	s16 =	sld [smem:$0x10];
	[sflag:s15] =	ssyncadd.s32 $0xFFFFFFFF  }
0x96: {  	s17 =	sld [smem:$0x11];
	(tm) =	ssettm $0x1  }
0x97: {  	s18 =	sld [smem:$0x3FFB];
	_ =	sdelay $0x3  }
0x98: {  	_ =	strace s18  }
0x99: {  	s4 =	sld [smem:$0x3FFC];
	_ =	sdelay $0x3  }
0x9a: {  	_ =	strace s4  }
0x9b: {  	s4 =	sld [smem:$0x3FFD];
	_ =	sdelay $0x3  }
0x9c: {  	_ =	strace s4  }
0x9d: {  	_ =	strace $0x8FFFFFFF  }
0x9e: {  	s19 =	sld [smem:$0x3FDB];
	_ =	sdelay $0x1  }
0x9f: {  	s5 =	simm.s32 $_scs_section_size  }
0xa0: {  	s6 =	simm.s32 $_size__tile_overlayer_lowered;
	s7 =	simm.s32 $_tile_overlayer_lowered  }
0xa1: {  	s22 =	simm.s32 $0x1BFF;
	s21 =	sshll.u32 s7, $0x1;
	s4 =	sadd.s32 s5, s19  }
0xa2: {  	s8 =	simm.s32 $0x0;
	s20 =	sshll.u32 s6, $0x1;
	s6 =	sadd.s32 s21, s4  }
0xa3: {  	[timem:s8], [sflag:s22] =	dma.local [hbm:s6], s20  }
0xa4: {  	_ =	swait.ge [sflag:s22], s20  }
0xa5: {  	s5 =	ssub.s32 $0x0, s20;
	[sflag:s22] =	ssyncset.done $0x0  }
0xa6: {  	[sflag:s22] =	ssyncadd.s32 s5;
	_ =	sdelay $0x1  }
0xa7: {  	s23 =	simm.s32 $0x1B8B  }
0xa8: {  	_ =	swait.ge [sflag:s23], $0x1  }
0xa9: {  	[sflag:s23] =	ssyncset.done $0x0  }
0xaa: {  	s25 =	simm.s32 $0x1B8E;
	s24 =	sld [smem:$0x3FFE];
	[sflag:s23] =	ssyncadd.s32 $0xFFFFFFFF  }
0xab: {  	s26 =	simm.s32 $execute0_lowered;
	[smem:$0x3FD2] =	sst s25  }
0xac: {  	s6 =	sshll.u32 s26, $0x1;
	_ =	strace $0x80000046;
	[dreg:$0x1] =	wrdreg $0xFFFFFFFF  }
0xad: {  	s28 =	simm.s32 $_size_execute0_lowered;
	s4 =	sadd.s32 s4, s6;
	[dreg:$0x0] =	wrdreg $0x0  }
0xae: {  	s6 =	sshll.u32 s28, $0x1;
	[dreg:$0x2] =	wrdreg s4  }
0xaf: {  	[dreg:$0x3] =	wrdreg s6  }
0xb0: {  	[dreg:$0x4] =	wrdreg $0xC0  }
0xb1: {  	_ =	task [dreg:s8], $0x5FFFF  }
0xb2: {  	[dreg:$0x1] =	wrdreg $0xFFFFFFFF  }
0xb3: {  	[dreg:$0x0] =	wrdreg $0x60  }
0xb4: {  	[dreg:$0x2] =	wrdreg s24  }
0xb5: {  	[dreg:$0x3] =	wrdreg s16  }
0xb6: {  	[dreg:$0x4] =	wrdreg s17  }
0xb7: {  	[dreg:$0x5] =	wrdreg $0x9  }
0xb8: {  	_ =	task.clear_ibuf [dreg:s8], $0x6FFFF;
	_ =	strace $0x90000046  }
0xb9: {  	s29 =	simm.s32 $0x9;
	_ =	strace $0x80000048  }
0xba: {  	_ =	swait.ge [sflag:s29], $0x1  }
0xbb: {  	[sflag:s29] =	ssyncadd.s32 $0xFFFFFFFF  }
0xbc: {  	_ =	strace $0x90000048  }
0xbd: {  	_ =	sfence  }
0xbe: {  	s30 =	sld [smem:$0x0];
	_ =	sdelay $0x2  }
0xbf: {  	s31 =	sshll.u32 s1, $0xD;
	s1 =	sshrl.u32 s1, $0x2  }
0xc0: {  	s3 =	sand.u32 $0x4000, s31;
	s1 =	sadd.s32 s1, s30  }
0xc1: {  	s0 =	sor.u32 s3, s0;
	s1 =	sshll.u32 s1, $0x11  }
0xc2: {  	s0 =	sor.u32 s1, s0  }
0xc3: {  	s0 =	sadd.s32 $0x8F2B, s0  }
0xc4: {  	[sflag:s0] =	ssyncadd.remote.s32 $0x1  }
0xc5: {  	_ =	sfence.sel $0xFFFF  }
0xc6: {  	[dreg:$0x0] =	wrdreg $0xFFFFFFFF;
	(pc) =	sbr.abs _section_cstart, $3  }
0xc7: {  	[dreg:$0x1] =	wrdreg $0xFFFFFFFF  }
0xc8: {  	_ =	task.clear_ibuf [dreg:s8], $0x2FFFF;
	_ =	strace $0x9FFFFFFF  }
0xc9: {  	(tm) =	ssettm $0x7FFFFFFF  }
tec
execute0_lowered:
.L_overlay_start_1:
0x0: {  	(tag) =	ssettag $0x1  }
0x1: {  	s1 =	rddreg [dreg:$0x0]  }
0x2: {  	s2 =	rddreg [dreg:$0x1]  }
0x3: {  	s7 =	rddreg [dreg:$0x2]  }
0x4: {  	s0 =	rddreg [dreg:$0x3]  }
0x5: {  	s4 =	simm.s32 $0x0;
	s5 =	srdreg.scid;
	s3 =	stileid.u32  }
0x6: {  	s13 =	simm.s32 $0x200;
	s16 =	simm.s32 $0x1;
	[smem:$0x7FF] =	sst s4  }
0x7: {  	s5 =	sand.u32 $0x1, s5;
	s6 =	sshll.u32 s3, $0x1;
	s9 =	sadd.s32 $0xC4000, s1  }
0x8: {  	_ =	strace $0x80000047;
	s8 =	ssub.s32 $0x2, s5;
	s6 =	sor.u32 s5, s6  }
0x9: {  	s30 =	sshrl.u32 s8, $0x1;
	s10 =	sshll.u32 s6, $0x6;
	s31 =	sshllo.u32 s6, $0x1  }
0xa: {  	s14 =	smul.u32 $0x31000, s6;
	s12 =	sshll.u32 s6, $0x4;
	s8 =	ssub.s32 s8, s30  }
0xb: {  	s5 =	sadd.s32 s9, s10;
	s11 =	sshll.u32 s31, $0x5;
	s15 =	smul.u32 $0x18800, s31  }
0xc: {  	s7 =	sadd.s32 s7, s12;
	s10 =	simm.s32 $0x2;
	s12 =	simm.s32 $0x100  }
0xd: {  	s6 =	sadd.s32 s9, s11;
	s8 =	smax.u32 s8, $0x1;
	s9 =	simm.s32 $0x300  }
0xe: {  	s11 =	simm.s32 $0x80;
	v0 =	vmov s14;
	s14 =	simm.s32 $0x180;
	v1 =	vmov s15;
	s15 =	simm.s32 $0x280  }
.LBB2_1:
0xf: {  	[tilespmem:s9], [sflag:$0x2] =	stream.linear.gather [hbm4b:s2+s4], $0x80, $0x38;
	[tilespmem:$0x380] =	vst v63  }
0x10: {  	_ =	swait.ge [sflag:s10], $0x80  }
0x11: {  	[sflag:s10] =	ssyncset.done $0x0  }
0x12: {  	[sflag:s10] =	ssyncadd.s32 $0xFFFFFF80  }
0x13: {  	v2 =	vld [tilespmem:$0x300];
	[tilespmem:s4], [sflag:$0x2] =	stream.linear.gather [hbm4b:s5+s4], $0x100, $0x38  }
0x14: {  	_ =	swait.ge [sflag:s10], $0x100  }
0x15: {  	[sflag:s10] =	ssyncset.done $0x0  }
0x16: {  	[sflag:s10] =	ssyncadd.s32 $0xFFFFFF00  }
0x17: {  	v3 =	vld [tilespmem:$0x0]  }
0x18: {  	v4 =	vld [tilespmem:$0x10]  }
0x19: {  	v5 =	vld [tilespmem:$0x20]  }
0x1a: {  	v6 =	vld [tilespmem:$0x30]  }
0x1b: {  	v7 =	vld [tilespmem:$0x40]  }
0x1c: {  	v8 =	vld [tilespmem:$0x50];
	v3 =	vadd.s32 v0, v3  }
0x1d: {  	v38 =	vld [tilespmem:$0x60];
	[tilespmem:$0x100] =	vst v3;
	v3 =	vadd.s32 v0, v4  }
0x1e: {  	v39 =	vld [tilespmem:$0x70];
	[tilespmem:$0x110] =	vst v3;
	v3 =	vadd.s32 v0, v5  }
0x1f: {  	v40 =	vld [tilespmem:$0x80];
	[tilespmem:$0x120] =	vst v3;
	v3 =	vadd.s32 v0, v6  }
0x20: {  	v41 =	vld [tilespmem:$0x90];
	[tilespmem:$0x130] =	vst v3;
	v3 =	vadd.s32 v0, v7  }
0x21: {  	v42 =	vld [tilespmem:$0xA0];
	[tilespmem:$0x140] =	vst v3;
	v3 =	vadd.s32 v0, v8  }
0x22: {  	v43 =	vld [tilespmem:$0xB0];
	[tilespmem:$0x150] =	vst v3;
	v3 =	vadd.s32 v0, v38  }
0x23: {  	v44 =	vld [tilespmem:$0xC0];
	[tilespmem:$0x160] =	vst v3;
	v3 =	vadd.s32 v0, v39  }
0x24: {  	v45 =	vld [tilespmem:$0xD0];
	[tilespmem:$0x170] =	vst v3;
	v3 =	vadd.s32 v0, v40  }
0x25: {  	v46 =	vld [tilespmem:$0xE0];
	[tilespmem:$0x180] =	vst v3;
	v3 =	vadd.s32 v0, v41  }
0x26: {  	v47 =	vld [tilespmem:$0xF0];
	[tilespmem:$0x190] =	vst v3;
	v3 =	vadd.s32 v0, v42  }
0x27: {  	[tilespmem:$0x1A0] =	vst v3;
	v3 =	vadd.s32 v0, v43  }
0x28: {  	[tilespmem:$0x1B0] =	vst v3;
	v3 =	vadd.s32 v0, v44  }
0x29: {  	[tilespmem:$0x1C0] =	vst v3;
	v3 =	vadd.s32 v0, v45  }
0x2a: {  	[tilespmem:$0x1D0] =	vst v3;
	v3 =	vadd.s32 v0, v46  }
0x2b: {  	[tilespmem:$0x1E0] =	vst v3;
	v3 =	vadd.s32 v0, v47  }
0x2c: {  	[tilespmem:$0x1F0] =	vst v3  }
0x2d: {  	[tilespmem:s13], [sflag:$0x1] =	stream.indirect.gather [hbm4b:s1+s11], $0x1, s12, s11, $0xb8;
	[tilespmem:$0x380] =	vst v63  }
0x2e: {  	_ = 	snop  }
0x2f: {  	[tilespmem:s15], [sflag:$0x1] =	stream.indirect.gather [hbm4b:s1+s11], $0x1, s14, s11, $0xb8;
	[tilespmem:$0x380] =	vst v63  }
0x30: {  	_ =	swait.ge [sflag:s16], $0x80  }
0x31: {  	[sflag:s16] =	ssyncset.done $0x0  }
0x32: {  	[sflag:s16] =	ssyncadd.s32 $0xFFFFFF80  }
0x33: {  	_ =	swait.ge [sflag:s16], $0x80  }
0x34: {  	(erf) = vrcp.f32 v2;
	_ =	sdelay $0x1  }
0x35: {  	[sflag:s16] =	ssyncset.done $0x0  }
0x36: {  	[sflag:s16] =	ssyncadd.s32 $0xFFFFFF80  }
0x37: {  	v48 =	vld [tilespmem:$0x200]  }
0x38: {  	v49 =	vld [tilespmem:$0x210]  }
0x39: {  	v50 =	vld [tilespmem:$0x220]  }
0x3a: {  	v51 =	vld [tilespmem:$0x230]  }
0x3b: {  	v52 =	vld [tilespmem:$0x240]  }
0x3c: {  	v9 =	vld [tilespmem:$0x250];
	vm0 =	vlt.f32 v48, $0.0e+00;
	v3 =	vpop (erf)  }
0x3d: {  	v11 =	vld [tilespmem:$0x260];
	vm9 =	vlt.f32 v49, $0.0e+00;
	v10 =	vsel vm0, v2, v3  }
0x3e: {  	v12 =	vld [tilespmem:$0x270];
	vm10 =	vlt.f32 v50, $0.0e+00;
	v53 =	vsel vm9, v2, v3;
	v4 =	vmul.f32 v10, v48  }
0x3f: {  	v13 =	vld [tilespmem:$0x280];
	vm11 =	vlt.f32 v51, $0.0e+00;
	v54 =	vsel vm10, v2, v3;
	v5 =	vmul.f32 v53, v49  }
0x40: {  	v57 =	vld [tilespmem:$0x290];
	vm12 =	vlt.f32 v52, $0.0e+00;
	v56 =	vsel vm11, v2, v3;
	v55 =	vmul.f32 v54, v50;
	[tilespmem:$0x200] =	vst v4  }
0x41: {  	v60 =	vld [tilespmem:$0x2A0];
	vm13 =	vlt.f32 v9, $0.0e+00;
	v59 =	vsel vm12, v2, v3;
	v58 =	vmul.f32 v56, v51;
	[tilespmem:$0x210] =	vst v5  }
0x42: {  	v63 =	vld [tilespmem:$0x2B0];
	vm14 =	vlt.f32 v11, $0.0e+00;
	v62 =	vsel vm13, v2, v3;
	v61 =	vmul.f32 v59, v52;
	[tilespmem:$0x220] =	vst v55  }
0x43: {  	v18 =	vld [tilespmem:$0x2C0];
	vm15 =	vlt.f32 v12, $0.0e+00;
	v17 =	vsel vm14, v2, v3;
	v16 =	vmul.f32 v62, v9;
	[tilespmem:$0x230] =	vst v58  }
0x44: {  	v21 =	vld [tilespmem:$0x2D0];
	vm4 =	vlt.f32 v13, $0.0e+00;
	v20 =	vsel vm15, v2, v3;
	v19 =	vmul.f32 v17, v11;
	[tilespmem:$0x240] =	vst v61  }
0x45: {  	v24 =	vld [tilespmem:$0x2E0];
	vm5 =	vlt.f32 v57, $0.0e+00;
	v23 =	vsel vm4, v2, v3;
	v22 =	vmul.f32 v20, v12;
	[tilespmem:$0x250] =	vst v16  }
0x46: {  	v27 =	vld [tilespmem:$0x2F0];
	vm6 =	vlt.f32 v60, $0.0e+00;
	v26 =	vsel vm5, v2, v3;
	v25 =	vmul.f32 v23, v13;
	[tilespmem:$0x260] =	vst v19  }
0x47: {  	vm7 =	vlt.f32 v63, $0.0e+00;
	v29 =	vsel vm6, v2, v3;
	v28 =	vmul.f32 v26, v57;
	[tilespmem:$0x270] =	vst v22  }
0x48: {  	vm8 =	vlt.f32 v18, $0.0e+00;
	v31 =	vsel vm7, v2, v3;
	v30 =	vmul.f32 v29, v60;
	[tilespmem:$0x280] =	vst v25  }
0x49: {  	v33 =	vsel vm8, v2, v3;
	vm9 =	vlt.f32 v21, $0.0e+00;
	v32 =	vmul.f32 v31, v63;
	[tilespmem:$0x290] =	vst v28  }
0x4a: {  	vm10 =	vlt.f32 v24, $0.0e+00;
	v34 =	vmul.f32 v33, v18;
	v35 =	vsel vm9, v2, v3;
	[tilespmem:$0x2A0] =	vst v30  }
0x4b: {  	vm11 =	vlt.f32 v27, $0.0e+00;
	v37 =	vsel vm10, v2, v3;
	v36 =	vmul.f32 v35, v21;
	[tilespmem:$0x2B0] =	vst v32  }
0x4c: {  	v39 =	vsel vm11, v2, v3;
	v38 =	vmul.f32 v37, v24;
	[tilespmem:$0x2C0] =	vst v34  }
0x4d: {  	v40 =	vmul.f32 v39, v27;
	[tilespmem:$0x2D0] =	vst v36  }
0x4e: {  	[tilespmem:$0x2E0] =	vst v38  }
0x4f: {  	[tilespmem:$0x2F0] =	vst v40  }
0x50: {  	[hbm4b:s1+s11] =	stream.indirect.scatter [tilespmem:s13], [sflag:$0x1], $0x1, s12, s11, $0xb8;
	[tilespmem:$0x380] =	vst v63  }
0x51: {  	_ = 	snop  }
0x52: {  	[hbm4b:s1+s11] =	stream.indirect.scatter [tilespmem:s15], [sflag:$0x1], $0x1, s14, s11, $0xb8;
	[tilespmem:$0x380] =	vst v63  }
0x53: {  	_ =	swait.ge [sflag:s16], $0x80  }
0x54: {  	[sflag:s16] =	ssyncset.done $0x0  }
0x55: {  	[sflag:s16] =	ssyncadd.s32 $0xFFFFFF80  }
0x56: {  	_ =	swait.ge [sflag:s16], $0x80  }
0x57: {  	[sflag:s16] =	ssyncset.done $0x0  }
0x58: {  	[sflag:s16] =	ssyncadd.s32 $0xFFFFFF80  }
0x59: {  	[tilespmem:s4], [sflag:$0x2] =	stream.linear.gather [hbm4b:s6+s4], $0x100, $0x38;
	[tilespmem:$0x380] =	vst v63  }
0x5a: {  	_ =	swait.ge [sflag:s10], $0x100  }
0x5b: {  	[sflag:s10] =	ssyncset.done $0x0  }
0x5c: {  	[sflag:s10] =	ssyncadd.s32 $0xFFFFFF00  }
0x5d: {  	v41 =	vld [tilespmem:$0x0]  }
0x5e: {  	v42 =	vld [tilespmem:$0x10]  }
0x5f: {  	v43 =	vld [tilespmem:$0x20]  }
0x60: {  	v44 =	vld [tilespmem:$0x30]  }
0x61: {  	v45 =	vld [tilespmem:$0x40]  }
0x62: {  	v46 =	vld [tilespmem:$0x50];
	v4 =	vadd.s32 v1, v41  }
0x63: {  	v48 =	vld [tilespmem:$0x60];
	v47 =	vadd.s32 v1, v42;
	[tilespmem:$0x100] =	vst v4  }
0x64: {  	v50 =	vld [tilespmem:$0x70];
	v49 =	vadd.s32 v1, v43;
	[tilespmem:$0x110] =	vst v47  }
0x65: {  	v52 =	vld [tilespmem:$0x80];
	v51 =	vadd.s32 v1, v44;
	[tilespmem:$0x120] =	vst v49  }
0x66: {  	v54 =	vld [tilespmem:$0x90];
	v53 =	vadd.s32 v1, v45;
	[tilespmem:$0x130] =	vst v51  }
0x67: {  	v56 =	vld [tilespmem:$0xA0];
	v55 =	vadd.s32 v1, v46;
	[tilespmem:$0x140] =	vst v53  }
0x68: {  	v58 =	vld [tilespmem:$0xB0];
	v57 =	vadd.s32 v1, v48;
	[tilespmem:$0x150] =	vst v55  }
0x69: {  	v60 =	vld [tilespmem:$0xC0];
	v59 =	vadd.s32 v1, v50;
	[tilespmem:$0x160] =	vst v57  }
0x6a: {  	v62 =	vld [tilespmem:$0xD0];
	v61 =	vadd.s32 v1, v52;
	[tilespmem:$0x170] =	vst v59  }
0x6b: {  	v12 =	vld [tilespmem:$0xE0];
	v63 =	vadd.s32 v1, v54;
	[tilespmem:$0x180] =	vst v61  }
0x6c: {  	v14 =	vld [tilespmem:$0xF0];
	v13 =	vadd.s32 v1, v56;
	[tilespmem:$0x190] =	vst v63  }
0x6d: {  	v15 =	vadd.s32 v1, v58;
	[tilespmem:$0x1A0] =	vst v13  }
0x6e: {  	v16 =	vadd.s32 v1, v60;
	[tilespmem:$0x1B0] =	vst v15  }
0x6f: {  	v17 =	vadd.s32 v1, v62;
	[tilespmem:$0x1C0] =	vst v16  }
0x70: {  	v18 =	vadd.s32 v1, v12;
	[tilespmem:$0x1D0] =	vst v17  }
0x71: {  	v19 =	vadd.s32 v1, v14;
	[tilespmem:$0x1E0] =	vst v18  }
0x72: {  	[tilespmem:$0x1F0] =	vst v19  }
0x73: {  	[tilespmem:s13], [sflag:$0x1] =	stream.indirect.gather [hbm4b:s1+s11], $0x1, s12, s11, $0xb8;
	[tilespmem:$0x380] =	vst v63  }
0x74: {  	_ = 	snop  }
0x75: {  	[tilespmem:s15], [sflag:$0x1] =	stream.indirect.gather [hbm4b:s1+s11], $0x1, s14, s11, $0xb8;
	[tilespmem:$0x380] =	vst v63  }
0x76: {  	_ =	swait.ge [sflag:s16], $0x80  }
0x77: {  	[sflag:s16] =	ssyncset.done $0x0  }
0x78: {  	[sflag:s16] =	ssyncadd.s32 $0xFFFFFF80  }
0x79: {  	_ =	swait.ge [sflag:s16], $0x80  }
0x7a: {  	[sflag:s16] =	ssyncset.done $0x0  }
0x7b: {  	[sflag:s16] =	ssyncadd.s32 $0xFFFFFF80  }
0x7c: {  	v20 =	vld [tilespmem:$0x200]  }
0x7d: {  	v21 =	vld [tilespmem:$0x210]  }
0x7e: {  	v22 =	vld [tilespmem:$0x220]  }
0x7f: {  	v23 =	vld [tilespmem:$0x230]  }
0x80: {  	v24 =	vld [tilespmem:$0x240]  }
0x81: {  	v25 =	vld [tilespmem:$0x250];
	vm12 =	vlt.f32 v20, $0.0e+00  }
0x82: {  	v27 =	vld [tilespmem:$0x260];
	vm13 =	vlt.f32 v21, $0.0e+00;
	v26 =	vsel vm12, v2, v3  }
0x83: {  	v29 =	vld [tilespmem:$0x270];
	vm14 =	vlt.f32 v22, $0.0e+00;
	v28 =	vsel vm13, v2, v3;
	v4 =	vmul.f32 v26, v20  }
0x84: {  	v31 =	vld [tilespmem:$0x280];
	vm15 =	vlt.f32 v23, $0.0e+00;
	v30 =	vsel vm14, v2, v3;
	v5 =	vmul.f32 v28, v21  }
0x85: {  	v34 =	vld [tilespmem:$0x290];
	vm4 =	vlt.f32 v24, $0.0e+00;
	v33 =	vsel vm15, v2, v3;
	v32 =	vmul.f32 v30, v22;
	[tilespmem:$0x200] =	vst v4  }
0x86: {  	v37 =	vld [tilespmem:$0x2A0];
	vm5 =	vlt.f32 v25, $0.0e+00;
	v36 =	vsel vm4, v2, v3;
	v35 =	vmul.f32 v33, v23;
	[tilespmem:$0x210] =	vst v5  }
0x87: {  	v40 =	vld [tilespmem:$0x2B0];
	vm6 =	vlt.f32 v27, $0.0e+00;
	v39 =	vsel vm5, v2, v3;
	v38 =	vmul.f32 v36, v24;
	[tilespmem:$0x220] =	vst v32  }
0x88: {  	v43 =	vld [tilespmem:$0x2C0];
	vm7 =	vlt.f32 v29, $0.0e+00;
	v42 =	vsel vm6, v2, v3;
	v41 =	vmul.f32 v39, v25;
	[tilespmem:$0x230] =	vst v35  }
0x89: {  	v46 =	vld [tilespmem:$0x2D0];
	vm8 =	vlt.f32 v31, $0.0e+00;
	v45 =	vsel vm7, v2, v3;
	v44 =	vmul.f32 v42, v27;
	[tilespmem:$0x240] =	vst v38  }
0x8a: {  	v49 =	vld [tilespmem:$0x2E0];
	vm9 =	vlt.f32 v34, $0.0e+00;
	v48 =	vsel vm8, v2, v3;
	v47 =	vmul.f32 v45, v29;
	[tilespmem:$0x250] =	vst v41  }
0x8b: {  	v52 =	vld [tilespmem:$0x2F0];
	vm10 =	vlt.f32 v37, $0.0e+00;
	v51 =	vsel vm9, v2, v3;
	v50 =	vmul.f32 v48, v31;
	[tilespmem:$0x260] =	vst v44  }
0x8c: {  	vm11 =	vlt.f32 v40, $0.0e+00;
	v54 =	vsel vm10, v2, v3;
	v53 =	vmul.f32 v51, v34;
	[tilespmem:$0x270] =	vst v47  }
0x8d: {  	v56 =	vsel vm11, v2, v3;
	vm12 =	vlt.f32 v43, $0.0e+00;
	v55 =	vmul.f32 v54, v37;
	[tilespmem:$0x280] =	vst v50  }
0x8e: {  	vm13 =	vlt.f32 v46, $0.0e+00;
	v57 =	vmul.f32 v56, v40;
	v58 =	vsel vm12, v2, v3;
	[tilespmem:$0x290] =	vst v53  }
0x8f: {  	vm14 =	vlt.f32 v49, $0.0e+00;
	v60 =	vsel vm13, v2, v3;
	v59 =	vmul.f32 v58, v43;
	[tilespmem:$0x2A0] =	vst v55  }
0x90: {  	vm15 =	vlt.f32 v52, $0.0e+00;
	v62 =	vsel vm14, v2, v3;
	v61 =	vmul.f32 v60, v46;
	[tilespmem:$0x2B0] =	vst v57  }
0x91: {  	v2 =	vsel vm15, v2, v3;
	v63 =	vmul.f32 v62, v49;
	[tilespmem:$0x2C0] =	vst v59  }
0x92: {  	v2 =	vmul.f32 v2, v52;
	[tilespmem:$0x2D0] =	vst v61  }
0x93: {  	[tilespmem:$0x2E0] =	vst v63  }
0x94: {  	[tilespmem:$0x2F0] =	vst v2  }
0x95: {  	[hbm4b:s1+s11] =	stream.indirect.scatter [tilespmem:s13], [sflag:$0x1], $0x1, s12, s11, $0xb8;
	[tilespmem:$0x380] =	vst v63  }
0x96: {  	_ = 	snop  }
0x97: {  	[hbm4b:s1+s11] =	stream.indirect.scatter [tilespmem:s15], [sflag:$0x1], $0x1, s14, s11, $0xb8;
	[tilespmem:$0x380] =	vst v63  }
0x98: {  	_ =	swait.ge [sflag:s16], $0x80  }
0x99: {  	[sflag:s16] =	ssyncset.done $0x0  }
0x9a: {  	[sflag:s16] =	ssyncadd.s32 $0xFFFFFF80  }
0x9b: {  	_ =	swait.ge [sflag:s16], $0x80  }
0x9c: {  	p0 =	sne.s32 s8, $0x1;
	[sflag:s16] =	ssyncset.done $0x0  }
.Ltmp0:
0x9d: {  	[sflag:s16] =	ssyncadd.s32 $0xFFFFFF80;
	(pc) =	sbr.rel @p0 .LBB2_1-.Ltmp0, $4  }
0x9e: {  	[hbm4b:s7+s4] =	stream.linear.scatter [tilespmem:s9], [sflag:$0x2], $0x80, $0x38;
	[tilespmem:$0x380] =	vst v63  }
0x9f: {  	_ =	swait.ge [sflag:s10], $0x80  }
0xa0: {  	[sflag:s10] =	ssyncset.done $0x0  }
0xa1: {  	s8 =	sadd.s32 $0xFFFFFFFF, s8;
	[sflag:s10] =	ssyncadd.s32 $0xFFFFFF80  }
0xa2: {  	_ =	sfence.sel $0x180000  }
0xa3: {  	[bflag:$0x0] =	sbarrier.arrive $0xFFFF  }
0xa4: {  	p0 =	sne.s32 s3, $0x0;
	_ =	strace $0x90000047  }
0xa5: {  	s0 =	sadd.s32 @!p0 $0x100000, s0;
	[bflag:$0x2] =	sbarrier.arrive $0xFFFF  }
0xa6: {  	[sflag:s0] =	ssyncadd.tile.s32 @!p0 $0x1;
	_ =	shalt  }
.Lfunc_end2:
_tile_overlayer_lowered:
.L_overlay_start_2:
0xa7: {  	(tag) =	ssettag $0x2  }
0xa8: {  	s0 =	rddreg [dreg:$0x0];
	s2 =	stileid.u32  }
0xa9: {  	s1 =	rddreg [dreg:$0x1];
	p0 =	sne.s32 s2, $0x0  }
0xaa: {  	s3 =	rddreg [dreg:$0x2];
	[bflag:$0x3] =	sbarrier.arrive $0xFFFF;
	s2 =	simm.s32 @!p0 $0x1C02  }
0xab: {  	[timem:s3], [sflag:s2] =	dma.local @!p0 [hbm:s0], s1  }
0xac: {  	s0 =	simm.s32 @!p0 $0x2  }
0xad: {  	_ =	swait.ge @!p0 [sflag:s0], s1  }
0xae: {  	s1 =	ssub.s32 @!p0 $0x0, s1;
	[sflag:s0] =	ssyncset.done @!p0 $0x0  }
0xaf: {  	[sflag:s0] =	ssyncadd.s32 @!p0 s1  }
0xb0: {  	[bflag:$0x3] =	sbarrier.arrive $0xFFFF  }
0xb1: {  	_ =	shalt  }

</sc_bundles>
